<compile_context>
chip_gen: v7x
topology: tpu7x:2x2x1
jax: 0.10.2.dev20260603
libtpu: 0.0.44.dev20260713+nightly
codegen_flags: <defaults>
</compile_context>

<pallas_src>
import jax
import jax.numpy as jnp
from jax import lax
from jax.experimental import pallas as pl
from jax.experimental.pallas import tpu as pltpu
from jax.experimental.pallas import tpu_sc as plsc

NUM_CORES = 2
NUM_SUBCORES = 16
NW = NUM_CORES * NUM_SUBCORES

B_ROWS = 16384
SEQ = 50
FEATURES = 32
ROWS_PER_W = B_ROWS // NW
CH_ROWS = 16
NCHUNK = ROWS_PER_W // CH_ROWS
NBUF = 2


def _body(idx_hbm, table_hbm, out_hbm, idx_v, rows_v, idx_sem, gat_sem,
          out_sem):
    wid = lax.axis_index("s") * NUM_CORES + lax.axis_index("c")
    row0 = wid * ROWS_PER_W

    def start_idx(j, b):
        pltpu.make_async_copy(
            idx_hbm.at[pl.ds(row0 + j * CH_ROWS, CH_ROWS)],
            idx_v.at[b], idx_sem).start()

    def wait_idx(b):
        pltpu.make_async_copy(
            idx_hbm.at[pl.ds(row0, CH_ROWS)], idx_v.at[b], idx_sem).wait()

    def gather_fire(b):
        for r in range(CH_ROWS):
            pltpu.async_copy(table_hbm.at[idx_v.at[b, r]],
                             rows_v.at[b, r], gat_sem)

    def gather_wait(b):
        for r in range(CH_ROWS):
            pltpu.make_async_copy(table_hbm.at[idx_v.at[b, r]],
                                  rows_v.at[b, r], gat_sem).wait()

    def start_out(j, b):
        pltpu.make_async_copy(
            rows_v.at[b],
            out_hbm.at[pl.ds(row0 + j * CH_ROWS, CH_ROWS)],
            out_sem).start()

    def wait_out(b):
        pltpu.make_async_copy(
            rows_v.at[b], out_hbm.at[pl.ds(row0, CH_ROWS)], out_sem).wait()

    for b in range(NBUF):
        start_idx(b, b)
    wait_idx(0)
    gather_fire(0)

    def group(g, carry):
        for b in range(NBUF):
            j = NBUF * g + b
            nb = 1 - b

            @pl.when(j >= 1)
            def _(nb=nb):
                wait_out(nb)

            @pl.when(j + 1 < NCHUNK)
            def _(nb=nb):
                wait_idx(nb)
                gather_fire(nb)

            gather_wait(b)

            @pl.when(j + 2 < NCHUNK)
            def _(j=j, b=b):
                start_idx(j + 2, b)

            start_out(j, b)
        return carry

    lax.fori_loop(0, NCHUNK // NBUF, group, 0)

    wait_out((NCHUNK - 1) % NBUF)


@jax.jit
def _lookup(idx, embedding):
    mesh = plsc.VectorSubcoreMesh(core_axis_name="c", subcore_axis_name="s")
    run = pl.kernel(
        _body,
        out_type=jax.ShapeDtypeStruct((B_ROWS, SEQ, FEATURES), jnp.float32),
        mesh=mesh,
        scratch_types=[
            pltpu.VMEM((NBUF, CH_ROWS, SEQ), jnp.int32),
            pltpu.VMEM((NBUF, CH_ROWS, SEQ, FEATURES), jnp.float32),
            pltpu.SemaphoreType.DMA,
            pltpu.SemaphoreType.DMA,
            pltpu.SemaphoreType.DMA,
        ],
        compiler_params=pltpu.CompilerParams(use_tc_tiling_on_sc=False),
    )
    return run(idx, embedding)


def kernel(inputs, embedding):
    return _lookup(inputs.astype(jnp.int32), embedding)

# --- scband reference (transcript-rebuilt; emitter-appended) ---
"""Pipeline reference for scband-frozen-embed-52570399703708 (READ-ONLY COPY).

The authoritative reference and input builder live on the scoring server;
editing this copy changes nothing except your own understanding.
"""

import jax, jax.numpy as jnp
import numpy as np

NUM_EMBEDDINGS = 1000000
FEATURES = 32


def setup_inputs(seed: int = 0) -> dict:
    key = jax.random.key(seed)
    k_idx, k_emb = jax.random.split(key)
    inputs = jax.random.randint(k_idx, (16384, 50), 0, NUM_EMBEDDINGS, dtype=jnp.int64)
    # default_embed_init is variance_scaling(1.0, 'fan_in', 'normal', out_axis=0)
    # fan_in = FEATURES, so stddev = 1/sqrt(FEATURES)
    embedding = jax.random.normal(k_emb, (NUM_EMBEDDINGS, FEATURES), dtype=jnp.float32) / np.sqrt(FEATURES)
    return {"inputs": inputs, "embedding": embedding}


def reference(inputs, embedding):
    if not jnp.issubdtype(inputs.dtype, jnp.integer):
        raise ValueError('Input type must be an integer or unsigned integer.')
    # num_embeddings != 1, so standard gather
    return jnp.take(embedding, inputs, axis=0)

if __name__ == "__main__":
    import jax
    _d = setup_inputs()
    print(jax.jit(kernel)(*tuple(_d.values())))

</pallas_src>

<mosaic_0001>
#map = affine_map<(d0, d1) -> (0, 0)>
#map1 = affine_map<(d0, d1) -> (0, 0, 0)>
module attributes {stable_mosaic.version = 14 : i64} {
  func.func @_body(%arg0: i32, %arg1: i32, %arg2: memref<16384x50xi32, #tpu.memory_space<hbm>>, %arg3: memref<1000000x32xf32, #tpu.memory_space<hbm>>, %arg4: memref<16384x50x32xf32, #tpu.memory_space<hbm>>, %arg5: memref<2x16x50xi32, #tpu.memory_space<vmem>>, %arg6: memref<2x16x50x32xf32, #tpu.memory_space<vmem>>, %arg7: memref<!tpu.dma_semaphore, #tpu.memory_space<semaphore_mem>>, %arg8: memref<!tpu.dma_semaphore, #tpu.memory_space<semaphore_mem>>, %arg9: memref<!tpu.dma_semaphore, #tpu.memory_space<semaphore_mem>>) attributes {dimension_semantics = [#tpu.dimension_semantics<core_parallel>, #tpu.dimension_semantics<subcore_parallel>], iteration_bounds = array<i64: 2, 16>, scalar_prefetch = 0 : i64, scratch_operands = 5 : i64, tpu.core_type = #tpu.core_type<sc_vector_subcore>, window_params = [{transform_indices = #map}, {transform_indices = #map}, {transform_indices = #map1}]} {
    %mul3A = arith.constant 2 : i32
    %mul3A_0 = arith.muli %arg1, %mul3A : i32
    %add3A = arith.addi %mul3A_0, %arg0 : i32
    %mul3A_1 = arith.constant 512 : i32
    %mul3A_2 = arith.muli %add3A, %mul3A_1 : i32
    %add3A_3 = arith.constant 0 : i32
    %add3A_4 = arith.addi %mul3A_2, %add3A_3 : i32
    %dma_start3A = arith.constant 0 : i32
    %dma_start3A_5 = arith.constant 0 : i32
    %dma_start3A_6 = arith.constant 0 : i32
    %dma_start3A_7 = tpu.memref_slice %arg5[%dma_start3A, %dma_start3A_5, %dma_start3A_6] : memref<2x16x50xi32, #tpu.memory_space<vmem>> -> memref<1x16x50xi32, #tpu.memory_space<vmem>>
    %dma_start3A_8 = tpu.memref_squeeze %dma_start3A_7 : memref<1x16x50xi32, #tpu.memory_space<vmem>> -> memref<16x50xi32, #tpu.memory_space<vmem>>
    %dma_start3A_9 = arith.constant 0 : i32
    %dma_start3A_10 = tpu.memref_slice %arg2[%add3A_4, %dma_start3A_9] : memref<16384x50xi32, #tpu.memory_space<hbm>> -> memref<16x50xi32, #tpu.memory_space<hbm>>
    %dma_start3A_11 = arith.constant 0 : i32
    %dma_start3A_12 = arith.constant 0 : i32
    %dma_start3A_13 = tpu.memref_slice %arg5[%dma_start3A, %dma_start3A_11, %dma_start3A_12] : memref<2x16x50xi32, #tpu.memory_space<vmem>> -> memref<1x16x50xi32, #tpu.memory_space<vmem>>
    %dma_start3A_14 = tpu.memref_squeeze %dma_start3A_13 : memref<1x16x50xi32, #tpu.memory_space<vmem>> -> memref<16x50xi32, #tpu.memory_space<vmem>>
    %dma_start3A_15 = arith.constant 0 : i32
    %dma_start3A_16 = tpu.memref_slice %arg2[%add3A_4, %dma_start3A_15] : memref<16384x50xi32, #tpu.memory_space<hbm>> -> memref<16x50xi32, #tpu.memory_space<hbm>>
    tpu.enqueue_dma source(%dma_start3A_16 : memref<16x50xi32, #tpu.memory_space<hbm>>) target(%dma_start3A_14 : memref<16x50xi32, #tpu.memory_space<vmem>>) target_semaphore(%arg7 : memref<!tpu.dma_semaphore, #tpu.memory_space<semaphore_mem>>)
    %add3A_17 = arith.constant 16 : i32
    %add3A_18 = arith.addi %mul3A_2, %add3A_17 : i32
    %dma_start3A_19 = arith.constant 1 : i32
    %dma_start3A_20 = arith.constant 0 : i32
    %dma_start3A_21 = arith.constant 0 : i32
    %dma_start3A_22 = tpu.memref_slice %arg5[%dma_start3A_19, %dma_start3A_20, %dma_start3A_21] : memref<2x16x50xi32, #tpu.memory_space<vmem>> -> memref<1x16x50xi32, #tpu.memory_space<vmem>>
    %dma_start3A_23 = tpu.memref_squeeze %dma_start3A_22 : memref<1x16x50xi32, #tpu.memory_space<vmem>> -> memref<16x50xi32, #tpu.memory_space<vmem>>
    %dma_start3A_24 = arith.constant 0 : i32
    %dma_start3A_25 = tpu.memref_slice %arg2[%add3A_18, %dma_start3A_24] : memref<16384x50xi32, #tpu.memory_space<hbm>> -> memref<16x50xi32, #tpu.memory_space<hbm>>
    %dma_start3A_26 = arith.constant 0 : i32
    %dma_start3A_27 = arith.constant 0 : i32
    %dma_start3A_28 = tpu.memref_slice %arg5[%dma_start3A_19, %dma_start3A_26, %dma_start3A_27] : memref<2x16x50xi32, #tpu.memory_space<vmem>> -> memref<1x16x50xi32, #tpu.memory_space<vmem>>
    %dma_start3A_29 = tpu.memref_squeeze %dma_start3A_28 : memref<1x16x50xi32, #tpu.memory_space<vmem>> -> memref<16x50xi32, #tpu.memory_space<vmem>>
    %dma_start3A_30 = arith.constant 0 : i32
    %dma_start3A_31 = tpu.memref_slice %arg2[%add3A_18, %dma_start3A_30] : memref<16384x50xi32, #tpu.memory_space<hbm>> -> memref<16x50xi32, #tpu.memory_space<hbm>>
    tpu.enqueue_dma source(%dma_start3A_31 : memref<16x50xi32, #tpu.memory_space<hbm>>) target(%dma_start3A_29 : memref<16x50xi32, #tpu.memory_space<vmem>>) target_semaphore(%arg7 : memref<!tpu.dma_semaphore, #tpu.memory_space<semaphore_mem>>)
    %dma_wait3A = arith.constant 0 : i32
    %dma_wait3A_32 = arith.constant 0 : i32
    %dma_wait3A_33 = arith.constant 0 : i32
    %dma_wait3A_34 = tpu.memref_slice %arg5[%dma_wait3A, %dma_wait3A_32, %dma_wait3A_33] : memref<2x16x50xi32, #tpu.memory_space<vmem>> -> memref<1x16x50xi32, #tpu.memory_space<vmem>>
    %dma_wait3A_35 = tpu.memref_squeeze %dma_wait3A_34 : memref<1x16x50xi32, #tpu.memory_space<vmem>> -> memref<16x50xi32, #tpu.memory_space<vmem>>
    %dma_wait3A_36 = arith.constant 0 : i32
    %dma_wait3A_37 = tpu.memref_slice %arg2[%mul3A_2, %dma_wait3A_36] : memref<16384x50xi32, #tpu.memory_space<hbm>> -> memref<16x50xi32, #tpu.memory_space<hbm>>
    %dma_wait3A_38 = arith.constant 0 : i32
    %dma_wait3A_39 = arith.constant 0 : i32
    %dma_wait3A_40 = tpu.memref_slice %arg5[%dma_wait3A, %dma_wait3A_38, %dma_wait3A_39] : memref<2x16x50xi32, #tpu.memory_space<vmem>> -> memref<1x16x50xi32, #tpu.memory_space<vmem>>
    %dma_wait3A_41 = tpu.memref_squeeze %dma_wait3A_40 : memref<1x16x50xi32, #tpu.memory_space<vmem>> -> memref<16x50xi32, #tpu.memory_space<vmem>>
    %dma_wait3A_42 = arith.constant 0 : i32
    %dma_wait3A_43 = tpu.memref_slice %arg2[%mul3A_2, %dma_wait3A_42] : memref<16384x50xi32, #tpu.memory_space<hbm>> -> memref<16x50xi32, #tpu.memory_space<hbm>>
    tpu.wait_dma2 semaphore(%arg7 : memref<!tpu.dma_semaphore, #tpu.memory_space<semaphore_mem>>) src(%dma_wait3A_43 : memref<16x50xi32, #tpu.memory_space<hbm>>) dst(%dma_wait3A_41 : memref<16x50xi32, #tpu.memory_space<vmem>>)
    %dma_start3A_44 = arith.constant 0 : i32
    %dma_start3A_45 = arith.constant 0 : i32
    %dma_start3A_46 = arith.constant 0 : i32
    %dma_start3A_47 = arith.constant 0 : i32
    %dma_start3A_48 = arith.constant 0 : i32
    %dma_start3A_49 = arith.constant 0 : i32
    %dma_start3A_50 = tpu.memref_slice %arg6[%dma_start3A_46, %dma_start3A_47, %dma_start3A_48, %dma_start3A_49] : memref<2x16x50x32xf32, #tpu.memory_space<vmem>> -> memref<1x1x50x32xf32, #tpu.memory_space<vmem>>
    %dma_start3A_51 = tpu.memref_squeeze %dma_start3A_50 : memref<1x1x50x32xf32, #tpu.memory_space<vmem>> -> memref<50x32xf32, #tpu.memory_space<vmem>>
    %dma_start3A_52 = arith.constant 0 : i32
    %dma_start3A_53 = tpu.memref_slice %arg5[%dma_start3A_44, %dma_start3A_45, %dma_start3A_52] : memref<2x16x50xi32, #tpu.memory_space<vmem>> -> memref<1x1x50xi32, #tpu.memory_space<vmem>>
    %dma_start3A_54 = tpu.memref_squeeze %dma_start3A_53 : memref<1x1x50xi32, #tpu.memory_space<vmem>> -> memref<50xi32, #tpu.memory_space<vmem>>
    %dma_start3A_55 = arith.constant 0 : i32
    %dma_start3A_56 = arith.constant 0 : i32
    %dma_start3A_57 = tpu.memref_slice %arg3[%dma_start3A_55, %dma_start3A_56] : memref<1000000x32xf32, #tpu.memory_space<hbm>> -> memref<1000000x32xf32, #tpu.memory_space<hbm>>
    tpu.enqueue_indirect_dma source(%dma_start3A_57 : memref<1000000x32xf32, #tpu.memory_space<hbm>>) target(%dma_start3A_51 : memref<50x32xf32, #tpu.memory_space<vmem>>) offsets(%dma_start3A_54 : memref<50xi32, #tpu.memory_space<vmem>>) semaphore(%arg8 : memref<!tpu.dma_semaphore, #tpu.memory_space<semaphore_mem>>)
    %dma_start3A_58 = arith.constant 0 : i32
    %dma_start3A_59 = arith.constant 1 : i32
    %dma_start3A_60 = arith.constant 0 : i32
    %dma_start3A_61 = arith.constant 1 : i32
    %dma_start3A_62 = arith.constant 0 : i32
    %dma_start3A_63 = arith.constant 0 : i32
    %dma_start3A_64 = tpu.memref_slice %arg6[%dma_start3A_60, %dma_start3A_61, %dma_start3A_62, %dma_start3A_63] : memref<2x16x50x32xf32, #tpu.memory_space<vmem>> -> memref<1x1x50x32xf32, #tpu.memory_space<vmem>>
    %dma_start3A_65 = tpu.memref_squeeze %dma_start3A_64 : memref<1x1x50x32xf32, #tpu.memory_space<vmem>> -> memref<50x32xf32, #tpu.memory_space<vmem>>
    %dma_start3A_66 = arith.constant 0 : i32
    %dma_start3A_67 = tpu.memref_slice %arg5[%dma_start3A_58, %dma_start3A_59, %dma_start3A_66] : memref<2x16x50xi32, #tpu.memory_space<vmem>> -> memref<1x1x50xi32, #tpu.memory_space<vmem>>
    %dma_start3A_68 = tpu.memref_squeeze %dma_start3A_67 : memref<1x1x50xi32, #tpu.memory_space<vmem>> -> memref<50xi32, #tpu.memory_space<vmem>>
    %dma_start3A_69 = arith.constant 0 : i32
    %dma_start3A_70 = arith.constant 0 : i32
    %dma_start3A_71 = tpu.memref_slice %arg3[%dma_start3A_69, %dma_start3A_70] : memref<1000000x32xf32, #tpu.memory_space<hbm>> -> memref<1000000x32xf32, #tpu.memory_space<hbm>>
    tpu.enqueue_indirect_dma source(%dma_start3A_71 : memref<1000000x32xf32, #tpu.memory_space<hbm>>) target(%dma_start3A_65 : memref<50x32xf32, #tpu.memory_space<vmem>>) offsets(%dma_start3A_68 : memref<50xi32, #tpu.memory_space<vmem>>) semaphore(%arg8 : memref<!tpu.dma_semaphore, #tpu.memory_space<semaphore_mem>>)
    %dma_start3A_72 = arith.constant 0 : i32
    %dma_start3A_73 = arith.constant 2 : i32
    %dma_start3A_74 = arith.constant 0 : i32
    %dma_start3A_75 = arith.constant 2 : i32
    %dma_start3A_76 = arith.constant 0 : i32
    %dma_start3A_77 = arith.constant 0 : i32
    %dma_start3A_78 = tpu.memref_slice %arg6[%dma_start3A_74, %dma_start3A_75, %dma_start3A_76, %dma_start3A_77] : memref<2x16x50x32xf32, #tpu.memory_space<vmem>> -> memref<1x1x50x32xf32, #tpu.memory_space<vmem>>
    %dma_start3A_79 = tpu.memref_squeeze %dma_start3A_78 : memref<1x1x50x32xf32, #tpu.memory_space<vmem>> -> memref<50x32xf32, #tpu.memory_space<vmem>>
    %dma_start3A_80 = arith.constant 0 : i32
    %dma_start3A_81 = tpu.memref_slice %arg5[%dma_start3A_72, %dma_start3A_73, %dma_start3A_80] : memref<2x16x50xi32, #tpu.memory_space<vmem>> -> memref<1x1x50xi32, #tpu.memory_space<vmem>>
    %dma_start3A_82 = tpu.memref_squeeze %dma_start3A_81 : memref<1x1x50xi32, #tpu.memory_space<vmem>> -> memref<50xi32, #tpu.memory_space<vmem>>
    %dma_start3A_83 = arith.constant 0 : i32
    %dma_start3A_84 = arith.constant 0 : i32
    %dma_start3A_85 = tpu.memref_slice %arg3[%dma_start3A_83, %dma_start3A_84] : memref<1000000x32xf32, #tpu.memory_space<hbm>> -> memref<1000000x32xf32, #tpu.memory_space<hbm>>
    tpu.enqueue_indirect_dma source(%dma_start3A_85 : memref<1000000x32xf32, #tpu.memory_space<hbm>>) target(%dma_start3A_79 : memref<50x32xf32, #tpu.memory_space<vmem>>) offsets(%dma_start3A_82 : memref<50xi32, #tpu.memory_space<vmem>>) semaphore(%arg8 : memref<!tpu.dma_semaphore, #tpu.memory_space<semaphore_mem>>)
    %dma_start3A_86 = arith.constant 0 : i32
    %dma_start3A_87 = arith.constant 3 : i32
    %dma_start3A_88 = arith.constant 0 : i32
    %dma_start3A_89 = arith.constant 3 : i32
    %dma_start3A_90 = arith.constant 0 : i32
    %dma_start3A_91 = arith.constant 0 : i32
    %dma_start3A_92 = tpu.memref_slice %arg6[%dma_start3A_88, %dma_start3A_89, %dma_start3A_90, %dma_start3A_91] : memref<2x16x50x32xf32, #tpu.memory_space<vmem>> -> memref<1x1x50x32xf32, #tpu.memory_space<vmem>>
    %dma_start3A_93 = tpu.memref_squeeze %dma_start3A_92 : memref<1x1x50x32xf32, #tpu.memory_space<vmem>> -> memref<50x32xf32, #tpu.memory_space<vmem>>
    %dma_start3A_94 = arith.constant 0 : i32
    %dma_start3A_95 = tpu.memref_slice %arg5[%dma_start3A_86, %dma_start3A_87, %dma_start3A_94] : memref<2x16x50xi32, #tpu.memory_space<vmem>> -> memref<1x1x50xi32, #tpu.memory_space<vmem>>
    %dma_start3A_96 = tpu.memref_squeeze %dma_start3A_95 : memref<1x1x50xi32, #tpu.memory_space<vmem>> -> memref<50xi32, #tpu.memory_space<vmem>>
    %dma_start3A_97 = arith.constant 0 : i32
    %dma_start3A_98 = arith.constant 0 : i32
    %dma_start3A_99 = tpu.memref_slice %arg3[%dma_start3A_97, %dma_start3A_98] : memref<1000000x32xf32, #tpu.memory_space<hbm>> -> memref<1000000x32xf32, #tpu.memory_space<hbm>>
    tpu.enqueue_indirect_dma source(%dma_start3A_99 : memref<1000000x32xf32, #tpu.memory_space<hbm>>) target(%dma_start3A_93 : memref<50x32xf32, #tpu.memory_space<vmem>>) offsets(%dma_start3A_96 : memref<50xi32, #tpu.memory_space<vmem>>) semaphore(%arg8 : memref<!tpu.dma_semaphore, #tpu.memory_space<semaphore_mem>>)
    %dma_start3A_100 = arith.constant 0 : i32
    %dma_start3A_101 = arith.constant 4 : i32
    %dma_start3A_102 = arith.constant 0 : i32
    %dma_start3A_103 = arith.constant 4 : i32
    %dma_start3A_104 = arith.constant 0 : i32
    %dma_start3A_105 = arith.constant 0 : i32
    %dma_start3A_106 = tpu.memref_slice %arg6[%dma_start3A_102, %dma_start3A_103, %dma_start3A_104, %dma_start3A_105] : memref<2x16x50x32xf32, #tpu.memory_space<vmem>> -> memref<1x1x50x32xf32, #tpu.memory_space<vmem>>
    %dma_start3A_107 = tpu.memref_squeeze %dma_start3A_106 : memref<1x1x50x32xf32, #tpu.memory_space<vmem>> -> memref<50x32xf32, #tpu.memory_space<vmem>>
    %dma_start3A_108 = arith.constant 0 : i32
    %dma_start3A_109 = tpu.memref_slice %arg5[%dma_start3A_100, %dma_start3A_101, %dma_start3A_108] : memref<2x16x50xi32, #tpu.memory_space<vmem>> -> memref<1x1x50xi32, #tpu.memory_space<vmem>>
    %dma_start3A_110 = tpu.memref_squeeze %dma_start3A_109 : memref<1x1x50xi32, #tpu.memory_space<vmem>> -> memref<50xi32, #tpu.memory_space<vmem>>
    %dma_start3A_111 = arith.constant 0 : i32
    %dma_start3A_112 = arith.constant 0 : i32
    %dma_start3A_113 = tpu.memref_slice %arg3[%dma_start3A_111, %dma_start3A_112] : memref<1000000x32xf32, #tpu.memory_space<hbm>> -> memref<1000000x32xf32, #tpu.memory_space<hbm>>
    tpu.enqueue_indirect_dma source(%dma_start3A_113 : memref<1000000x32xf32, #tpu.memory_space<hbm>>) target(%dma_start3A_107 : memref<50x32xf32, #tpu.memory_space<vmem>>) offsets(%dma_start3A_110 : memref<50xi32, #tpu.memory_space<vmem>>) semaphore(%arg8 : memref<!tpu.dma_semaphore, #tpu.memory_space<semaphore_mem>>)
    %dma_start3A_114 = arith.constant 0 : i32
    %dma_start3A_115 = arith.constant 5 : i32
    %dma_start3A_116 = arith.constant 0 : i32
    %dma_start3A_117 = arith.constant 5 : i32
    %dma_start3A_118 = arith.constant 0 : i32
    %dma_start3A_119 = arith.constant 0 : i32
    %dma_start3A_120 = tpu.memref_slice %arg6[%dma_start3A_116, %dma_start3A_117, %dma_start3A_118, %dma_start3A_119] : memref<2x16x50x32xf32, #tpu.memory_space<vmem>> -> memref<1x1x50x32xf32, #tpu.memory_space<vmem>>
    %dma_start3A_121 = tpu.memref_squeeze %dma_start3A_120 : memref<1x1x50x32xf32, #tpu.memory_space<vmem>> -> memref<50x32xf32, #tpu.memory_space<vmem>>
    %dma_start3A_122 = arith.constant 0 : i32
    %dma_start3A_123 = tpu.memref_slice %arg5[%dma_start3A_114, %dma_start3A_115, %dma_start3A_122] : memref<2x16x50xi32, #tpu.memory_space<vmem>> -> memref<1x1x50xi32, #tpu.memory_space<vmem>>
    %dma_start3A_124 = tpu.memref_squeeze %dma_start3A_123 : memref<1x1x50xi32, #tpu.memory_space<vmem>> -> memref<50xi32, #tpu.memory_space<vmem>>
    %dma_start3A_125 = arith.constant 0 : i32
    %dma_start3A_126 = arith.constant 0 : i32
    %dma_start3A_127 = tpu.memref_slice %arg3[%dma_start3A_125, %dma_start3A_126] : memref<1000000x32xf32, #tpu.memory_space<hbm>> -> memref<1000000x32xf32, #tpu.memory_space<hbm>>
    tpu.enqueue_indirect_dma source(%dma_start3A_127 : memref<1000000x32xf32, #tpu.memory_space<hbm>>) target(%dma_start3A_121 : memref<50x32xf32, #tpu.memory_space<vmem>>) offsets(%dma_start3A_124 : memref<50xi32, #tpu.memory_space<vmem>>) semaphore(%arg8 : memref<!tpu.dma_semaphore, #tpu.memory_space<semaphore_mem>>)
    %dma_start3A_128 = arith.constant 0 : i32
    %dma_start3A_129 = arith.constant 6 : i32
    %dma_start3A_130 = arith.constant 0 : i32
    %dma_start3A_131 = arith.constant 6 : i32
    %dma_start3A_132 = arith.constant 0 : i32
    %dma_start3A_133 = arith.constant 0 : i32
    %dma_start3A_134 = tpu.memref_slice %arg6[%dma_start3A_130, %dma_start3A_131, %dma_start3A_132, %dma_start3A_133] : memref<2x16x50x32xf32, #tpu.memory_space<vmem>> -> memref<1x1x50x32xf32, #tpu.memory_space<vmem>>
    %dma_start3A_135 = tpu.memref_squeeze %dma_start3A_134 : memref<1x1x50x32xf32, #tpu.memory_space<vmem>> -> memref<50x32xf32, #tpu.memory_space<vmem>>
    %dma_start3A_136 = arith.constant 0 : i32
    %dma_start3A_137 = tpu.memref_slice %arg5[%dma_start3A_128, %dma_start3A_129, %dma_start3A_136] : memref<2x16x50xi32, #tpu.memory_space<vmem>> -> memref<1x1x50xi32, #tpu.memory_space<vmem>>
    %dma_start3A_138 = tpu.memref_squeeze %dma_start3A_137 : memref<1x1x50xi32, #tpu.memory_space<vmem>> -> memref<50xi32, #tpu.memory_space<vmem>>
    %dma_start3A_139 = arith.constant 0 : i32
    %dma_start3A_140 = arith.constant 0 : i32
    %dma_start3A_141 = tpu.memref_slice %arg3[%dma_start3A_139, %dma_start3A_140] : memref<1000000x32xf32, #tpu.memory_space<hbm>> -> memref<1000000x32xf32, #tpu.memory_space<hbm>>
    tpu.enqueue_indirect_dma source(%dma_start3A_141 : memref<1000000x32xf32, #tpu.memory_space<hbm>>) target(%dma_start3A_135 : memref<50x32xf32, #tpu.memory_space<vmem>>) offsets(%dma_start3A_138 : memref<50xi32, #tpu.memory_space<vmem>>) semaphore(%arg8 : memref<!tpu.dma_semaphore, #tpu.memory_space<semaphore_mem>>)
    %dma_start3A_142 = arith.constant 0 : i32
    %dma_start3A_143 = arith.constant 7 : i32
    %dma_start3A_144 = arith.constant 0 : i32
    %dma_start3A_145 = arith.constant 7 : i32
    %dma_start3A_146 = arith.constant 0 : i32
    %dma_start3A_147 = arith.constant 0 : i32
    %dma_start3A_148 = tpu.memref_slice %arg6[%dma_start3A_144, %dma_start3A_145, %dma_start3A_146, %dma_start3A_147] : memref<2x16x50x32xf32, #tpu.memory_space<vmem>> -> memref<1x1x50x32xf32, #tpu.memory_space<vmem>>
    %dma_start3A_149 = tpu.memref_squeeze %dma_start3A_148 : memref<1x1x50x32xf32, #tpu.memory_space<vmem>> -> memref<50x32xf32, #tpu.memory_space<vmem>>
    %dma_start3A_150 = arith.constant 0 : i32
    %dma_start3A_151 = tpu.memref_slice %arg5[%dma_start3A_142, %dma_start3A_143, %dma_start3A_150] : memref<2x16x50xi32, #tpu.memory_space<vmem>> -> memref<1x1x50xi32, #tpu.memory_space<vmem>>
    %dma_start3A_152 = tpu.memref_squeeze %dma_start3A_151 : memref<1x1x50xi32, #tpu.memory_space<vmem>> -> memref<50xi32, #tpu.memory_space<vmem>>
    %dma_start3A_153 = arith.constant 0 : i32
    %dma_start3A_154 = arith.constant 0 : i32
    %dma_start3A_155 = tpu.memref_slice %arg3[%dma_start3A_153, %dma_start3A_154] : memref<1000000x32xf32, #tpu.memory_space<hbm>> -> memref<1000000x32xf32, #tpu.memory_space<hbm>>
    tpu.enqueue_indirect_dma source(%dma_start3A_155 : memref<1000000x32xf32, #tpu.memory_space<hbm>>) target(%dma_start3A_149 : memref<50x32xf32, #tpu.memory_space<vmem>>) offsets(%dma_start3A_152 : memref<50xi32, #tpu.memory_space<vmem>>) semaphore(%arg8 : memref<!tpu.dma_semaphore, #tpu.memory_space<semaphore_mem>>)
    %dma_start3A_156 = arith.constant 0 : i32
    %dma_start3A_157 = arith.constant 8 : i32
    %dma_start3A_158 = arith.constant 0 : i32
    %dma_start3A_159 = arith.constant 8 : i32
    %dma_start3A_160 = arith.constant 0 : i32
    %dma_start3A_161 = arith.constant 0 : i32
    %dma_start3A_162 = tpu.memref_slice %arg6[%dma_start3A_158, %dma_start3A_159, %dma_start3A_160, %dma_start3A_161] : memref<2x16x50x32xf32, #tpu.memory_space<vmem>> -> memref<1x1x50x32xf32, #tpu.memory_space<vmem>>
    %dma_start3A_163 = tpu.memref_squeeze %dma_start3A_162 : memref<1x1x50x32xf32, #tpu.memory_space<vmem>> -> memref<50x32xf32, #tpu.memory_space<vmem>>
    %dma_start3A_164 = arith.constant 0 : i32
    %dma_start3A_165 = tpu.memref_slice %arg5[%dma_start3A_156, %dma_start3A_157, %dma_start3A_164] : memref<2x16x50xi32, #tpu.memory_space<vmem>> -> memref<1x1x50xi32, #tpu.memory_space<vmem>>
    %dma_start3A_166 = tpu.memref_squeeze %dma_start3A_165 : memref<1x1x50xi32, #tpu.memory_space<vmem>> -> memref<50xi32, #tpu.memory_space<vmem>>
    %dma_start3A_167 = arith.constant 0 : i32
    %dma_start3A_168 = arith.constant 0 : i32
    %dma_start3A_169 = tpu.memref_slice %arg3[%dma_start3A_167, %dma_start3A_168] : memref<1000000x32xf32, #tpu.memory_space<hbm>> -> memref<1000000x32xf32, #tpu.memory_space<hbm>>
    tpu.enqueue_indirect_dma source(%dma_start3A_169 : memref<1000000x32xf32, #tpu.memory_space<hbm>>) target(%dma_start3A_163 : memref<50x32xf32, #tpu.memory_space<vmem>>) offsets(%dma_start3A_166 : memref<50xi32, #tpu.memory_space<vmem>>) semaphore(%arg8 : memref<!tpu.dma_semaphore, #tpu.memory_space<semaphore_mem>>)
    %dma_start3A_170 = arith.constant 0 : i32
    %dma_start3A_171 = arith.constant 9 : i32
    %dma_start3A_172 = arith.constant 0 : i32
    %dma_start3A_173 = arith.constant 9 : i32
    %dma_start3A_174 = arith.constant 0 : i32
    %dma_start3A_175 = arith.constant 0 : i32
    %dma_start3A_176 = tpu.memref_slice %arg6[%dma_start3A_172, %dma_start3A_173, %dma_start3A_174, %dma_start3A_175] : memref<2x16x50x32xf32, #tpu.memory_space<vmem>> -> memref<1x1x50x32xf32, #tpu.memory_space<vmem>>
    %dma_start3A_177 = tpu.memref_squeeze %dma_start3A_176 : memref<1x1x50x32xf32, #tpu.memory_space<vmem>> -> memref<50x32xf32, #tpu.memory_space<vmem>>
    %dma_start3A_178 = arith.constant 0 : i32
    %dma_start3A_179 = tpu.memref_slice %arg5[%dma_start3A_170, %dma_start3A_171, %dma_start3A_178] : memref<2x16x50xi32, #tpu.memory_space<vmem>> -> memref<1x1x50xi32, #tpu.memory_space<vmem>>
    %dma_start3A_180 = tpu.memref_squeeze %dma_start3A_179 : memref<1x1x50xi32, #tpu.memory_space<vmem>> -> memref<50xi32, #tpu.memory_space<vmem>>
    %dma_start3A_181 = arith.constant 0 : i32
    %dma_start3A_182 = arith.constant 0 : i32
    %dma_start3A_183 = tpu.memref_slice %arg3[%dma_start3A_181, %dma_start3A_182] : memref<1000000x32xf32, #tpu.memory_space<hbm>> -> memref<1000000x32xf32, #tpu.memory_space<hbm>>
    tpu.enqueue_indirect_dma source(%dma_start3A_183 : memref<1000000x32xf32, #tpu.memory_space<hbm>>) target(%dma_start3A_177 : memref<50x32xf32, #tpu.memory_space<vmem>>) offsets(%dma_start3A_180 : memref<50xi32, #tpu.memory_space<vmem>>) semaphore(%arg8 : memref<!tpu.dma_semaphore, #tpu.memory_space<semaphore_mem>>)
    %dma_start3A_184 = arith.constant 0 : i32
    %dma_start3A_185 = arith.constant 10 : i32
    %dma_start3A_186 = arith.constant 0 : i32
    %dma_start3A_187 = arith.constant 10 : i32
    %dma_start3A_188 = arith.constant 0 : i32
    %dma_start3A_189 = arith.constant 0 : i32
    %dma_start3A_190 = tpu.memref_slice %arg6[%dma_start3A_186, %dma_start3A_187, %dma_start3A_188, %dma_start3A_189] : memref<2x16x50x32xf32, #tpu.memory_space<vmem>> -> memref<1x1x50x32xf32, #tpu.memory_space<vmem>>
    %dma_start3A_191 = tpu.memref_squeeze %dma_start3A_190 : memref<1x1x50x32xf32, #tpu.memory_space<vmem>> -> memref<50x32xf32, #tpu.memory_space<vmem>>
    %dma_start3A_192 = arith.constant 0 : i32
    %dma_start3A_193 = tpu.memref_slice %arg5[%dma_start3A_184, %dma_start3A_185, %dma_start3A_192] : memref<2x16x50xi32, #tpu.memory_space<vmem>> -> memref<1x1x50xi32, #tpu.memory_space<vmem>>
    %dma_start3A_194 = tpu.memref_squeeze %dma_start3A_193 : memref<1x1x50xi32, #tpu.memory_space<vmem>> -> memref<50xi32, #tpu.memory_space<vmem>>
    %dma_start3A_195 = arith.constant 0 : i32
    %dma_start3A_196 = arith.constant 0 : i32
    %dma_start3A_197 = tpu.memref_slice %arg3[%dma_start3A_195, %dma_start3A_196] : memref<1000000x32xf32, #tpu.memory_space<hbm>> -> memref<1000000x32xf32, #tpu.memory_space<hbm>>
    tpu.enqueue_indirect_dma source(%dma_start3A_197 : memref<1000000x32xf32, #tpu.memory_space<hbm>>) target(%dma_start3A_191 : memref<50x32xf32, #tpu.memory_space<vmem>>) offsets(%dma_start3A_194 : memref<50xi32, #tpu.memory_space<vmem>>) semaphore(%arg8 : memref<!tpu.dma_semaphore, #tpu.memory_space<semaphore_mem>>)
    %dma_start3A_198 = arith.constant 0 : i32
    %dma_start3A_199 = arith.constant 11 : i32
    %dma_start3A_200 = arith.constant 0 : i32
    %dma_start3A_201 = arith.constant 11 : i32
    %dma_start3A_202 = arith.constant 0 : i32
    %dma_start3A_203 = arith.constant 0 : i32
    %dma_start3A_204 = tpu.memref_slice %arg6[%dma_start3A_200, %dma_start3A_201, %dma_start3A_202, %dma_start3A_203] : memref<2x16x50x32xf32, #tpu.memory_space<vmem>> -> memref<1x1x50x32xf32, #tpu.memory_space<vmem>>
    %dma_start3A_205 = tpu.memref_squeeze %dma_start3A_204 : memref<1x1x50x32xf32, #tpu.memory_space<vmem>> -> memref<50x32xf32, #tpu.memory_space<vmem>>
    %dma_start3A_206 = arith.constant 0 : i32
    %dma_start3A_207 = tpu.memref_slice %arg5[%dma_start3A_198, %dma_start3A_199, %dma_start3A_206] : memref<2x16x50xi32, #tpu.memory_space<vmem>> -> memref<1x1x50xi32, #tpu.memory_space<vmem>>
    %dma_start3A_208 = tpu.memref_squeeze %dma_start3A_207 : memref<1x1x50xi32, #tpu.memory_space<vmem>> -> memref<50xi32, #tpu.memory_space<vmem>>
    %dma_start3A_209 = arith.constant 0 : i32
    %dma_start3A_210 = arith.constant 0 : i32
    %dma_start3A_211 = tpu.memref_slice %arg3[%dma_start3A_209, %dma_start3A_210] : memref<1000000x32xf32, #tpu.memory_space<hbm>> -> memref<1000000x32xf32, #tpu.memory_space<hbm>>
    tpu.enqueue_indirect_dma source(%dma_start3A_211 : memref<1000000x32xf32, #tpu.memory_space<hbm>>) target(%dma_start3A_205 : memref<50x32xf32, #tpu.memory_space<vmem>>) offsets(%dma_start3A_208 : memref<50xi32, #tpu.memory_space<vmem>>) semaphore(%arg8 : memref<!tpu.dma_semaphore, #tpu.memory_space<semaphore_mem>>)
    %dma_start3A_212 = arith.constant 0 : i32
    %dma_start3A_213 = arith.constant 12 : i32
    %dma_start3A_214 = arith.constant 0 : i32
    %dma_start3A_215 = arith.constant 12 : i32
    %dma_start3A_216 = arith.constant 0 : i32
    %dma_start3A_217 = arith.constant 0 : i32
    %dma_start3A_218 = tpu.memref_slice %arg6[%dma_start3A_214, %dma_start3A_215, %dma_start3A_216, %dma_start3A_217] : memref<2x16x50x32xf32, #tpu.memory_space<vmem>> -> memref<1x1x50x32xf32, #tpu.memory_space<vmem>>
    %dma_start3A_219 = tpu.memref_squeeze %dma_start3A_218 : memref<1x1x50x32xf32, #tpu.memory_space<vmem>> -> memref<50x32xf32, #tpu.memory_space<vmem>>
    %dma_start3A_220 = arith.constant 0 : i32
    %dma_start3A_221 = tpu.memref_slice %arg5[%dma_start3A_212, %dma_start3A_213, %dma_start3A_220] : memref<2x16x50xi32, #tpu.memory_space<vmem>> -> memref<1x1x50xi32, #tpu.memory_space<vmem>>
    %dma_start3A_222 = tpu.memref_squeeze %dma_start3A_221 : memref<1x1x50xi32, #tpu.memory_space<vmem>> -> memref<50xi32, #tpu.memory_space<vmem>>
    %dma_start3A_223 = arith.constant 0 : i32
    %dma_start3A_224 = arith.constant 0 : i32
    %dma_start3A_225 = tpu.memref_slice %arg3[%dma_start3A_223, %dma_start3A_224] : memref<1000000x32xf32, #tpu.memory_space<hbm>> -> memref<1000000x32xf32, #tpu.memory_space<hbm>>
    tpu.enqueue_indirect_dma source(%dma_start3A_225 : memref<1000000x32xf32, #tpu.memory_space<hbm>>) target(%dma_start3A_219 : memref<50x32xf32, #tpu.memory_space<vmem>>) offsets(%dma_start3A_222 : memref<50xi32, #tpu.memory_space<vmem>>) semaphore(%arg8 : memref<!tpu.dma_semaphore, #tpu.memory_space<semaphore_mem>>)
    %dma_start3A_226 = arith.constant 0 : i32
    %dma_start3A_227 = arith.constant 13 : i32
    %dma_start3A_228 = arith.constant 0 : i32
    %dma_start3A_229 = arith.constant 13 : i32
    %dma_start3A_230 = arith.constant 0 : i32
    %dma_start3A_231 = arith.constant 0 : i32
    %dma_start3A_232 = tpu.memref_slice %arg6[%dma_start3A_228, %dma_start3A_229, %dma_start3A_230, %dma_start3A_231] : memref<2x16x50x32xf32, #tpu.memory_space<vmem>> -> memref<1x1x50x32xf32, #tpu.memory_space<vmem>>
    %dma_start3A_233 = tpu.memref_squeeze %dma_start3A_232 : memref<1x1x50x32xf32, #tpu.memory_space<vmem>> -> memref<50x32xf32, #tpu.memory_space<vmem>>
    %dma_start3A_234 = arith.constant 0 : i32
    %dma_start3A_235 = tpu.memref_slice %arg5[%dma_start3A_226, %dma_start3A_227, %dma_start3A_234] : memref<2x16x50xi32, #tpu.memory_space<vmem>> -> memref<1x1x50xi32, #tpu.memory_space<vmem>>
    %dma_start3A_236 = tpu.memref_squeeze %dma_start3A_235 : memref<1x1x50xi32, #tpu.memory_space<vmem>> -> memref<50xi32, #tpu.memory_space<vmem>>
    %dma_start3A_237 = arith.constant 0 : i32
    %dma_start3A_238 = arith.constant 0 : i32
    %dma_start3A_239 = tpu.memref_slice %arg3[%dma_start3A_237, %dma_start3A_238] : memref<1000000x32xf32, #tpu.memory_space<hbm>> -> memref<1000000x32xf32, #tpu.memory_space<hbm>>
    tpu.enqueue_indirect_dma source(%dma_start3A_239 : memref<1000000x32xf32, #tpu.memory_space<hbm>>) target(%dma_start3A_233 : memref<50x32xf32, #tpu.memory_space<vmem>>) offsets(%dma_start3A_236 : memref<50xi32, #tpu.memory_space<vmem>>) semaphore(%arg8 : memref<!tpu.dma_semaphore, #tpu.memory_space<semaphore_mem>>)
    %dma_start3A_240 = arith.constant 0 : i32
    %dma_start3A_241 = arith.constant 14 : i32
    %dma_start3A_242 = arith.constant 0 : i32
    %dma_start3A_243 = arith.constant 14 : i32
    %dma_start3A_244 = arith.constant 0 : i32
    %dma_start3A_245 = arith.constant 0 : i32
    %dma_start3A_246 = tpu.memref_slice %arg6[%dma_start3A_242, %dma_start3A_243, %dma_start3A_244, %dma_start3A_245] : memref<2x16x50x32xf32, #tpu.memory_space<vmem>> -> memref<1x1x50x32xf32, #tpu.memory_space<vmem>>
    %dma_start3A_247 = tpu.memref_squeeze %dma_start3A_246 : memref<1x1x50x32xf32, #tpu.memory_space<vmem>> -> memref<50x32xf32, #tpu.memory_space<vmem>>
    %dma_start3A_248 = arith.constant 0 : i32
    %dma_start3A_249 = tpu.memref_slice %arg5[%dma_start3A_240, %dma_start3A_241, %dma_start3A_248] : memref<2x16x50xi32, #tpu.memory_space<vmem>> -> memref<1x1x50xi32, #tpu.memory_space<vmem>>
    %dma_start3A_250 = tpu.memref_squeeze %dma_start3A_249 : memref<1x1x50xi32, #tpu.memory_space<vmem>> -> memref<50xi32, #tpu.memory_space<vmem>>
    %dma_start3A_251 = arith.constant 0 : i32
    %dma_start3A_252 = arith.constant 0 : i32
    %dma_start3A_253 = tpu.memref_slice %arg3[%dma_start3A_251, %dma_start3A_252] : memref<1000000x32xf32, #tpu.memory_space<hbm>> -> memref<1000000x32xf32, #tpu.memory_space<hbm>>
    tpu.enqueue_indirect_dma source(%dma_start3A_253 : memref<1000000x32xf32, #tpu.memory_space<hbm>>) target(%dma_start3A_247 : memref<50x32xf32, #tpu.memory_space<vmem>>) offsets(%dma_start3A_250 : memref<50xi32, #tpu.memory_space<vmem>>) semaphore(%arg8 : memref<!tpu.dma_semaphore, #tpu.memory_space<semaphore_mem>>)
    %dma_start3A_254 = arith.constant 0 : i32
    %dma_start3A_255 = arith.constant 15 : i32
    %dma_start3A_256 = arith.constant 0 : i32
    %dma_start3A_257 = arith.constant 15 : i32
    %dma_start3A_258 = arith.constant 0 : i32
    %dma_start3A_259 = arith.constant 0 : i32
    %dma_start3A_260 = tpu.memref_slice %arg6[%dma_start3A_256, %dma_start3A_257, %dma_start3A_258, %dma_start3A_259] : memref<2x16x50x32xf32, #tpu.memory_space<vmem>> -> memref<1x1x50x32xf32, #tpu.memory_space<vmem>>
    %dma_start3A_261 = tpu.memref_squeeze %dma_start3A_260 : memref<1x1x50x32xf32, #tpu.memory_space<vmem>> -> memref<50x32xf32, #tpu.memory_space<vmem>>
    %dma_start3A_262 = arith.constant 0 : i32
    %dma_start3A_263 = tpu.memref_slice %arg5[%dma_start3A_254, %dma_start3A_255, %dma_start3A_262] : memref<2x16x50xi32, #tpu.memory_space<vmem>> -> memref<1x1x50xi32, #tpu.memory_space<vmem>>
    %dma_start3A_264 = tpu.memref_squeeze %dma_start3A_263 : memref<1x1x50xi32, #tpu.memory_space<vmem>> -> memref<50xi32, #tpu.memory_space<vmem>>
    %dma_start3A_265 = arith.constant 0 : i32
    %dma_start3A_266 = arith.constant 0 : i32
    %dma_start3A_267 = tpu.memref_slice %arg3[%dma_start3A_265, %dma_start3A_266] : memref<1000000x32xf32, #tpu.memory_space<hbm>> -> memref<1000000x32xf32, #tpu.memory_space<hbm>>
    tpu.enqueue_indirect_dma source(%dma_start3A_267 : memref<1000000x32xf32, #tpu.memory_space<hbm>>) target(%dma_start3A_261 : memref<50x32xf32, #tpu.memory_space<vmem>>) offsets(%dma_start3A_264 : memref<50xi32, #tpu.memory_space<vmem>>) semaphore(%arg8 : memref<!tpu.dma_semaphore, #tpu.memory_space<semaphore_mem>>)
    %scan3A = arith.constant 0 : i32
    %scan3A_268 = arith.constant 0 : i32
    %scan3A_269 = arith.constant 16 : i32
    %scan3A_270 = arith.addi %scan3A_268, %scan3A_269 : i32
    %scan3A_271 = arith.constant 1 : i32
    scf.for %scan3A_290 = %scan3A_268 to %scan3A_270 step %scan3A_271  : i32 {
      %mul3A_291 = arith.constant 2 : i32
      %mul3A_292 = arith.muli %mul3A_291, %scan3A_290 : i32
      %add3A_293 = arith.constant 0 : i32
      %add3A_294 = arith.addi %mul3A_292, %add3A_293 : i32
      %ge3A = arith.constant 1 : i32
      %ge3A_295 = arith.cmpi sge, %add3A_294, %ge3A : i32
      %convert_element_type3A = arith.extui %ge3A_295 : i1 to i32
      %cond3A = arith.constant 0 : i32
      %cond3A_296 = arith.cmpi ne, %convert_element_type3A, %cond3A : i32
      scf.if %cond3A_296 {
        %dma_wait3A_821 = arith.constant 1 : i32
        %dma_wait3A_822 = arith.constant 0 : i32
        %dma_wait3A_823 = arith.constant 0 : i32
        %dma_wait3A_824 = arith.constant 0 : i32
        %dma_wait3A_825 = tpu.memref_slice %arg6[%dma_wait3A_821, %dma_wait3A_822, %dma_wait3A_823, %dma_wait3A_824] : memref<2x16x50x32xf32, #tpu.memory_space<vmem>> -> memref<1x16x50x32xf32, #tpu.memory_space<vmem>>
        %dma_wait3A_826 = tpu.memref_squeeze %dma_wait3A_825 : memref<1x16x50x32xf32, #tpu.memory_space<vmem>> -> memref<16x50x32xf32, #tpu.memory_space<vmem>>
        %dma_wait3A_827 = arith.constant 0 : i32
        %dma_wait3A_828 = arith.constant 0 : i32
        %dma_wait3A_829 = tpu.memref_slice %arg4[%mul3A_2, %dma_wait3A_827, %dma_wait3A_828] : memref<16384x50x32xf32, #tpu.memory_space<hbm>> -> memref<16x50x32xf32, #tpu.memory_space<hbm>>
        %dma_wait3A_830 = arith.constant 0 : i32
        %dma_wait3A_831 = arith.constant 0 : i32
        %dma_wait3A_832 = tpu.memref_slice %arg4[%mul3A_2, %dma_wait3A_830, %dma_wait3A_831] : memref<16384x50x32xf32, #tpu.memory_space<hbm>> -> memref<16x50x32xf32, #tpu.memory_space<hbm>>
        %dma_wait3A_833 = arith.constant 0 : i32
        %dma_wait3A_834 = arith.constant 0 : i32
        %dma_wait3A_835 = arith.constant 0 : i32
        %dma_wait3A_836 = tpu.memref_slice %arg6[%dma_wait3A_821, %dma_wait3A_833, %dma_wait3A_834, %dma_wait3A_835] : memref<2x16x50x32xf32, #tpu.memory_space<vmem>> -> memref<1x16x50x32xf32, #tpu.memory_space<vmem>>
        %dma_wait3A_837 = tpu.memref_squeeze %dma_wait3A_836 : memref<1x16x50x32xf32, #tpu.memory_space<vmem>> -> memref<16x50x32xf32, #tpu.memory_space<vmem>>
        tpu.wait_dma2 semaphore(%arg9 : memref<!tpu.dma_semaphore, #tpu.memory_space<semaphore_mem>>) src(%dma_wait3A_837 : memref<16x50x32xf32, #tpu.memory_space<vmem>>) dst(%dma_wait3A_832 : memref<16x50x32xf32, #tpu.memory_space<hbm>>)
      } else {
      }
      %add3A_297 = arith.constant 1 : i32
      %add3A_298 = arith.addi %add3A_294, %add3A_297 : i32
      %lt3A = arith.constant 32 : i32
      %lt3A_299 = arith.cmpi slt, %add3A_298, %lt3A : i32
      %convert_element_type3A_300 = arith.extui %lt3A_299 : i1 to i32
      %cond3A_301 = arith.constant 0 : i32
      %cond3A_302 = arith.cmpi ne, %convert_element_type3A_300, %cond3A_301 : i32
      scf.if %cond3A_302 {
        %dma_wait3A_821 = arith.constant 1 : i32
        %dma_wait3A_822 = arith.constant 0 : i32
        %dma_wait3A_823 = arith.constant 0 : i32
        %dma_wait3A_824 = tpu.memref_slice %arg5[%dma_wait3A_821, %dma_wait3A_822, %dma_wait3A_823] : memref<2x16x50xi32, #tpu.memory_space<vmem>> -> memref<1x16x50xi32, #tpu.memory_space<vmem>>
        %dma_wait3A_825 = tpu.memref_squeeze %dma_wait3A_824 : memref<1x16x50xi32, #tpu.memory_space<vmem>> -> memref<16x50xi32, #tpu.memory_space<vmem>>
        %dma_wait3A_826 = arith.constant 0 : i32
        %dma_wait3A_827 = tpu.memref_slice %arg2[%mul3A_2, %dma_wait3A_826] : memref<16384x50xi32, #tpu.memory_space<hbm>> -> memref<16x50xi32, #tpu.memory_space<hbm>>
        %dma_wait3A_828 = arith.constant 0 : i32
        %dma_wait3A_829 = arith.constant 0 : i32
        %dma_wait3A_830 = tpu.memref_slice %arg5[%dma_wait3A_821, %dma_wait3A_828, %dma_wait3A_829] : memref<2x16x50xi32, #tpu.memory_space<vmem>> -> memref<1x16x50xi32, #tpu.memory_space<vmem>>
        %dma_wait3A_831 = tpu.memref_squeeze %dma_wait3A_830 : memref<1x16x50xi32, #tpu.memory_space<vmem>> -> memref<16x50xi32, #tpu.memory_space<vmem>>
        %dma_wait3A_832 = arith.constant 0 : i32
        %dma_wait3A_833 = tpu.memref_slice %arg2[%mul3A_2, %dma_wait3A_832] : memref<16384x50xi32, #tpu.memory_space<hbm>> -> memref<16x50xi32, #tpu.memory_space<hbm>>
        tpu.wait_dma2 semaphore(%arg7 : memref<!tpu.dma_semaphore, #tpu.memory_space<semaphore_mem>>) src(%dma_wait3A_833 : memref<16x50xi32, #tpu.memory_space<hbm>>) dst(%dma_wait3A_831 : memref<16x50xi32, #tpu.memory_space<vmem>>)
        %dma_start3A_834 = arith.constant 1 : i32
        %dma_start3A_835 = arith.constant 0 : i32
        %dma_start3A_836 = arith.constant 1 : i32
        %dma_start3A_837 = arith.constant 0 : i32
        %dma_start3A_838 = arith.constant 0 : i32
        %dma_start3A_839 = arith.constant 0 : i32
        %dma_start3A_840 = tpu.memref_slice %arg6[%dma_start3A_836, %dma_start3A_837, %dma_start3A_838, %dma_start3A_839] : memref<2x16x50x32xf32, #tpu.memory_space<vmem>> -> memref<1x1x50x32xf32, #tpu.memory_space<vmem>>
        %dma_start3A_841 = tpu.memref_squeeze %dma_start3A_840 : memref<1x1x50x32xf32, #tpu.memory_space<vmem>> -> memref<50x32xf32, #tpu.memory_space<vmem>>
        %dma_start3A_842 = arith.constant 0 : i32
        %dma_start3A_843 = tpu.memref_slice %arg5[%dma_start3A_834, %dma_start3A_835, %dma_start3A_842] : memref<2x16x50xi32, #tpu.memory_space<vmem>> -> memref<1x1x50xi32, #tpu.memory_space<vmem>>
        %dma_start3A_844 = tpu.memref_squeeze %dma_start3A_843 : memref<1x1x50xi32, #tpu.memory_space<vmem>> -> memref<50xi32, #tpu.memory_space<vmem>>
        %dma_start3A_845 = arith.constant 0 : i32
        %dma_start3A_846 = arith.constant 0 : i32
        %dma_start3A_847 = tpu.memref_slice %arg3[%dma_start3A_845, %dma_start3A_846] : memref<1000000x32xf32, #tpu.memory_space<hbm>> -> memref<1000000x32xf32, #tpu.memory_space<hbm>>
        tpu.enqueue_indirect_dma source(%dma_start3A_847 : memref<1000000x32xf32, #tpu.memory_space<hbm>>) target(%dma_start3A_841 : memref<50x32xf32, #tpu.memory_space<vmem>>) offsets(%dma_start3A_844 : memref<50xi32, #tpu.memory_space<vmem>>) semaphore(%arg8 : memref<!tpu.dma_semaphore, #tpu.memory_space<semaphore_mem>>)
        %dma_start3A_848 = arith.constant 1 : i32
        %dma_start3A_849 = arith.constant 1 : i32
        %dma_start3A_850 = arith.constant 1 : i32
        %dma_start3A_851 = arith.constant 1 : i32
        %dma_start3A_852 = arith.constant 0 : i32
        %dma_start3A_853 = arith.constant 0 : i32
        %dma_start3A_854 = tpu.memref_slice %arg6[%dma_start3A_850, %dma_start3A_851, %dma_start3A_852, %dma_start3A_853] : memref<2x16x50x32xf32, #tpu.memory_space<vmem>> -> memref<1x1x50x32xf32, #tpu.memory_space<vmem>>
        %dma_start3A_855 = tpu.memref_squeeze %dma_start3A_854 : memref<1x1x50x32xf32, #tpu.memory_space<vmem>> -> memref<50x32xf32, #tpu.memory_space<vmem>>
        %dma_start3A_856 = arith.constant 0 : i32
        %dma_start3A_857 = tpu.memref_slice %arg5[%dma_start3A_848, %dma_start3A_849, %dma_start3A_856] : memref<2x16x50xi32, #tpu.memory_space<vmem>> -> memref<1x1x50xi32, #tpu.memory_space<vmem>>
        %dma_start3A_858 = tpu.memref_squeeze %dma_start3A_857 : memref<1x1x50xi32, #tpu.memory_space<vmem>> -> memref<50xi32, #tpu.memory_space<vmem>>
        %dma_start3A_859 = arith.constant 0 : i32
        %dma_start3A_860 = arith.constant 0 : i32
        %dma_start3A_861 = tpu.memref_slice %arg3[%dma_start3A_859, %dma_start3A_860] : memref<1000000x32xf32, #tpu.memory_space<hbm>> -> memref<1000000x32xf32, #tpu.memory_space<hbm>>
        tpu.enqueue_indirect_dma source(%dma_start3A_861 : memref<1000000x32xf32, #tpu.memory_space<hbm>>) target(%dma_start3A_855 : memref<50x32xf32, #tpu.memory_space<vmem>>) offsets(%dma_start3A_858 : memref<50xi32, #tpu.memory_space<vmem>>) semaphore(%arg8 : memref<!tpu.dma_semaphore, #tpu.memory_space<semaphore_mem>>)
        %dma_start3A_862 = arith.constant 1 : i32
        %dma_start3A_863 = arith.constant 2 : i32
        %dma_start3A_864 = arith.constant 1 : i32
        %dma_start3A_865 = arith.constant 2 : i32
        %dma_start3A_866 = arith.constant 0 : i32
        %dma_start3A_867 = arith.constant 0 : i32
        %dma_start3A_868 = tpu.memref_slice %arg6[%dma_start3A_864, %dma_start3A_865, %dma_start3A_866, %dma_start3A_867] : memref<2x16x50x32xf32, #tpu.memory_space<vmem>> -> memref<1x1x50x32xf32, #tpu.memory_space<vmem>>
        %dma_start3A_869 = tpu.memref_squeeze %dma_start3A_868 : memref<1x1x50x32xf32, #tpu.memory_space<vmem>> -> memref<50x32xf32, #tpu.memory_space<vmem>>
        %dma_start3A_870 = arith.constant 0 : i32
        %dma_start3A_871 = tpu.memref_slice %arg5[%dma_start3A_862, %dma_start3A_863, %dma_start3A_870] : memref<2x16x50xi32, #tpu.memory_space<vmem>> -> memref<1x1x50xi32, #tpu.memory_space<vmem>>
        %dma_start3A_872 = tpu.memref_squeeze %dma_start3A_871 : memref<1x1x50xi32, #tpu.memory_space<vmem>> -> memref<50xi32, #tpu.memory_space<vmem>>
        %dma_start3A_873 = arith.constant 0 : i32
        %dma_start3A_874 = arith.constant 0 : i32
        %dma_start3A_875 = tpu.memref_slice %arg3[%dma_start3A_873, %dma_start3A_874] : memref<1000000x32xf32, #tpu.memory_space<hbm>> -> memref<1000000x32xf32, #tpu.memory_space<hbm>>
        tpu.enqueue_indirect_dma source(%dma_start3A_875 : memref<1000000x32xf32, #tpu.memory_space<hbm>>) target(%dma_start3A_869 : memref<50x32xf32, #tpu.memory_space<vmem>>) offsets(%dma_start3A_872 : memref<50xi32, #tpu.memory_space<vmem>>) semaphore(%arg8 : memref<!tpu.dma_semaphore, #tpu.memory_space<semaphore_mem>>)
        %dma_start3A_876 = arith.constant 1 : i32
        %dma_start3A_877 = arith.constant 3 : i32
        %dma_start3A_878 = arith.constant 1 : i32
        %dma_start3A_879 = arith.constant 3 : i32
        %dma_start3A_880 = arith.constant 0 : i32
        %dma_start3A_881 = arith.constant 0 : i32
        %dma_start3A_882 = tpu.memref_slice %arg6[%dma_start3A_878, %dma_start3A_879, %dma_start3A_880, %dma_start3A_881] : memref<2x16x50x32xf32, #tpu.memory_space<vmem>> -> memref<1x1x50x32xf32, #tpu.memory_space<vmem>>
        %dma_start3A_883 = tpu.memref_squeeze %dma_start3A_882 : memref<1x1x50x32xf32, #tpu.memory_space<vmem>> -> memref<50x32xf32, #tpu.memory_space<vmem>>
        %dma_start3A_884 = arith.constant 0 : i32
        %dma_start3A_885 = tpu.memref_slice %arg5[%dma_start3A_876, %dma_start3A_877, %dma_start3A_884] : memref<2x16x50xi32, #tpu.memory_space<vmem>> -> memref<1x1x50xi32, #tpu.memory_space<vmem>>
        %dma_start3A_886 = tpu.memref_squeeze %dma_start3A_885 : memref<1x1x50xi32, #tpu.memory_space<vmem>> -> memref<50xi32, #tpu.memory_space<vmem>>
        %dma_start3A_887 = arith.constant 0 : i32
        %dma_start3A_888 = arith.constant 0 : i32
        %dma_start3A_889 = tpu.memref_slice %arg3[%dma_start3A_887, %dma_start3A_888] : memref<1000000x32xf32, #tpu.memory_space<hbm>> -> memref<1000000x32xf32, #tpu.memory_space<hbm>>
        tpu.enqueue_indirect_dma source(%dma_start3A_889 : memref<1000000x32xf32, #tpu.memory_space<hbm>>) target(%dma_start3A_883 : memref<50x32xf32, #tpu.memory_space<vmem>>) offsets(%dma_start3A_886 : memref<50xi32, #tpu.memory_space<vmem>>) semaphore(%arg8 : memref<!tpu.dma_semaphore, #tpu.memory_space<semaphore_mem>>)
        %dma_start3A_890 = arith.constant 1 : i32
        %dma_start3A_891 = arith.constant 4 : i32
        %dma_start3A_892 = arith.constant 1 : i32
        %dma_start3A_893 = arith.constant 4 : i32
        %dma_start3A_894 = arith.constant 0 : i32
        %dma_start3A_895 = arith.constant 0 : i32
        %dma_start3A_896 = tpu.memref_slice %arg6[%dma_start3A_892, %dma_start3A_893, %dma_start3A_894, %dma_start3A_895] : memref<2x16x50x32xf32, #tpu.memory_space<vmem>> -> memref<1x1x50x32xf32, #tpu.memory_space<vmem>>
        %dma_start3A_897 = tpu.memref_squeeze %dma_start3A_896 : memref<1x1x50x32xf32, #tpu.memory_space<vmem>> -> memref<50x32xf32, #tpu.memory_space<vmem>>
        %dma_start3A_898 = arith.constant 0 : i32
        %dma_start3A_899 = tpu.memref_slice %arg5[%dma_start3A_890, %dma_start3A_891, %dma_start3A_898] : memref<2x16x50xi32, #tpu.memory_space<vmem>> -> memref<1x1x50xi32, #tpu.memory_space<vmem>>
        %dma_start3A_900 = tpu.memref_squeeze %dma_start3A_899 : memref<1x1x50xi32, #tpu.memory_space<vmem>> -> memref<50xi32, #tpu.memory_space<vmem>>
        %dma_start3A_901 = arith.constant 0 : i32
        %dma_start3A_902 = arith.constant 0 : i32
        %dma_start3A_903 = tpu.memref_slice %arg3[%dma_start3A_901, %dma_start3A_902] : memref<1000000x32xf32, #tpu.memory_space<hbm>> -> memref<1000000x32xf32, #tpu.memory_space<hbm>>
        tpu.enqueue_indirect_dma source(%dma_start3A_903 : memref<1000000x32xf32, #tpu.memory_space<hbm>>) target(%dma_start3A_897 : memref<50x32xf32, #tpu.memory_space<vmem>>) offsets(%dma_start3A_900 : memref<50xi32, #tpu.memory_space<vmem>>) semaphore(%arg8 : memref<!tpu.dma_semaphore, #tpu.memory_space<semaphore_mem>>)
        %dma_start3A_904 = arith.constant 1 : i32
        %dma_start3A_905 = arith.constant 5 : i32
        %dma_start3A_906 = arith.constant 1 : i32
        %dma_start3A_907 = arith.constant 5 : i32
        %dma_start3A_908 = arith.constant 0 : i32
        %dma_start3A_909 = arith.constant 0 : i32
        %dma_start3A_910 = tpu.memref_slice %arg6[%dma_start3A_906, %dma_start3A_907, %dma_start3A_908, %dma_start3A_909] : memref<2x16x50x32xf32, #tpu.memory_space<vmem>> -> memref<1x1x50x32xf32, #tpu.memory_space<vmem>>
        %dma_start3A_911 = tpu.memref_squeeze %dma_start3A_910 : memref<1x1x50x32xf32, #tpu.memory_space<vmem>> -> memref<50x32xf32, #tpu.memory_space<vmem>>
        %dma_start3A_912 = arith.constant 0 : i32
        %dma_start3A_913 = tpu.memref_slice %arg5[%dma_start3A_904, %dma_start3A_905, %dma_start3A_912] : memref<2x16x50xi32, #tpu.memory_space<vmem>> -> memref<1x1x50xi32, #tpu.memory_space<vmem>>
        %dma_start3A_914 = tpu.memref_squeeze %dma_start3A_913 : memref<1x1x50xi32, #tpu.memory_space<vmem>> -> memref<50xi32, #tpu.memory_space<vmem>>
        %dma_start3A_915 = arith.constant 0 : i32
        %dma_start3A_916 = arith.constant 0 : i32
        %dma_start3A_917 = tpu.memref_slice %arg3[%dma_start3A_915, %dma_start3A_916] : memref<1000000x32xf32, #tpu.memory_space<hbm>> -> memref<1000000x32xf32, #tpu.memory_space<hbm>>
        tpu.enqueue_indirect_dma source(%dma_start3A_917 : memref<1000000x32xf32, #tpu.memory_space<hbm>>) target(%dma_start3A_911 : memref<50x32xf32, #tpu.memory_space<vmem>>) offsets(%dma_start3A_914 : memref<50xi32, #tpu.memory_space<vmem>>) semaphore(%arg8 : memref<!tpu.dma_semaphore, #tpu.memory_space<semaphore_mem>>)
        %dma_start3A_918 = arith.constant 1 : i32
        %dma_start3A_919 = arith.constant 6 : i32
        %dma_start3A_920 = arith.constant 1 : i32
        %dma_start3A_921 = arith.constant 6 : i32
        %dma_start3A_922 = arith.constant 0 : i32
        %dma_start3A_923 = arith.constant 0 : i32
        %dma_start3A_924 = tpu.memref_slice %arg6[%dma_start3A_920, %dma_start3A_921, %dma_start3A_922, %dma_start3A_923] : memref<2x16x50x32xf32, #tpu.memory_space<vmem>> -> memref<1x1x50x32xf32, #tpu.memory_space<vmem>>
        %dma_start3A_925 = tpu.memref_squeeze %dma_start3A_924 : memref<1x1x50x32xf32, #tpu.memory_space<vmem>> -> memref<50x32xf32, #tpu.memory_space<vmem>>
        %dma_start3A_926 = arith.constant 0 : i32
        %dma_start3A_927 = tpu.memref_slice %arg5[%dma_start3A_918, %dma_start3A_919, %dma_start3A_926] : memref<2x16x50xi32, #tpu.memory_space<vmem>> -> memref<1x1x50xi32, #tpu.memory_space<vmem>>
        %dma_start3A_928 = tpu.memref_squeeze %dma_start3A_927 : memref<1x1x50xi32, #tpu.memory_space<vmem>> -> memref<50xi32, #tpu.memory_space<vmem>>
        %dma_start3A_929 = arith.constant 0 : i32
        %dma_start3A_930 = arith.constant 0 : i32
        %dma_start3A_931 = tpu.memref_slice %arg3[%dma_start3A_929, %dma_start3A_930] : memref<1000000x32xf32, #tpu.memory_space<hbm>> -> memref<1000000x32xf32, #tpu.memory_space<hbm>>
        tpu.enqueue_indirect_dma source(%dma_start3A_931 : memref<1000000x32xf32, #tpu.memory_space<hbm>>) target(%dma_start3A_925 : memref<50x32xf32, #tpu.memory_space<vmem>>) offsets(%dma_start3A_928 : memref<50xi32, #tpu.memory_space<vmem>>) semaphore(%arg8 : memref<!tpu.dma_semaphore, #tpu.memory_space<semaphore_mem>>)
        %dma_start3A_932 = arith.constant 1 : i32
        %dma_start3A_933 = arith.constant 7 : i32
        %dma_start3A_934 = arith.constant 1 : i32
        %dma_start3A_935 = arith.constant 7 : i32
        %dma_start3A_936 = arith.constant 0 : i32
        %dma_start3A_937 = arith.constant 0 : i32
        %dma_start3A_938 = tpu.memref_slice %arg6[%dma_start3A_934, %dma_start3A_935, %dma_start3A_936, %dma_start3A_937] : memref<2x16x50x32xf32, #tpu.memory_space<vmem>> -> memref<1x1x50x32xf32, #tpu.memory_space<vmem>>
        %dma_start3A_939 = tpu.memref_squeeze %dma_start3A_938 : memref<1x1x50x32xf32, #tpu.memory_space<vmem>> -> memref<50x32xf32, #tpu.memory_space<vmem>>
        %dma_start3A_940 = arith.constant 0 : i32
        %dma_start3A_941 = tpu.memref_slice %arg5[%dma_start3A_932, %dma_start3A_933, %dma_start3A_940] : memref<2x16x50xi32, #tpu.memory_space<vmem>> -> memref<1x1x50xi32, #tpu.memory_space<vmem>>
        %dma_start3A_942 = tpu.memref_squeeze %dma_start3A_941 : memref<1x1x50xi32, #tpu.memory_space<vmem>> -> memref<50xi32, #tpu.memory_space<vmem>>
        %dma_start3A_943 = arith.constant 0 : i32
        %dma_start3A_944 = arith.constant 0 : i32
        %dma_start3A_945 = tpu.memref_slice %arg3[%dma_start3A_943, %dma_start3A_944] : memref<1000000x32xf32, #tpu.memory_space<hbm>> -> memref<1000000x32xf32, #tpu.memory_space<hbm>>
        tpu.enqueue_indirect_dma source(%dma_start3A_945 : memref<1000000x32xf32, #tpu.memory_space<hbm>>) target(%dma_start3A_939 : memref<50x32xf32, #tpu.memory_space<vmem>>) offsets(%dma_start3A_942 : memref<50xi32, #tpu.memory_space<vmem>>) semaphore(%arg8 : memref<!tpu.dma_semaphore, #tpu.memory_space<semaphore_mem>>)
        %dma_start3A_946 = arith.constant 1 : i32
        %dma_start3A_947 = arith.constant 8 : i32
        %dma_start3A_948 = arith.constant 1 : i32
        %dma_start3A_949 = arith.constant 8 : i32
        %dma_start3A_950 = arith.constant 0 : i32
        %dma_start3A_951 = arith.constant 0 : i32
        %dma_start3A_952 = tpu.memref_slice %arg6[%dma_start3A_948, %dma_start3A_949, %dma_start3A_950, %dma_start3A_951] : memref<2x16x50x32xf32, #tpu.memory_space<vmem>> -> memref<1x1x50x32xf32, #tpu.memory_space<vmem>>
        %dma_start3A_953 = tpu.memref_squeeze %dma_start3A_952 : memref<1x1x50x32xf32, #tpu.memory_space<vmem>> -> memref<50x32xf32, #tpu.memory_space<vmem>>
        %dma_start3A_954 = arith.constant 0 : i32
        %dma_start3A_955 = tpu.memref_slice %arg5[%dma_start3A_946, %dma_start3A_947, %dma_start3A_954] : memref<2x16x50xi32, #tpu.memory_space<vmem>> -> memref<1x1x50xi32, #tpu.memory_space<vmem>>
        %dma_start3A_956 = tpu.memref_squeeze %dma_start3A_955 : memref<1x1x50xi32, #tpu.memory_space<vmem>> -> memref<50xi32, #tpu.memory_space<vmem>>
        %dma_start3A_957 = arith.constant 0 : i32
        %dma_start3A_958 = arith.constant 0 : i32
        %dma_start3A_959 = tpu.memref_slice %arg3[%dma_start3A_957, %dma_start3A_958] : memref<1000000x32xf32, #tpu.memory_space<hbm>> -> memref<1000000x32xf32, #tpu.memory_space<hbm>>
        tpu.enqueue_indirect_dma source(%dma_start3A_959 : memref<1000000x32xf32, #tpu.memory_space<hbm>>) target(%dma_start3A_953 : memref<50x32xf32, #tpu.memory_space<vmem>>) offsets(%dma_start3A_956 : memref<50xi32, #tpu.memory_space<vmem>>) semaphore(%arg8 : memref<!tpu.dma_semaphore, #tpu.memory_space<semaphore_mem>>)
        %dma_start3A_960 = arith.constant 1 : i32
        %dma_start3A_961 = arith.constant 9 : i32
        %dma_start3A_962 = arith.constant 1 : i32
        %dma_start3A_963 = arith.constant 9 : i32
        %dma_start3A_964 = arith.constant 0 : i32
        %dma_start3A_965 = arith.constant 0 : i32
        %dma_start3A_966 = tpu.memref_slice %arg6[%dma_start3A_962, %dma_start3A_963, %dma_start3A_964, %dma_start3A_965] : memref<2x16x50x32xf32, #tpu.memory_space<vmem>> -> memref<1x1x50x32xf32, #tpu.memory_space<vmem>>
        %dma_start3A_967 = tpu.memref_squeeze %dma_start3A_966 : memref<1x1x50x32xf32, #tpu.memory_space<vmem>> -> memref<50x32xf32, #tpu.memory_space<vmem>>
        %dma_start3A_968 = arith.constant 0 : i32
        %dma_start3A_969 = tpu.memref_slice %arg5[%dma_start3A_960, %dma_start3A_961, %dma_start3A_968] : memref<2x16x50xi32, #tpu.memory_space<vmem>> -> memref<1x1x50xi32, #tpu.memory_space<vmem>>
        %dma_start3A_970 = tpu.memref_squeeze %dma_start3A_969 : memref<1x1x50xi32, #tpu.memory_space<vmem>> -> memref<50xi32, #tpu.memory_space<vmem>>
        %dma_start3A_971 = arith.constant 0 : i32
        %dma_start3A_972 = arith.constant 0 : i32
        %dma_start3A_973 = tpu.memref_slice %arg3[%dma_start3A_971, %dma_start3A_972] : memref<1000000x32xf32, #tpu.memory_space<hbm>> -> memref<1000000x32xf32, #tpu.memory_space<hbm>>
        tpu.enqueue_indirect_dma source(%dma_start3A_973 : memref<1000000x32xf32, #tpu.memory_space<hbm>>) target(%dma_start3A_967 : memref<50x32xf32, #tpu.memory_space<vmem>>) offsets(%dma_start3A_970 : memref<50xi32, #tpu.memory_space<vmem>>) semaphore(%arg8 : memref<!tpu.dma_semaphore, #tpu.memory_space<semaphore_mem>>)
        %dma_start3A_974 = arith.constant 1 : i32
        %dma_start3A_975 = arith.constant 10 : i32
        %dma_start3A_976 = arith.constant 1 : i32
        %dma_start3A_977 = arith.constant 10 : i32
        %dma_start3A_978 = arith.constant 0 : i32
        %dma_start3A_979 = arith.constant 0 : i32
        %dma_start3A_980 = tpu.memref_slice %arg6[%dma_start3A_976, %dma_start3A_977, %dma_start3A_978, %dma_start3A_979] : memref<2x16x50x32xf32, #tpu.memory_space<vmem>> -> memref<1x1x50x32xf32, #tpu.memory_space<vmem>>
        %dma_start3A_981 = tpu.memref_squeeze %dma_start3A_980 : memref<1x1x50x32xf32, #tpu.memory_space<vmem>> -> memref<50x32xf32, #tpu.memory_space<vmem>>
        %dma_start3A_982 = arith.constant 0 : i32
        %dma_start3A_983 = tpu.memref_slice %arg5[%dma_start3A_974, %dma_start3A_975, %dma_start3A_982] : memref<2x16x50xi32, #tpu.memory_space<vmem>> -> memref<1x1x50xi32, #tpu.memory_space<vmem>>
        %dma_start3A_984 = tpu.memref_squeeze %dma_start3A_983 : memref<1x1x50xi32, #tpu.memory_space<vmem>> -> memref<50xi32, #tpu.memory_space<vmem>>
        %dma_start3A_985 = arith.constant 0 : i32
        %dma_start3A_986 = arith.constant 0 : i32
        %dma_start3A_987 = tpu.memref_slice %arg3[%dma_start3A_985, %dma_start3A_986] : memref<1000000x32xf32, #tpu.memory_space<hbm>> -> memref<1000000x32xf32, #tpu.memory_space<hbm>>
        tpu.enqueue_indirect_dma source(%dma_start3A_987 : memref<1000000x32xf32, #tpu.memory_space<hbm>>) target(%dma_start3A_981 : memref<50x32xf32, #tpu.memory_space<vmem>>) offsets(%dma_start3A_984 : memref<50xi32, #tpu.memory_space<vmem>>) semaphore(%arg8 : memref<!tpu.dma_semaphore, #tpu.memory_space<semaphore_mem>>)
        %dma_start3A_988 = arith.constant 1 : i32
        %dma_start3A_989 = arith.constant 11 : i32
        %dma_start3A_990 = arith.constant 1 : i32
        %dma_start3A_991 = arith.constant 11 : i32
        %dma_start3A_992 = arith.constant 0 : i32
        %dma_start3A_993 = arith.constant 0 : i32
        %dma_start3A_994 = tpu.memref_slice %arg6[%dma_start3A_990, %dma_start3A_991, %dma_start3A_992, %dma_start3A_993] : memref<2x16x50x32xf32, #tpu.memory_space<vmem>> -> memref<1x1x50x32xf32, #tpu.memory_space<vmem>>
        %dma_start3A_995 = tpu.memref_squeeze %dma_start3A_994 : memref<1x1x50x32xf32, #tpu.memory_space<vmem>> -> memref<50x32xf32, #tpu.memory_space<vmem>>
        %dma_start3A_996 = arith.constant 0 : i32
        %dma_start3A_997 = tpu.memref_slice %arg5[%dma_start3A_988, %dma_start3A_989, %dma_start3A_996] : memref<2x16x50xi32, #tpu.memory_space<vmem>> -> memref<1x1x50xi32, #tpu.memory_space<vmem>>
        %dma_start3A_998 = tpu.memref_squeeze %dma_start3A_997 : memref<1x1x50xi32, #tpu.memory_space<vmem>> -> memref<50xi32, #tpu.memory_space<vmem>>
        %dma_start3A_999 = arith.constant 0 : i32
        %dma_start3A_1000 = arith.constant 0 : i32
        %dma_start3A_1001 = tpu.memref_slice %arg3[%dma_start3A_999, %dma_start3A_1000] : memref<1000000x32xf32, #tpu.memory_space<hbm>> -> memref<1000000x32xf32, #tpu.memory_space<hbm>>
        tpu.enqueue_indirect_dma source(%dma_start3A_1001 : memref<1000000x32xf32, #tpu.memory_space<hbm>>) target(%dma_start3A_995 : memref<50x32xf32, #tpu.memory_space<vmem>>) offsets(%dma_start3A_998 : memref<50xi32, #tpu.memory_space<vmem>>) semaphore(%arg8 : memref<!tpu.dma_semaphore, #tpu.memory_space<semaphore_mem>>)
        %dma_start3A_1002 = arith.constant 1 : i32
        %dma_start3A_1003 = arith.constant 12 : i32
        %dma_start3A_1004 = arith.constant 1 : i32
        %dma_start3A_1005 = arith.constant 12 : i32
        %dma_start3A_1006 = arith.constant 0 : i32
        %dma_start3A_1007 = arith.constant 0 : i32
        %dma_start3A_1008 = tpu.memref_slice %arg6[%dma_start3A_1004, %dma_start3A_1005, %dma_start3A_1006, %dma_start3A_1007] : memref<2x16x50x32xf32, #tpu.memory_space<vmem>> -> memref<1x1x50x32xf32, #tpu.memory_space<vmem>>
        %dma_start3A_1009 = tpu.memref_squeeze %dma_start3A_1008 : memref<1x1x50x32xf32, #tpu.memory_space<vmem>> -> memref<50x32xf32, #tpu.memory_space<vmem>>
        %dma_start3A_1010 = arith.constant 0 : i32
        %dma_start3A_1011 = tpu.memref_slice %arg5[%dma_start3A_1002, %dma_start3A_1003, %dma_start3A_1010] : memref<2x16x50xi32, #tpu.memory_space<vmem>> -> memref<1x1x50xi32, #tpu.memory_space<vmem>>
        %dma_start3A_1012 = tpu.memref_squeeze %dma_start3A_1011 : memref<1x1x50xi32, #tpu.memory_space<vmem>> -> memref<50xi32, #tpu.memory_space<vmem>>
        %dma_start3A_1013 = arith.constant 0 : i32
        %dma_start3A_1014 = arith.constant 0 : i32
        %dma_start3A_1015 = tpu.memref_slice %arg3[%dma_start3A_1013, %dma_start3A_1014] : memref<1000000x32xf32, #tpu.memory_space<hbm>> -> memref<1000000x32xf32, #tpu.memory_space<hbm>>
        tpu.enqueue_indirect_dma source(%dma_start3A_1015 : memref<1000000x32xf32, #tpu.memory_space<hbm>>) target(%dma_start3A_1009 : memref<50x32xf32, #tpu.memory_space<vmem>>) offsets(%dma_start3A_1012 : memref<50xi32, #tpu.memory_space<vmem>>) semaphore(%arg8 : memref<!tpu.dma_semaphore, #tpu.memory_space<semaphore_mem>>)
        %dma_start3A_1016 = arith.constant 1 : i32
        %dma_start3A_1017 = arith.constant 13 : i32
        %dma_start3A_1018 = arith.constant 1 : i32
        %dma_start3A_1019 = arith.constant 13 : i32
        %dma_start3A_1020 = arith.constant 0 : i32
        %dma_start3A_1021 = arith.constant 0 : i32
        %dma_start3A_1022 = tpu.memref_slice %arg6[%dma_start3A_1018, %dma_start3A_1019, %dma_start3A_1020, %dma_start3A_1021] : memref<2x16x50x32xf32, #tpu.memory_space<vmem>> -> memref<1x1x50x32xf32, #tpu.memory_space<vmem>>
        %dma_start3A_1023 = tpu.memref_squeeze %dma_start3A_1022 : memref<1x1x50x32xf32, #tpu.memory_space<vmem>> -> memref<50x32xf32, #tpu.memory_space<vmem>>
        %dma_start3A_1024 = arith.constant 0 : i32
        %dma_start3A_1025 = tpu.memref_slice %arg5[%dma_start3A_1016, %dma_start3A_1017, %dma_start3A_1024] : memref<2x16x50xi32, #tpu.memory_space<vmem>> -> memref<1x1x50xi32, #tpu.memory_space<vmem>>
        %dma_start3A_1026 = tpu.memref_squeeze %dma_start3A_1025 : memref<1x1x50xi32, #tpu.memory_space<vmem>> -> memref<50xi32, #tpu.memory_space<vmem>>
        %dma_start3A_1027 = arith.constant 0 : i32
        %dma_start3A_1028 = arith.constant 0 : i32
        %dma_start3A_1029 = tpu.memref_slice %arg3[%dma_start3A_1027, %dma_start3A_1028] : memref<1000000x32xf32, #tpu.memory_space<hbm>> -> memref<1000000x32xf32, #tpu.memory_space<hbm>>
        tpu.enqueue_indirect_dma source(%dma_start3A_1029 : memref<1000000x32xf32, #tpu.memory_space<hbm>>) target(%dma_start3A_1023 : memref<50x32xf32, #tpu.memory_space<vmem>>) offsets(%dma_start3A_1026 : memref<50xi32, #tpu.memory_space<vmem>>) semaphore(%arg8 : memref<!tpu.dma_semaphore, #tpu.memory_space<semaphore_mem>>)
        %dma_start3A_1030 = arith.constant 1 : i32
        %dma_start3A_1031 = arith.constant 14 : i32
        %dma_start3A_1032 = arith.constant 1 : i32
        %dma_start3A_1033 = arith.constant 14 : i32
        %dma_start3A_1034 = arith.constant 0 : i32
        %dma_start3A_1035 = arith.constant 0 : i32
        %dma_start3A_1036 = tpu.memref_slice %arg6[%dma_start3A_1032, %dma_start3A_1033, %dma_start3A_1034, %dma_start3A_1035] : memref<2x16x50x32xf32, #tpu.memory_space<vmem>> -> memref<1x1x50x32xf32, #tpu.memory_space<vmem>>
        %dma_start3A_1037 = tpu.memref_squeeze %dma_start3A_1036 : memref<1x1x50x32xf32, #tpu.memory_space<vmem>> -> memref<50x32xf32, #tpu.memory_space<vmem>>
        %dma_start3A_1038 = arith.constant 0 : i32
        %dma_start3A_1039 = tpu.memref_slice %arg5[%dma_start3A_1030, %dma_start3A_1031, %dma_start3A_1038] : memref<2x16x50xi32, #tpu.memory_space<vmem>> -> memref<1x1x50xi32, #tpu.memory_space<vmem>>
        %dma_start3A_1040 = tpu.memref_squeeze %dma_start3A_1039 : memref<1x1x50xi32, #tpu.memory_space<vmem>> -> memref<50xi32, #tpu.memory_space<vmem>>
        %dma_start3A_1041 = arith.constant 0 : i32
        %dma_start3A_1042 = arith.constant 0 : i32
        %dma_start3A_1043 = tpu.memref_slice %arg3[%dma_start3A_1041, %dma_start3A_1042] : memref<1000000x32xf32, #tpu.memory_space<hbm>> -> memref<1000000x32xf32, #tpu.memory_space<hbm>>
        tpu.enqueue_indirect_dma source(%dma_start3A_1043 : memref<1000000x32xf32, #tpu.memory_space<hbm>>) target(%dma_start3A_1037 : memref<50x32xf32, #tpu.memory_space<vmem>>) offsets(%dma_start3A_1040 : memref<50xi32, #tpu.memory_space<vmem>>) semaphore(%arg8 : memref<!tpu.dma_semaphore, #tpu.memory_space<semaphore_mem>>)
        %dma_start3A_1044 = arith.constant 1 : i32
        %dma_start3A_1045 = arith.constant 15 : i32
        %dma_start3A_1046 = arith.constant 1 : i32
        %dma_start3A_1047 = arith.constant 15 : i32
        %dma_start3A_1048 = arith.constant 0 : i32
        %dma_start3A_1049 = arith.constant 0 : i32
        %dma_start3A_1050 = tpu.memref_slice %arg6[%dma_start3A_1046, %dma_start3A_1047, %dma_start3A_1048, %dma_start3A_1049] : memref<2x16x50x32xf32, #tpu.memory_space<vmem>> -> memref<1x1x50x32xf32, #tpu.memory_space<vmem>>
        %dma_start3A_1051 = tpu.memref_squeeze %dma_start3A_1050 : memref<1x1x50x32xf32, #tpu.memory_space<vmem>> -> memref<50x32xf32, #tpu.memory_space<vmem>>
        %dma_start3A_1052 = arith.constant 0 : i32
        %dma_start3A_1053 = tpu.memref_slice %arg5[%dma_start3A_1044, %dma_start3A_1045, %dma_start3A_1052] : memref<2x16x50xi32, #tpu.memory_space<vmem>> -> memref<1x1x50xi32, #tpu.memory_space<vmem>>
        %dma_start3A_1054 = tpu.memref_squeeze %dma_start3A_1053 : memref<1x1x50xi32, #tpu.memory_space<vmem>> -> memref<50xi32, #tpu.memory_space<vmem>>
        %dma_start3A_1055 = arith.constant 0 : i32
        %dma_start3A_1056 = arith.constant 0 : i32
        %dma_start3A_1057 = tpu.memref_slice %arg3[%dma_start3A_1055, %dma_start3A_1056] : memref<1000000x32xf32, #tpu.memory_space<hbm>> -> memref<1000000x32xf32, #tpu.memory_space<hbm>>
        tpu.enqueue_indirect_dma source(%dma_start3A_1057 : memref<1000000x32xf32, #tpu.memory_space<hbm>>) target(%dma_start3A_1051 : memref<50x32xf32, #tpu.memory_space<vmem>>) offsets(%dma_start3A_1054 : memref<50xi32, #tpu.memory_space<vmem>>) semaphore(%arg8 : memref<!tpu.dma_semaphore, #tpu.memory_space<semaphore_mem>>)
      } else {
      }
      %dma_wait3A_303 = arith.constant 0 : i32
      %dma_wait3A_304 = arith.constant 0 : i32
      %dma_wait3A_305 = arith.constant 0 : i32
      %dma_wait3A_306 = arith.constant 0 : i32
      %dma_wait3A_307 = arith.constant 0 : i32
      %dma_wait3A_308 = arith.constant 0 : i32
      %dma_wait3A_309 = tpu.memref_slice %arg6[%dma_wait3A_305, %dma_wait3A_306, %dma_wait3A_307, %dma_wait3A_308] : memref<2x16x50x32xf32, #tpu.memory_space<vmem>> -> memref<1x1x50x32xf32, #tpu.memory_space<vmem>>
      %dma_wait3A_310 = tpu.memref_squeeze %dma_wait3A_309 : memref<1x1x50x32xf32, #tpu.memory_space<vmem>> -> memref<50x32xf32, #tpu.memory_space<vmem>>
      %dma_wait3A_311 = arith.constant 0 : i32
      %dma_wait3A_312 = tpu.memref_slice %arg5[%dma_wait3A_303, %dma_wait3A_304, %dma_wait3A_311] : memref<2x16x50xi32, #tpu.memory_space<vmem>> -> memref<1x1x50xi32, #tpu.memory_space<vmem>>
      %dma_wait3A_313 = tpu.memref_squeeze %dma_wait3A_312 : memref<1x1x50xi32, #tpu.memory_space<vmem>> -> memref<50xi32, #tpu.memory_space<vmem>>
      %dma_wait3A_314 = arith.constant 0 : i32
      %dma_wait3A_315 = arith.constant 0 : i32
      %dma_wait3A_316 = tpu.memref_slice %arg3[%dma_wait3A_314, %dma_wait3A_315] : memref<1000000x32xf32, #tpu.memory_space<hbm>> -> memref<1000000x32xf32, #tpu.memory_space<hbm>>
      tpu.wait_indirect_dma semaphore(%arg8 : memref<!tpu.dma_semaphore, #tpu.memory_space<semaphore_mem>>) src(%dma_wait3A_316 : memref<1000000x32xf32, #tpu.memory_space<hbm>>) dst(%dma_wait3A_310 : memref<50x32xf32, #tpu.memory_space<vmem>>)
      %dma_wait3A_317 = arith.constant 0 : i32
      %dma_wait3A_318 = arith.constant 1 : i32
      %dma_wait3A_319 = arith.constant 0 : i32
      %dma_wait3A_320 = arith.constant 1 : i32
      %dma_wait3A_321 = arith.constant 0 : i32
      %dma_wait3A_322 = arith.constant 0 : i32
      %dma_wait3A_323 = tpu.memref_slice %arg6[%dma_wait3A_319, %dma_wait3A_320, %dma_wait3A_321, %dma_wait3A_322] : memref<2x16x50x32xf32, #tpu.memory_space<vmem>> -> memref<1x1x50x32xf32, #tpu.memory_space<vmem>>
      %dma_wait3A_324 = tpu.memref_squeeze %dma_wait3A_323 : memref<1x1x50x32xf32, #tpu.memory_space<vmem>> -> memref<50x32xf32, #tpu.memory_space<vmem>>
      %dma_wait3A_325 = arith.constant 0 : i32
      %dma_wait3A_326 = tpu.memref_slice %arg5[%dma_wait3A_317, %dma_wait3A_318, %dma_wait3A_325] : memref<2x16x50xi32, #tpu.memory_space<vmem>> -> memref<1x1x50xi32, #tpu.memory_space<vmem>>
      %dma_wait3A_327 = tpu.memref_squeeze %dma_wait3A_326 : memref<1x1x50xi32, #tpu.memory_space<vmem>> -> memref<50xi32, #tpu.memory_space<vmem>>
      %dma_wait3A_328 = arith.constant 0 : i32
      %dma_wait3A_329 = arith.constant 0 : i32
      %dma_wait3A_330 = tpu.memref_slice %arg3[%dma_wait3A_328, %dma_wait3A_329] : memref<1000000x32xf32, #tpu.memory_space<hbm>> -> memref<1000000x32xf32, #tpu.memory_space<hbm>>
      tpu.wait_indirect_dma semaphore(%arg8 : memref<!tpu.dma_semaphore, #tpu.memory_space<semaphore_mem>>) src(%dma_wait3A_330 : memref<1000000x32xf32, #tpu.memory_space<hbm>>) dst(%dma_wait3A_324 : memref<50x32xf32, #tpu.memory_space<vmem>>)
      %dma_wait3A_331 = arith.constant 0 : i32
      %dma_wait3A_332 = arith.constant 2 : i32
      %dma_wait3A_333 = arith.constant 0 : i32
      %dma_wait3A_334 = arith.constant 2 : i32
      %dma_wait3A_335 = arith.constant 0 : i32
      %dma_wait3A_336 = arith.constant 0 : i32
      %dma_wait3A_337 = tpu.memref_slice %arg6[%dma_wait3A_333, %dma_wait3A_334, %dma_wait3A_335, %dma_wait3A_336] : memref<2x16x50x32xf32, #tpu.memory_space<vmem>> -> memref<1x1x50x32xf32, #tpu.memory_space<vmem>>
      %dma_wait3A_338 = tpu.memref_squeeze %dma_wait3A_337 : memref<1x1x50x32xf32, #tpu.memory_space<vmem>> -> memref<50x32xf32, #tpu.memory_space<vmem>>
      %dma_wait3A_339 = arith.constant 0 : i32
      %dma_wait3A_340 = tpu.memref_slice %arg5[%dma_wait3A_331, %dma_wait3A_332, %dma_wait3A_339] : memref<2x16x50xi32, #tpu.memory_space<vmem>> -> memref<1x1x50xi32, #tpu.memory_space<vmem>>
      %dma_wait3A_341 = tpu.memref_squeeze %dma_wait3A_340 : memref<1x1x50xi32, #tpu.memory_space<vmem>> -> memref<50xi32, #tpu.memory_space<vmem>>
      %dma_wait3A_342 = arith.constant 0 : i32
      %dma_wait3A_343 = arith.constant 0 : i32
      %dma_wait3A_344 = tpu.memref_slice %arg3[%dma_wait3A_342, %dma_wait3A_343] : memref<1000000x32xf32, #tpu.memory_space<hbm>> -> memref<1000000x32xf32, #tpu.memory_space<hbm>>
      tpu.wait_indirect_dma semaphore(%arg8 : memref<!tpu.dma_semaphore, #tpu.memory_space<semaphore_mem>>) src(%dma_wait3A_344 : memref<1000000x32xf32, #tpu.memory_space<hbm>>) dst(%dma_wait3A_338 : memref<50x32xf32, #tpu.memory_space<vmem>>)
      %dma_wait3A_345 = arith.constant 0 : i32
      %dma_wait3A_346 = arith.constant 3 : i32
      %dma_wait3A_347 = arith.constant 0 : i32
      %dma_wait3A_348 = arith.constant 3 : i32
      %dma_wait3A_349 = arith.constant 0 : i32
      %dma_wait3A_350 = arith.constant 0 : i32
      %dma_wait3A_351 = tpu.memref_slice %arg6[%dma_wait3A_347, %dma_wait3A_348, %dma_wait3A_349, %dma_wait3A_350] : memref<2x16x50x32xf32, #tpu.memory_space<vmem>> -> memref<1x1x50x32xf32, #tpu.memory_space<vmem>>
      %dma_wait3A_352 = tpu.memref_squeeze %dma_wait3A_351 : memref<1x1x50x32xf32, #tpu.memory_space<vmem>> -> memref<50x32xf32, #tpu.memory_space<vmem>>
      %dma_wait3A_353 = arith.constant 0 : i32
      %dma_wait3A_354 = tpu.memref_slice %arg5[%dma_wait3A_345, %dma_wait3A_346, %dma_wait3A_353] : memref<2x16x50xi32, #tpu.memory_space<vmem>> -> memref<1x1x50xi32, #tpu.memory_space<vmem>>
      %dma_wait3A_355 = tpu.memref_squeeze %dma_wait3A_354 : memref<1x1x50xi32, #tpu.memory_space<vmem>> -> memref<50xi32, #tpu.memory_space<vmem>>
      %dma_wait3A_356 = arith.constant 0 : i32
      %dma_wait3A_357 = arith.constant 0 : i32
      %dma_wait3A_358 = tpu.memref_slice %arg3[%dma_wait3A_356, %dma_wait3A_357] : memref<1000000x32xf32, #tpu.memory_space<hbm>> -> memref<1000000x32xf32, #tpu.memory_space<hbm>>
      tpu.wait_indirect_dma semaphore(%arg8 : memref<!tpu.dma_semaphore, #tpu.memory_space<semaphore_mem>>) src(%dma_wait3A_358 : memref<1000000x32xf32, #tpu.memory_space<hbm>>) dst(%dma_wait3A_352 : memref<50x32xf32, #tpu.memory_space<vmem>>)
      %dma_wait3A_359 = arith.constant 0 : i32
      %dma_wait3A_360 = arith.constant 4 : i32
      %dma_wait3A_361 = arith.constant 0 : i32
      %dma_wait3A_362 = arith.constant 4 : i32
      %dma_wait3A_363 = arith.constant 0 : i32
      %dma_wait3A_364 = arith.constant 0 : i32
      %dma_wait3A_365 = tpu.memref_slice %arg6[%dma_wait3A_361, %dma_wait3A_362, %dma_wait3A_363, %dma_wait3A_364] : memref<2x16x50x32xf32, #tpu.memory_space<vmem>> -> memref<1x1x50x32xf32, #tpu.memory_space<vmem>>
      %dma_wait3A_366 = tpu.memref_squeeze %dma_wait3A_365 : memref<1x1x50x32xf32, #tpu.memory_space<vmem>> -> memref<50x32xf32, #tpu.memory_space<vmem>>
      %dma_wait3A_367 = arith.constant 0 : i32
      %dma_wait3A_368 = tpu.memref_slice %arg5[%dma_wait3A_359, %dma_wait3A_360, %dma_wait3A_367] : memref<2x16x50xi32, #tpu.memory_space<vmem>> -> memref<1x1x50xi32, #tpu.memory_space<vmem>>
      %dma_wait3A_369 = tpu.memref_squeeze %dma_wait3A_368 : memref<1x1x50xi32, #tpu.memory_space<vmem>> -> memref<50xi32, #tpu.memory_space<vmem>>
      %dma_wait3A_370 = arith.constant 0 : i32
      %dma_wait3A_371 = arith.constant 0 : i32
      %dma_wait3A_372 = tpu.memref_slice %arg3[%dma_wait3A_370, %dma_wait3A_371] : memref<1000000x32xf32, #tpu.memory_space<hbm>> -> memref<1000000x32xf32, #tpu.memory_space<hbm>>
      tpu.wait_indirect_dma semaphore(%arg8 : memref<!tpu.dma_semaphore, #tpu.memory_space<semaphore_mem>>) src(%dma_wait3A_372 : memref<1000000x32xf32, #tpu.memory_space<hbm>>) dst(%dma_wait3A_366 : memref<50x32xf32, #tpu.memory_space<vmem>>)
      %dma_wait3A_373 = arith.constant 0 : i32
      %dma_wait3A_374 = arith.constant 5 : i32
      %dma_wait3A_375 = arith.constant 0 : i32
      %dma_wait3A_376 = arith.constant 5 : i32
      %dma_wait3A_377 = arith.constant 0 : i32
      %dma_wait3A_378 = arith.constant 0 : i32
      %dma_wait3A_379 = tpu.memref_slice %arg6[%dma_wait3A_375, %dma_wait3A_376, %dma_wait3A_377, %dma_wait3A_378] : memref<2x16x50x32xf32, #tpu.memory_space<vmem>> -> memref<1x1x50x32xf32, #tpu.memory_space<vmem>>
      %dma_wait3A_380 = tpu.memref_squeeze %dma_wait3A_379 : memref<1x1x50x32xf32, #tpu.memory_space<vmem>> -> memref<50x32xf32, #tpu.memory_space<vmem>>
      %dma_wait3A_381 = arith.constant 0 : i32
      %dma_wait3A_382 = tpu.memref_slice %arg5[%dma_wait3A_373, %dma_wait3A_374, %dma_wait3A_381] : memref<2x16x50xi32, #tpu.memory_space<vmem>> -> memref<1x1x50xi32, #tpu.memory_space<vmem>>
      %dma_wait3A_383 = tpu.memref_squeeze %dma_wait3A_382 : memref<1x1x50xi32, #tpu.memory_space<vmem>> -> memref<50xi32, #tpu.memory_space<vmem>>
      %dma_wait3A_384 = arith.constant 0 : i32
      %dma_wait3A_385 = arith.constant 0 : i32
      %dma_wait3A_386 = tpu.memref_slice %arg3[%dma_wait3A_384, %dma_wait3A_385] : memref<1000000x32xf32, #tpu.memory_space<hbm>> -> memref<1000000x32xf32, #tpu.memory_space<hbm>>
      tpu.wait_indirect_dma semaphore(%arg8 : memref<!tpu.dma_semaphore, #tpu.memory_space<semaphore_mem>>) src(%dma_wait3A_386 : memref<1000000x32xf32, #tpu.memory_space<hbm>>) dst(%dma_wait3A_380 : memref<50x32xf32, #tpu.memory_space<vmem>>)
      %dma_wait3A_387 = arith.constant 0 : i32
      %dma_wait3A_388 = arith.constant 6 : i32
      %dma_wait3A_389 = arith.constant 0 : i32
      %dma_wait3A_390 = arith.constant 6 : i32
      %dma_wait3A_391 = arith.constant 0 : i32
      %dma_wait3A_392 = arith.constant 0 : i32
      %dma_wait3A_393 = tpu.memref_slice %arg6[%dma_wait3A_389, %dma_wait3A_390, %dma_wait3A_391, %dma_wait3A_392] : memref<2x16x50x32xf32, #tpu.memory_space<vmem>> -> memref<1x1x50x32xf32, #tpu.memory_space<vmem>>
      %dma_wait3A_394 = tpu.memref_squeeze %dma_wait3A_393 : memref<1x1x50x32xf32, #tpu.memory_space<vmem>> -> memref<50x32xf32, #tpu.memory_space<vmem>>
      %dma_wait3A_395 = arith.constant 0 : i32
      %dma_wait3A_396 = tpu.memref_slice %arg5[%dma_wait3A_387, %dma_wait3A_388, %dma_wait3A_395] : memref<2x16x50xi32, #tpu.memory_space<vmem>> -> memref<1x1x50xi32, #tpu.memory_space<vmem>>
      %dma_wait3A_397 = tpu.memref_squeeze %dma_wait3A_396 : memref<1x1x50xi32, #tpu.memory_space<vmem>> -> memref<50xi32, #tpu.memory_space<vmem>>
      %dma_wait3A_398 = arith.constant 0 : i32
      %dma_wait3A_399 = arith.constant 0 : i32
      %dma_wait3A_400 = tpu.memref_slice %arg3[%dma_wait3A_398, %dma_wait3A_399] : memref<1000000x32xf32, #tpu.memory_space<hbm>> -> memref<1000000x32xf32, #tpu.memory_space<hbm>>
      tpu.wait_indirect_dma semaphore(%arg8 : memref<!tpu.dma_semaphore, #tpu.memory_space<semaphore_mem>>) src(%dma_wait3A_400 : memref<1000000x32xf32, #tpu.memory_space<hbm>>) dst(%dma_wait3A_394 : memref<50x32xf32, #tpu.memory_space<vmem>>)
      %dma_wait3A_401 = arith.constant 0 : i32
      %dma_wait3A_402 = arith.constant 7 : i32
      %dma_wait3A_403 = arith.constant 0 : i32
      %dma_wait3A_404 = arith.constant 7 : i32
      %dma_wait3A_405 = arith.constant 0 : i32
      %dma_wait3A_406 = arith.constant 0 : i32
      %dma_wait3A_407 = tpu.memref_slice %arg6[%dma_wait3A_403, %dma_wait3A_404, %dma_wait3A_405, %dma_wait3A_406] : memref<2x16x50x32xf32, #tpu.memory_space<vmem>> -> memref<1x1x50x32xf32, #tpu.memory_space<vmem>>
      %dma_wait3A_408 = tpu.memref_squeeze %dma_wait3A_407 : memref<1x1x50x32xf32, #tpu.memory_space<vmem>> -> memref<50x32xf32, #tpu.memory_space<vmem>>
      %dma_wait3A_409 = arith.constant 0 : i32
      %dma_wait3A_410 = tpu.memref_slice %arg5[%dma_wait3A_401, %dma_wait3A_402, %dma_wait3A_409] : memref<2x16x50xi32, #tpu.memory_space<vmem>> -> memref<1x1x50xi32, #tpu.memory_space<vmem>>
      %dma_wait3A_411 = tpu.memref_squeeze %dma_wait3A_410 : memref<1x1x50xi32, #tpu.memory_space<vmem>> -> memref<50xi32, #tpu.memory_space<vmem>>
      %dma_wait3A_412 = arith.constant 0 : i32
      %dma_wait3A_413 = arith.constant 0 : i32
      %dma_wait3A_414 = tpu.memref_slice %arg3[%dma_wait3A_412, %dma_wait3A_413] : memref<1000000x32xf32, #tpu.memory_space<hbm>> -> memref<1000000x32xf32, #tpu.memory_space<hbm>>
      tpu.wait_indirect_dma semaphore(%arg8 : memref<!tpu.dma_semaphore, #tpu.memory_space<semaphore_mem>>) src(%dma_wait3A_414 : memref<1000000x32xf32, #tpu.memory_space<hbm>>) dst(%dma_wait3A_408 : memref<50x32xf32, #tpu.memory_space<vmem>>)
      %dma_wait3A_415 = arith.constant 0 : i32
      %dma_wait3A_416 = arith.constant 8 : i32
      %dma_wait3A_417 = arith.constant 0 : i32
      %dma_wait3A_418 = arith.constant 8 : i32
      %dma_wait3A_419 = arith.constant 0 : i32
      %dma_wait3A_420 = arith.constant 0 : i32
      %dma_wait3A_421 = tpu.memref_slice %arg6[%dma_wait3A_417, %dma_wait3A_418, %dma_wait3A_419, %dma_wait3A_420] : memref<2x16x50x32xf32, #tpu.memory_space<vmem>> -> memref<1x1x50x32xf32, #tpu.memory_space<vmem>>
      %dma_wait3A_422 = tpu.memref_squeeze %dma_wait3A_421 : memref<1x1x50x32xf32, #tpu.memory_space<vmem>> -> memref<50x32xf32, #tpu.memory_space<vmem>>
      %dma_wait3A_423 = arith.constant 0 : i32
      %dma_wait3A_424 = tpu.memref_slice %arg5[%dma_wait3A_415, %dma_wait3A_416, %dma_wait3A_423] : memref<2x16x50xi32, #tpu.memory_space<vmem>> -> memref<1x1x50xi32, #tpu.memory_space<vmem>>
      %dma_wait3A_425 = tpu.memref_squeeze %dma_wait3A_424 : memref<1x1x50xi32, #tpu.memory_space<vmem>> -> memref<50xi32, #tpu.memory_space<vmem>>
      %dma_wait3A_426 = arith.constant 0 : i32
      %dma_wait3A_427 = arith.constant 0 : i32
      %dma_wait3A_428 = tpu.memref_slice %arg3[%dma_wait3A_426, %dma_wait3A_427] : memref<1000000x32xf32, #tpu.memory_space<hbm>> -> memref<1000000x32xf32, #tpu.memory_space<hbm>>
      tpu.wait_indirect_dma semaphore(%arg8 : memref<!tpu.dma_semaphore, #tpu.memory_space<semaphore_mem>>) src(%dma_wait3A_428 : memref<1000000x32xf32, #tpu.memory_space<hbm>>) dst(%dma_wait3A_422 : memref<50x32xf32, #tpu.memory_space<vmem>>)
      %dma_wait3A_429 = arith.constant 0 : i32
      %dma_wait3A_430 = arith.constant 9 : i32
      %dma_wait3A_431 = arith.constant 0 : i32
      %dma_wait3A_432 = arith.constant 9 : i32
      %dma_wait3A_433 = arith.constant 0 : i32
      %dma_wait3A_434 = arith.constant 0 : i32
      %dma_wait3A_435 = tpu.memref_slice %arg6[%dma_wait3A_431, %dma_wait3A_432, %dma_wait3A_433, %dma_wait3A_434] : memref<2x16x50x32xf32, #tpu.memory_space<vmem>> -> memref<1x1x50x32xf32, #tpu.memory_space<vmem>>
      %dma_wait3A_436 = tpu.memref_squeeze %dma_wait3A_435 : memref<1x1x50x32xf32, #tpu.memory_space<vmem>> -> memref<50x32xf32, #tpu.memory_space<vmem>>
      %dma_wait3A_437 = arith.constant 0 : i32
      %dma_wait3A_438 = tpu.memref_slice %arg5[%dma_wait3A_429, %dma_wait3A_430, %dma_wait3A_437] : memref<2x16x50xi32, #tpu.memory_space<vmem>> -> memref<1x1x50xi32, #tpu.memory_space<vmem>>
      %dma_wait3A_439 = tpu.memref_squeeze %dma_wait3A_438 : memref<1x1x50xi32, #tpu.memory_space<vmem>> -> memref<50xi32, #tpu.memory_space<vmem>>
      %dma_wait3A_440 = arith.constant 0 : i32
      %dma_wait3A_441 = arith.constant 0 : i32
      %dma_wait3A_442 = tpu.memref_slice %arg3[%dma_wait3A_440, %dma_wait3A_441] : memref<1000000x32xf32, #tpu.memory_space<hbm>> -> memref<1000000x32xf32, #tpu.memory_space<hbm>>
      tpu.wait_indirect_dma semaphore(%arg8 : memref<!tpu.dma_semaphore, #tpu.memory_space<semaphore_mem>>) src(%dma_wait3A_442 : memref<1000000x32xf32, #tpu.memory_space<hbm>>) dst(%dma_wait3A_436 : memref<50x32xf32, #tpu.memory_space<vmem>>)
      %dma_wait3A_443 = arith.constant 0 : i32
      %dma_wait3A_444 = arith.constant 10 : i32
      %dma_wait3A_445 = arith.constant 0 : i32
      %dma_wait3A_446 = arith.constant 10 : i32
      %dma_wait3A_447 = arith.constant 0 : i32
      %dma_wait3A_448 = arith.constant 0 : i32
      %dma_wait3A_449 = tpu.memref_slice %arg6[%dma_wait3A_445, %dma_wait3A_446, %dma_wait3A_447, %dma_wait3A_448] : memref<2x16x50x32xf32, #tpu.memory_space<vmem>> -> memref<1x1x50x32xf32, #tpu.memory_space<vmem>>
      %dma_wait3A_450 = tpu.memref_squeeze %dma_wait3A_449 : memref<1x1x50x32xf32, #tpu.memory_space<vmem>> -> memref<50x32xf32, #tpu.memory_space<vmem>>
      %dma_wait3A_451 = arith.constant 0 : i32
      %dma_wait3A_452 = tpu.memref_slice %arg5[%dma_wait3A_443, %dma_wait3A_444, %dma_wait3A_451] : memref<2x16x50xi32, #tpu.memory_space<vmem>> -> memref<1x1x50xi32, #tpu.memory_space<vmem>>
      %dma_wait3A_453 = tpu.memref_squeeze %dma_wait3A_452 : memref<1x1x50xi32, #tpu.memory_space<vmem>> -> memref<50xi32, #tpu.memory_space<vmem>>
      %dma_wait3A_454 = arith.constant 0 : i32
      %dma_wait3A_455 = arith.constant 0 : i32
      %dma_wait3A_456 = tpu.memref_slice %arg3[%dma_wait3A_454, %dma_wait3A_455] : memref<1000000x32xf32, #tpu.memory_space<hbm>> -> memref<1000000x32xf32, #tpu.memory_space<hbm>>
      tpu.wait_indirect_dma semaphore(%arg8 : memref<!tpu.dma_semaphore, #tpu.memory_space<semaphore_mem>>) src(%dma_wait3A_456 : memref<1000000x32xf32, #tpu.memory_space<hbm>>) dst(%dma_wait3A_450 : memref<50x32xf32, #tpu.memory_space<vmem>>)
      %dma_wait3A_457 = arith.constant 0 : i32
      %dma_wait3A_458 = arith.constant 11 : i32
      %dma_wait3A_459 = arith.constant 0 : i32
      %dma_wait3A_460 = arith.constant 11 : i32
      %dma_wait3A_461 = arith.constant 0 : i32
      %dma_wait3A_462 = arith.constant 0 : i32
      %dma_wait3A_463 = tpu.memref_slice %arg6[%dma_wait3A_459, %dma_wait3A_460, %dma_wait3A_461, %dma_wait3A_462] : memref<2x16x50x32xf32, #tpu.memory_space<vmem>> -> memref<1x1x50x32xf32, #tpu.memory_space<vmem>>
      %dma_wait3A_464 = tpu.memref_squeeze %dma_wait3A_463 : memref<1x1x50x32xf32, #tpu.memory_space<vmem>> -> memref<50x32xf32, #tpu.memory_space<vmem>>
      %dma_wait3A_465 = arith.constant 0 : i32
      %dma_wait3A_466 = tpu.memref_slice %arg5[%dma_wait3A_457, %dma_wait3A_458, %dma_wait3A_465] : memref<2x16x50xi32, #tpu.memory_space<vmem>> -> memref<1x1x50xi32, #tpu.memory_space<vmem>>
      %dma_wait3A_467 = tpu.memref_squeeze %dma_wait3A_466 : memref<1x1x50xi32, #tpu.memory_space<vmem>> -> memref<50xi32, #tpu.memory_space<vmem>>
      %dma_wait3A_468 = arith.constant 0 : i32
      %dma_wait3A_469 = arith.constant 0 : i32
      %dma_wait3A_470 = tpu.memref_slice %arg3[%dma_wait3A_468, %dma_wait3A_469] : memref<1000000x32xf32, #tpu.memory_space<hbm>> -> memref<1000000x32xf32, #tpu.memory_space<hbm>>
      tpu.wait_indirect_dma semaphore(%arg8 : memref<!tpu.dma_semaphore, #tpu.memory_space<semaphore_mem>>) src(%dma_wait3A_470 : memref<1000000x32xf32, #tpu.memory_space<hbm>>) dst(%dma_wait3A_464 : memref<50x32xf32, #tpu.memory_space<vmem>>)
      %dma_wait3A_471 = arith.constant 0 : i32
      %dma_wait3A_472 = arith.constant 12 : i32
      %dma_wait3A_473 = arith.constant 0 : i32
      %dma_wait3A_474 = arith.constant 12 : i32
      %dma_wait3A_475 = arith.constant 0 : i32
      %dma_wait3A_476 = arith.constant 0 : i32
      %dma_wait3A_477 = tpu.memref_slice %arg6[%dma_wait3A_473, %dma_wait3A_474, %dma_wait3A_475, %dma_wait3A_476] : memref<2x16x50x32xf32, #tpu.memory_space<vmem>> -> memref<1x1x50x32xf32, #tpu.memory_space<vmem>>
      %dma_wait3A_478 = tpu.memref_squeeze %dma_wait3A_477 : memref<1x1x50x32xf32, #tpu.memory_space<vmem>> -> memref<50x32xf32, #tpu.memory_space<vmem>>
      %dma_wait3A_479 = arith.constant 0 : i32
      %dma_wait3A_480 = tpu.memref_slice %arg5[%dma_wait3A_471, %dma_wait3A_472, %dma_wait3A_479] : memref<2x16x50xi32, #tpu.memory_space<vmem>> -> memref<1x1x50xi32, #tpu.memory_space<vmem>>
      %dma_wait3A_481 = tpu.memref_squeeze %dma_wait3A_480 : memref<1x1x50xi32, #tpu.memory_space<vmem>> -> memref<50xi32, #tpu.memory_space<vmem>>
      %dma_wait3A_482 = arith.constant 0 : i32
      %dma_wait3A_483 = arith.constant 0 : i32
      %dma_wait3A_484 = tpu.memref_slice %arg3[%dma_wait3A_482, %dma_wait3A_483] : memref<1000000x32xf32, #tpu.memory_space<hbm>> -> memref<1000000x32xf32, #tpu.memory_space<hbm>>
      tpu.wait_indirect_dma semaphore(%arg8 : memref<!tpu.dma_semaphore, #tpu.memory_space<semaphore_mem>>) src(%dma_wait3A_484 : memref<1000000x32xf32, #tpu.memory_space<hbm>>) dst(%dma_wait3A_478 : memref<50x32xf32, #tpu.memory_space<vmem>>)
      %dma_wait3A_485 = arith.constant 0 : i32
      %dma_wait3A_486 = arith.constant 13 : i32
      %dma_wait3A_487 = arith.constant 0 : i32
      %dma_wait3A_488 = arith.constant 13 : i32
      %dma_wait3A_489 = arith.constant 0 : i32
      %dma_wait3A_490 = arith.constant 0 : i32
      %dma_wait3A_491 = tpu.memref_slice %arg6[%dma_wait3A_487, %dma_wait3A_488, %dma_wait3A_489, %dma_wait3A_490] : memref<2x16x50x32xf32, #tpu.memory_space<vmem>> -> memref<1x1x50x32xf32, #tpu.memory_space<vmem>>
      %dma_wait3A_492 = tpu.memref_squeeze %dma_wait3A_491 : memref<1x1x50x32xf32, #tpu.memory_space<vmem>> -> memref<50x32xf32, #tpu.memory_space<vmem>>
      %dma_wait3A_493 = arith.constant 0 : i32
      %dma_wait3A_494 = tpu.memref_slice %arg5[%dma_wait3A_485, %dma_wait3A_486, %dma_wait3A_493] : memref<2x16x50xi32, #tpu.memory_space<vmem>> -> memref<1x1x50xi32, #tpu.memory_space<vmem>>
      %dma_wait3A_495 = tpu.memref_squeeze %dma_wait3A_494 : memref<1x1x50xi32, #tpu.memory_space<vmem>> -> memref<50xi32, #tpu.memory_space<vmem>>
      %dma_wait3A_496 = arith.constant 0 : i32
      %dma_wait3A_497 = arith.constant 0 : i32
      %dma_wait3A_498 = tpu.memref_slice %arg3[%dma_wait3A_496, %dma_wait3A_497] : memref<1000000x32xf32, #tpu.memory_space<hbm>> -> memref<1000000x32xf32, #tpu.memory_space<hbm>>
      tpu.wait_indirect_dma semaphore(%arg8 : memref<!tpu.dma_semaphore, #tpu.memory_space<semaphore_mem>>) src(%dma_wait3A_498 : memref<1000000x32xf32, #tpu.memory_space<hbm>>) dst(%dma_wait3A_492 : memref<50x32xf32, #tpu.memory_space<vmem>>)
      %dma_wait3A_499 = arith.constant 0 : i32
      %dma_wait3A_500 = arith.constant 14 : i32
      %dma_wait3A_501 = arith.constant 0 : i32
      %dma_wait3A_502 = arith.constant 14 : i32
      %dma_wait3A_503 = arith.constant 0 : i32
      %dma_wait3A_504 = arith.constant 0 : i32
      %dma_wait3A_505 = tpu.memref_slice %arg6[%dma_wait3A_501, %dma_wait3A_502, %dma_wait3A_503, %dma_wait3A_504] : memref<2x16x50x32xf32, #tpu.memory_space<vmem>> -> memref<1x1x50x32xf32, #tpu.memory_space<vmem>>
      %dma_wait3A_506 = tpu.memref_squeeze %dma_wait3A_505 : memref<1x1x50x32xf32, #tpu.memory_space<vmem>> -> memref<50x32xf32, #tpu.memory_space<vmem>>
      %dma_wait3A_507 = arith.constant 0 : i32
      %dma_wait3A_508 = tpu.memref_slice %arg5[%dma_wait3A_499, %dma_wait3A_500, %dma_wait3A_507] : memref<2x16x50xi32, #tpu.memory_space<vmem>> -> memref<1x1x50xi32, #tpu.memory_space<vmem>>
      %dma_wait3A_509 = tpu.memref_squeeze %dma_wait3A_508 : memref<1x1x50xi32, #tpu.memory_space<vmem>> -> memref<50xi32, #tpu.memory_space<vmem>>
      %dma_wait3A_510 = arith.constant 0 : i32
      %dma_wait3A_511 = arith.constant 0 : i32
      %dma_wait3A_512 = tpu.memref_slice %arg3[%dma_wait3A_510, %dma_wait3A_511] : memref<1000000x32xf32, #tpu.memory_space<hbm>> -> memref<1000000x32xf32, #tpu.memory_space<hbm>>
      tpu.wait_indirect_dma semaphore(%arg8 : memref<!tpu.dma_semaphore, #tpu.memory_space<semaphore_mem>>) src(%dma_wait3A_512 : memref<1000000x32xf32, #tpu.memory_space<hbm>>) dst(%dma_wait3A_506 : memref<50x32xf32, #tpu.memory_space<vmem>>)
      %dma_wait3A_513 = arith.constant 0 : i32
      %dma_wait3A_514 = arith.constant 15 : i32
      %dma_wait3A_515 = arith.constant 0 : i32
      %dma_wait3A_516 = arith.constant 15 : i32
      %dma_wait3A_517 = arith.constant 0 : i32
      %dma_wait3A_518 = arith.constant 0 : i32
      %dma_wait3A_519 = tpu.memref_slice %arg6[%dma_wait3A_515, %dma_wait3A_516, %dma_wait3A_517, %dma_wait3A_518] : memref<2x16x50x32xf32, #tpu.memory_space<vmem>> -> memref<1x1x50x32xf32, #tpu.memory_space<vmem>>
      %dma_wait3A_520 = tpu.memref_squeeze %dma_wait3A_519 : memref<1x1x50x32xf32, #tpu.memory_space<vmem>> -> memref<50x32xf32, #tpu.memory_space<vmem>>
      %dma_wait3A_521 = arith.constant 0 : i32
      %dma_wait3A_522 = tpu.memref_slice %arg5[%dma_wait3A_513, %dma_wait3A_514, %dma_wait3A_521] : memref<2x16x50xi32, #tpu.memory_space<vmem>> -> memref<1x1x50xi32, #tpu.memory_space<vmem>>
      %dma_wait3A_523 = tpu.memref_squeeze %dma_wait3A_522 : memref<1x1x50xi32, #tpu.memory_space<vmem>> -> memref<50xi32, #tpu.memory_space<vmem>>
      %dma_wait3A_524 = arith.constant 0 : i32
      %dma_wait3A_525 = arith.constant 0 : i32
      %dma_wait3A_526 = tpu.memref_slice %arg3[%dma_wait3A_524, %dma_wait3A_525] : memref<1000000x32xf32, #tpu.memory_space<hbm>> -> memref<1000000x32xf32, #tpu.memory_space<hbm>>
      tpu.wait_indirect_dma semaphore(%arg8 : memref<!tpu.dma_semaphore, #tpu.memory_space<semaphore_mem>>) src(%dma_wait3A_526 : memref<1000000x32xf32, #tpu.memory_space<hbm>>) dst(%dma_wait3A_520 : memref<50x32xf32, #tpu.memory_space<vmem>>)
      %add3A_527 = arith.constant 2 : i32
      %add3A_528 = arith.addi %add3A_294, %add3A_527 : i32
      %lt3A_529 = arith.constant 32 : i32
      %lt3A_530 = arith.cmpi slt, %add3A_528, %lt3A_529 : i32
      %convert_element_type3A_531 = arith.extui %lt3A_530 : i1 to i32
      %cond3A_532 = arith.constant 0 : i32
      %cond3A_533 = arith.cmpi ne, %convert_element_type3A_531, %cond3A_532 : i32
      scf.if %cond3A_533 {
        %add3A_821 = arith.constant 2 : i32
        %add3A_822 = arith.addi %add3A_294, %add3A_821 : i32
        %mul3A_823 = arith.constant 16 : i32
        %mul3A_824 = arith.muli %add3A_822, %mul3A_823 : i32
        %add3A_825 = arith.addi %mul3A_2, %mul3A_824 : i32
        %dma_start3A_826 = arith.constant 0 : i32
        %dma_start3A_827 = arith.constant 0 : i32
        %dma_start3A_828 = arith.constant 0 : i32
        %dma_start3A_829 = tpu.memref_slice %arg5[%dma_start3A_826, %dma_start3A_827, %dma_start3A_828] : memref<2x16x50xi32, #tpu.memory_space<vmem>> -> memref<1x16x50xi32, #tpu.memory_space<vmem>>
        %dma_start3A_830 = tpu.memref_squeeze %dma_start3A_829 : memref<1x16x50xi32, #tpu.memory_space<vmem>> -> memref<16x50xi32, #tpu.memory_space<vmem>>
        %dma_start3A_831 = arith.constant 0 : i32
        %dma_start3A_832 = tpu.memref_slice %arg2[%add3A_825, %dma_start3A_831] : memref<16384x50xi32, #tpu.memory_space<hbm>> -> memref<16x50xi32, #tpu.memory_space<hbm>>
        %dma_start3A_833 = arith.constant 0 : i32
        %dma_start3A_834 = arith.constant 0 : i32
        %dma_start3A_835 = tpu.memref_slice %arg5[%dma_start3A_826, %dma_start3A_833, %dma_start3A_834] : memref<2x16x50xi32, #tpu.memory_space<vmem>> -> memref<1x16x50xi32, #tpu.memory_space<vmem>>
        %dma_start3A_836 = tpu.memref_squeeze %dma_start3A_835 : memref<1x16x50xi32, #tpu.memory_space<vmem>> -> memref<16x50xi32, #tpu.memory_space<vmem>>
        %dma_start3A_837 = arith.constant 0 : i32
        %dma_start3A_838 = tpu.memref_slice %arg2[%add3A_825, %dma_start3A_837] : memref<16384x50xi32, #tpu.memory_space<hbm>> -> memref<16x50xi32, #tpu.memory_space<hbm>>
        tpu.enqueue_dma source(%dma_start3A_838 : memref<16x50xi32, #tpu.memory_space<hbm>>) target(%dma_start3A_836 : memref<16x50xi32, #tpu.memory_space<vmem>>) target_semaphore(%arg7 : memref<!tpu.dma_semaphore, #tpu.memory_space<semaphore_mem>>)
      } else {
      }
      %mul3A_534 = arith.constant 16 : i32
      %mul3A_535 = arith.muli %add3A_294, %mul3A_534 : i32
      %add3A_536 = arith.addi %mul3A_2, %mul3A_535 : i32
      %dma_start3A_537 = arith.constant 0 : i32
      %dma_start3A_538 = arith.constant 0 : i32
      %dma_start3A_539 = arith.constant 0 : i32
      %dma_start3A_540 = arith.constant 0 : i32
      %dma_start3A_541 = tpu.memref_slice %arg6[%dma_start3A_537, %dma_start3A_538, %dma_start3A_539, %dma_start3A_540] : memref<2x16x50x32xf32, #tpu.memory_space<vmem>> -> memref<1x16x50x32xf32, #tpu.memory_space<vmem>>
      %dma_start3A_542 = tpu.memref_squeeze %dma_start3A_541 : memref<1x16x50x32xf32, #tpu.memory_space<vmem>> -> memref<16x50x32xf32, #tpu.memory_space<vmem>>
      %dma_start3A_543 = arith.constant 0 : i32
      %dma_start3A_544 = arith.constant 0 : i32
      %dma_start3A_545 = tpu.memref_slice %arg4[%add3A_536, %dma_start3A_543, %dma_start3A_544] : memref<16384x50x32xf32, #tpu.memory_space<hbm>> -> memref<16x50x32xf32, #tpu.memory_space<hbm>>
      %dma_start3A_546 = arith.constant 0 : i32
      %dma_start3A_547 = arith.constant 0 : i32
      %dma_start3A_548 = tpu.memref_slice %arg4[%add3A_536, %dma_start3A_546, %dma_start3A_547] : memref<16384x50x32xf32, #tpu.memory_space<hbm>> -> memref<16x50x32xf32, #tpu.memory_space<hbm>>
      %dma_start3A_549 = arith.constant 0 : i32
      %dma_start3A_550 = arith.constant 0 : i32
      %dma_start3A_551 = arith.constant 0 : i32
      %dma_start3A_552 = tpu.memref_slice %arg6[%dma_start3A_537, %dma_start3A_549, %dma_start3A_550, %dma_start3A_551] : memref<2x16x50x32xf32, #tpu.memory_space<vmem>> -> memref<1x16x50x32xf32, #tpu.memory_space<vmem>>
      %dma_start3A_553 = tpu.memref_squeeze %dma_start3A_552 : memref<1x16x50x32xf32, #tpu.memory_space<vmem>> -> memref<16x50x32xf32, #tpu.memory_space<vmem>>
      tpu.enqueue_dma source(%dma_start3A_553 : memref<16x50x32xf32, #tpu.memory_space<vmem>>) target(%dma_start3A_548 : memref<16x50x32xf32, #tpu.memory_space<hbm>>) target_semaphore(%arg9 : memref<!tpu.dma_semaphore, #tpu.memory_space<semaphore_mem>>)
      %mul3A_554 = arith.constant 2 : i32
      %mul3A_555 = arith.muli %mul3A_554, %scan3A_290 : i32
      %add3A_556 = arith.constant 1 : i32
      %add3A_557 = arith.addi %mul3A_555, %add3A_556 : i32
      %ge3A_558 = arith.constant 1 : i32
      %ge3A_559 = arith.cmpi sge, %add3A_557, %ge3A_558 : i32
      %convert_element_type3A_560 = arith.extui %ge3A_559 : i1 to i32
      %cond3A_561 = arith.constant 0 : i32
      %cond3A_562 = arith.cmpi ne, %convert_element_type3A_560, %cond3A_561 : i32
      scf.if %cond3A_562 {
        %dma_wait3A_821 = arith.constant 0 : i32
        %dma_wait3A_822 = arith.constant 0 : i32
        %dma_wait3A_823 = arith.constant 0 : i32
        %dma_wait3A_824 = arith.constant 0 : i32
        %dma_wait3A_825 = tpu.memref_slice %arg6[%dma_wait3A_821, %dma_wait3A_822, %dma_wait3A_823, %dma_wait3A_824] : memref<2x16x50x32xf32, #tpu.memory_space<vmem>> -> memref<1x16x50x32xf32, #tpu.memory_space<vmem>>
        %dma_wait3A_826 = tpu.memref_squeeze %dma_wait3A_825 : memref<1x16x50x32xf32, #tpu.memory_space<vmem>> -> memref<16x50x32xf32, #tpu.memory_space<vmem>>
        %dma_wait3A_827 = arith.constant 0 : i32
        %dma_wait3A_828 = arith.constant 0 : i32
        %dma_wait3A_829 = tpu.memref_slice %arg4[%mul3A_2, %dma_wait3A_827, %dma_wait3A_828] : memref<16384x50x32xf32, #tpu.memory_space<hbm>> -> memref<16x50x32xf32, #tpu.memory_space<hbm>>
        %dma_wait3A_830 = arith.constant 0 : i32
        %dma_wait3A_831 = arith.constant 0 : i32
        %dma_wait3A_832 = tpu.memref_slice %arg4[%mul3A_2, %dma_wait3A_830, %dma_wait3A_831] : memref<16384x50x32xf32, #tpu.memory_space<hbm>> -> memref<16x50x32xf32, #tpu.memory_space<hbm>>
        %dma_wait3A_833 = arith.constant 0 : i32
        %dma_wait3A_834 = arith.constant 0 : i32
        %dma_wait3A_835 = arith.constant 0 : i32
        %dma_wait3A_836 = tpu.memref_slice %arg6[%dma_wait3A_821, %dma_wait3A_833, %dma_wait3A_834, %dma_wait3A_835] : memref<2x16x50x32xf32, #tpu.memory_space<vmem>> -> memref<1x16x50x32xf32, #tpu.memory_space<vmem>>
        %dma_wait3A_837 = tpu.memref_squeeze %dma_wait3A_836 : memref<1x16x50x32xf32, #tpu.memory_space<vmem>> -> memref<16x50x32xf32, #tpu.memory_space<vmem>>
        tpu.wait_dma2 semaphore(%arg9 : memref<!tpu.dma_semaphore, #tpu.memory_space<semaphore_mem>>) src(%dma_wait3A_837 : memref<16x50x32xf32, #tpu.memory_space<vmem>>) dst(%dma_wait3A_832 : memref<16x50x32xf32, #tpu.memory_space<hbm>>)
      } else {
      }
      %add3A_563 = arith.constant 1 : i32
      %add3A_564 = arith.addi %add3A_557, %add3A_563 : i32
      %lt3A_565 = arith.constant 32 : i32
      %lt3A_566 = arith.cmpi slt, %add3A_564, %lt3A_565 : i32
      %convert_element_type3A_567 = arith.extui %lt3A_566 : i1 to i32
      %cond3A_568 = arith.constant 0 : i32
      %cond3A_569 = arith.cmpi ne, %convert_element_type3A_567, %cond3A_568 : i32
      scf.if %cond3A_569 {
        %dma_wait3A_821 = arith.constant 0 : i32
        %dma_wait3A_822 = arith.constant 0 : i32
        %dma_wait3A_823 = arith.constant 0 : i32
        %dma_wait3A_824 = tpu.memref_slice %arg5[%dma_wait3A_821, %dma_wait3A_822, %dma_wait3A_823] : memref<2x16x50xi32, #tpu.memory_space<vmem>> -> memref<1x16x50xi32, #tpu.memory_space<vmem>>
        %dma_wait3A_825 = tpu.memref_squeeze %dma_wait3A_824 : memref<1x16x50xi32, #tpu.memory_space<vmem>> -> memref<16x50xi32, #tpu.memory_space<vmem>>
        %dma_wait3A_826 = arith.constant 0 : i32
        %dma_wait3A_827 = tpu.memref_slice %arg2[%mul3A_2, %dma_wait3A_826] : memref<16384x50xi32, #tpu.memory_space<hbm>> -> memref<16x50xi32, #tpu.memory_space<hbm>>
        %dma_wait3A_828 = arith.constant 0 : i32
        %dma_wait3A_829 = arith.constant 0 : i32
        %dma_wait3A_830 = tpu.memref_slice %arg5[%dma_wait3A_821, %dma_wait3A_828, %dma_wait3A_829] : memref<2x16x50xi32, #tpu.memory_space<vmem>> -> memref<1x16x50xi32, #tpu.memory_space<vmem>>
        %dma_wait3A_831 = tpu.memref_squeeze %dma_wait3A_830 : memref<1x16x50xi32, #tpu.memory_space<vmem>> -> memref<16x50xi32, #tpu.memory_space<vmem>>
        %dma_wait3A_832 = arith.constant 0 : i32
        %dma_wait3A_833 = tpu.memref_slice %arg2[%mul3A_2, %dma_wait3A_832] : memref<16384x50xi32, #tpu.memory_space<hbm>> -> memref<16x50xi32, #tpu.memory_space<hbm>>
        tpu.wait_dma2 semaphore(%arg7 : memref<!tpu.dma_semaphore, #tpu.memory_space<semaphore_mem>>) src(%dma_wait3A_833 : memref<16x50xi32, #tpu.memory_space<hbm>>) dst(%dma_wait3A_831 : memref<16x50xi32, #tpu.memory_space<vmem>>)
        %dma_start3A_834 = arith.constant 0 : i32
        %dma_start3A_835 = arith.constant 0 : i32
        %dma_start3A_836 = arith.constant 0 : i32
        %dma_start3A_837 = arith.constant 0 : i32
        %dma_start3A_838 = arith.constant 0 : i32
        %dma_start3A_839 = arith.constant 0 : i32
        %dma_start3A_840 = tpu.memref_slice %arg6[%dma_start3A_836, %dma_start3A_837, %dma_start3A_838, %dma_start3A_839] : memref<2x16x50x32xf32, #tpu.memory_space<vmem>> -> memref<1x1x50x32xf32, #tpu.memory_space<vmem>>
        %dma_start3A_841 = tpu.memref_squeeze %dma_start3A_840 : memref<1x1x50x32xf32, #tpu.memory_space<vmem>> -> memref<50x32xf32, #tpu.memory_space<vmem>>
        %dma_start3A_842 = arith.constant 0 : i32
        %dma_start3A_843 = tpu.memref_slice %arg5[%dma_start3A_834, %dma_start3A_835, %dma_start3A_842] : memref<2x16x50xi32, #tpu.memory_space<vmem>> -> memref<1x1x50xi32, #tpu.memory_space<vmem>>
        %dma_start3A_844 = tpu.memref_squeeze %dma_start3A_843 : memref<1x1x50xi32, #tpu.memory_space<vmem>> -> memref<50xi32, #tpu.memory_space<vmem>>
        %dma_start3A_845 = arith.constant 0 : i32
        %dma_start3A_846 = arith.constant 0 : i32
        %dma_start3A_847 = tpu.memref_slice %arg3[%dma_start3A_845, %dma_start3A_846] : memref<1000000x32xf32, #tpu.memory_space<hbm>> -> memref<1000000x32xf32, #tpu.memory_space<hbm>>
        tpu.enqueue_indirect_dma source(%dma_start3A_847 : memref<1000000x32xf32, #tpu.memory_space<hbm>>) target(%dma_start3A_841 : memref<50x32xf32, #tpu.memory_space<vmem>>) offsets(%dma_start3A_844 : memref<50xi32, #tpu.memory_space<vmem>>) semaphore(%arg8 : memref<!tpu.dma_semaphore, #tpu.memory_space<semaphore_mem>>)
        %dma_start3A_848 = arith.constant 0 : i32
        %dma_start3A_849 = arith.constant 1 : i32
        %dma_start3A_850 = arith.constant 0 : i32
        %dma_start3A_851 = arith.constant 1 : i32
        %dma_start3A_852 = arith.constant 0 : i32
        %dma_start3A_853 = arith.constant 0 : i32
        %dma_start3A_854 = tpu.memref_slice %arg6[%dma_start3A_850, %dma_start3A_851, %dma_start3A_852, %dma_start3A_853] : memref<2x16x50x32xf32, #tpu.memory_space<vmem>> -> memref<1x1x50x32xf32, #tpu.memory_space<vmem>>
        %dma_start3A_855 = tpu.memref_squeeze %dma_start3A_854 : memref<1x1x50x32xf32, #tpu.memory_space<vmem>> -> memref<50x32xf32, #tpu.memory_space<vmem>>
        %dma_start3A_856 = arith.constant 0 : i32
        %dma_start3A_857 = tpu.memref_slice %arg5[%dma_start3A_848, %dma_start3A_849, %dma_start3A_856] : memref<2x16x50xi32, #tpu.memory_space<vmem>> -> memref<1x1x50xi32, #tpu.memory_space<vmem>>
        %dma_start3A_858 = tpu.memref_squeeze %dma_start3A_857 : memref<1x1x50xi32, #tpu.memory_space<vmem>> -> memref<50xi32, #tpu.memory_space<vmem>>
        %dma_start3A_859 = arith.constant 0 : i32
        %dma_start3A_860 = arith.constant 0 : i32
        %dma_start3A_861 = tpu.memref_slice %arg3[%dma_start3A_859, %dma_start3A_860] : memref<1000000x32xf32, #tpu.memory_space<hbm>> -> memref<1000000x32xf32, #tpu.memory_space<hbm>>
        tpu.enqueue_indirect_dma source(%dma_start3A_861 : memref<1000000x32xf32, #tpu.memory_space<hbm>>) target(%dma_start3A_855 : memref<50x32xf32, #tpu.memory_space<vmem>>) offsets(%dma_start3A_858 : memref<50xi32, #tpu.memory_space<vmem>>) semaphore(%arg8 : memref<!tpu.dma_semaphore, #tpu.memory_space<semaphore_mem>>)
        %dma_start3A_862 = arith.constant 0 : i32
        %dma_start3A_863 = arith.constant 2 : i32
        %dma_start3A_864 = arith.constant 0 : i32
        %dma_start3A_865 = arith.constant 2 : i32
        %dma_start3A_866 = arith.constant 0 : i32
        %dma_start3A_867 = arith.constant 0 : i32
        %dma_start3A_868 = tpu.memref_slice %arg6[%dma_start3A_864, %dma_start3A_865, %dma_start3A_866, %dma_start3A_867] : memref<2x16x50x32xf32, #tpu.memory_space<vmem>> -> memref<1x1x50x32xf32, #tpu.memory_space<vmem>>
        %dma_start3A_869 = tpu.memref_squeeze %dma_start3A_868 : memref<1x1x50x32xf32, #tpu.memory_space<vmem>> -> memref<50x32xf32, #tpu.memory_space<vmem>>
        %dma_start3A_870 = arith.constant 0 : i32
        %dma_start3A_871 = tpu.memref_slice %arg5[%dma_start3A_862, %dma_start3A_863, %dma_start3A_870] : memref<2x16x50xi32, #tpu.memory_space<vmem>> -> memref<1x1x50xi32, #tpu.memory_space<vmem>>
        %dma_start3A_872 = tpu.memref_squeeze %dma_start3A_871 : memref<1x1x50xi32, #tpu.memory_space<vmem>> -> memref<50xi32, #tpu.memory_space<vmem>>
        %dma_start3A_873 = arith.constant 0 : i32
        %dma_start3A_874 = arith.constant 0 : i32
        %dma_start3A_875 = tpu.memref_slice %arg3[%dma_start3A_873, %dma_start3A_874] : memref<1000000x32xf32, #tpu.memory_space<hbm>> -> memref<1000000x32xf32, #tpu.memory_space<hbm>>
        tpu.enqueue_indirect_dma source(%dma_start3A_875 : memref<1000000x32xf32, #tpu.memory_space<hbm>>) target(%dma_start3A_869 : memref<50x32xf32, #tpu.memory_space<vmem>>) offsets(%dma_start3A_872 : memref<50xi32, #tpu.memory_space<vmem>>) semaphore(%arg8 : memref<!tpu.dma_semaphore, #tpu.memory_space<semaphore_mem>>)
        %dma_start3A_876 = arith.constant 0 : i32
        %dma_start3A_877 = arith.constant 3 : i32
        %dma_start3A_878 = arith.constant 0 : i32
        %dma_start3A_879 = arith.constant 3 : i32
        %dma_start3A_880 = arith.constant 0 : i32
        %dma_start3A_881 = arith.constant 0 : i32
        %dma_start3A_882 = tpu.memref_slice %arg6[%dma_start3A_878, %dma_start3A_879, %dma_start3A_880, %dma_start3A_881] : memref<2x16x50x32xf32, #tpu.memory_space<vmem>> -> memref<1x1x50x32xf32, #tpu.memory_space<vmem>>
        %dma_start3A_883 = tpu.memref_squeeze %dma_start3A_882 : memref<1x1x50x32xf32, #tpu.memory_space<vmem>> -> memref<50x32xf32, #tpu.memory_space<vmem>>
        %dma_start3A_884 = arith.constant 0 : i32
        %dma_start3A_885 = tpu.memref_slice %arg5[%dma_start3A_876, %dma_start3A_877, %dma_start3A_884] : memref<2x16x50xi32, #tpu.memory_space<vmem>> -> memref<1x1x50xi32, #tpu.memory_space<vmem>>
        %dma_start3A_886 = tpu.memref_squeeze %dma_start3A_885 : memref<1x1x50xi32, #tpu.memory_space<vmem>> -> memref<50xi32, #tpu.memory_space<vmem>>
        %dma_start3A_887 = arith.constant 0 : i32
        %dma_start3A_888 = arith.constant 0 : i32
        %dma_start3A_889 = tpu.memref_slice %arg3[%dma_start3A_887, %dma_start3A_888] : memref<1000000x32xf32, #tpu.memory_space<hbm>> -> memref<1000000x32xf32, #tpu.memory_space<hbm>>
        tpu.enqueue_indirect_dma source(%dma_start3A_889 : memref<1000000x32xf32, #tpu.memory_space<hbm>>) target(%dma_start3A_883 : memref<50x32xf32, #tpu.memory_space<vmem>>) offsets(%dma_start3A_886 : memref<50xi32, #tpu.memory_space<vmem>>) semaphore(%arg8 : memref<!tpu.dma_semaphore, #tpu.memory_space<semaphore_mem>>)
        %dma_start3A_890 = arith.constant 0 : i32
        %dma_start3A_891 = arith.constant 4 : i32
        %dma_start3A_892 = arith.constant 0 : i32
        %dma_start3A_893 = arith.constant 4 : i32
        %dma_start3A_894 = arith.constant 0 : i32
        %dma_start3A_895 = arith.constant 0 : i32
        %dma_start3A_896 = tpu.memref_slice %arg6[%dma_start3A_892, %dma_start3A_893, %dma_start3A_894, %dma_start3A_895] : memref<2x16x50x32xf32, #tpu.memory_space<vmem>> -> memref<1x1x50x32xf32, #tpu.memory_space<vmem>>
        %dma_start3A_897 = tpu.memref_squeeze %dma_start3A_896 : memref<1x1x50x32xf32, #tpu.memory_space<vmem>> -> memref<50x32xf32, #tpu.memory_space<vmem>>
        %dma_start3A_898 = arith.constant 0 : i32
        %dma_start3A_899 = tpu.memref_slice %arg5[%dma_start3A_890, %dma_start3A_891, %dma_start3A_898] : memref<2x16x50xi32, #tpu.memory_space<vmem>> -> memref<1x1x50xi32, #tpu.memory_space<vmem>>
        %dma_start3A_900 = tpu.memref_squeeze %dma_start3A_899 : memref<1x1x50xi32, #tpu.memory_space<vmem>> -> memref<50xi32, #tpu.memory_space<vmem>>
        %dma_start3A_901 = arith.constant 0 : i32
        %dma_start3A_902 = arith.constant 0 : i32
        %dma_start3A_903 = tpu.memref_slice %arg3[%dma_start3A_901, %dma_start3A_902] : memref<1000000x32xf32, #tpu.memory_space<hbm>> -> memref<1000000x32xf32, #tpu.memory_space<hbm>>
        tpu.enqueue_indirect_dma source(%dma_start3A_903 : memref<1000000x32xf32, #tpu.memory_space<hbm>>) target(%dma_start3A_897 : memref<50x32xf32, #tpu.memory_space<vmem>>) offsets(%dma_start3A_900 : memref<50xi32, #tpu.memory_space<vmem>>) semaphore(%arg8 : memref<!tpu.dma_semaphore, #tpu.memory_space<semaphore_mem>>)
        %dma_start3A_904 = arith.constant 0 : i32
        %dma_start3A_905 = arith.constant 5 : i32
        %dma_start3A_906 = arith.constant 0 : i32
        %dma_start3A_907 = arith.constant 5 : i32
        %dma_start3A_908 = arith.constant 0 : i32
        %dma_start3A_909 = arith.constant 0 : i32
        %dma_start3A_910 = tpu.memref_slice %arg6[%dma_start3A_906, %dma_start3A_907, %dma_start3A_908, %dma_start3A_909] : memref<2x16x50x32xf32, #tpu.memory_space<vmem>> -> memref<1x1x50x32xf32, #tpu.memory_space<vmem>>
        %dma_start3A_911 = tpu.memref_squeeze %dma_start3A_910 : memref<1x1x50x32xf32, #tpu.memory_space<vmem>> -> memref<50x32xf32, #tpu.memory_space<vmem>>
        %dma_start3A_912 = arith.constant 0 : i32
        %dma_start3A_913 = tpu.memref_slice %arg5[%dma_start3A_904, %dma_start3A_905, %dma_start3A_912] : memref<2x16x50xi32, #tpu.memory_space<vmem>> -> memref<1x1x50xi32, #tpu.memory_space<vmem>>
        %dma_start3A_914 = tpu.memref_squeeze %dma_start3A_913 : memref<1x1x50xi32, #tpu.memory_space<vmem>> -> memref<50xi32, #tpu.memory_space<vmem>>
        %dma_start3A_915 = arith.constant 0 : i32
        %dma_start3A_916 = arith.constant 0 : i32
        %dma_start3A_917 = tpu.memref_slice %arg3[%dma_start3A_915, %dma_start3A_916] : memref<1000000x32xf32, #tpu.memory_space<hbm>> -> memref<1000000x32xf32, #tpu.memory_space<hbm>>
        tpu.enqueue_indirect_dma source(%dma_start3A_917 : memref<1000000x32xf32, #tpu.memory_space<hbm>>) target(%dma_start3A_911 : memref<50x32xf32, #tpu.memory_space<vmem>>) offsets(%dma_start3A_914 : memref<50xi32, #tpu.memory_space<vmem>>) semaphore(%arg8 : memref<!tpu.dma_semaphore, #tpu.memory_space<semaphore_mem>>)
        %dma_start3A_918 = arith.constant 0 : i32
        %dma_start3A_919 = arith.constant 6 : i32
        %dma_start3A_920 = arith.constant 0 : i32
        %dma_start3A_921 = arith.constant 6 : i32
        %dma_start3A_922 = arith.constant 0 : i32
        %dma_start3A_923 = arith.constant 0 : i32
        %dma_start3A_924 = tpu.memref_slice %arg6[%dma_start3A_920, %dma_start3A_921, %dma_start3A_922, %dma_start3A_923] : memref<2x16x50x32xf32, #tpu.memory_space<vmem>> -> memref<1x1x50x32xf32, #tpu.memory_space<vmem>>
        %dma_start3A_925 = tpu.memref_squeeze %dma_start3A_924 : memref<1x1x50x32xf32, #tpu.memory_space<vmem>> -> memref<50x32xf32, #tpu.memory_space<vmem>>
        %dma_start3A_926 = arith.constant 0 : i32
        %dma_start3A_927 = tpu.memref_slice %arg5[%dma_start3A_918, %dma_start3A_919, %dma_start3A_926] : memref<2x16x50xi32, #tpu.memory_space<vmem>> -> memref<1x1x50xi32, #tpu.memory_space<vmem>>
        %dma_start3A_928 = tpu.memref_squeeze %dma_start3A_927 : memref<1x1x50xi32, #tpu.memory_space<vmem>> -> memref<50xi32, #tpu.memory_space<vmem>>
        %dma_start3A_929 = arith.constant 0 : i32
        %dma_start3A_930 = arith.constant 0 : i32
        %dma_start3A_931 = tpu.memref_slice %arg3[%dma_start3A_929, %dma_start3A_930] : memref<1000000x32xf32, #tpu.memory_space<hbm>> -> memref<1000000x32xf32, #tpu.memory_space<hbm>>
        tpu.enqueue_indirect_dma source(%dma_start3A_931 : memref<1000000x32xf32, #tpu.memory_space<hbm>>) target(%dma_start3A_925 : memref<50x32xf32, #tpu.memory_space<vmem>>) offsets(%dma_start3A_928 : memref<50xi32, #tpu.memory_space<vmem>>) semaphore(%arg8 : memref<!tpu.dma_semaphore, #tpu.memory_space<semaphore_mem>>)
        %dma_start3A_932 = arith.constant 0 : i32
        %dma_start3A_933 = arith.constant 7 : i32
        %dma_start3A_934 = arith.constant 0 : i32
        %dma_start3A_935 = arith.constant 7 : i32
        %dma_start3A_936 = arith.constant 0 : i32
        %dma_start3A_937 = arith.constant 0 : i32
        %dma_start3A_938 = tpu.memref_slice %arg6[%dma_start3A_934, %dma_start3A_935, %dma_start3A_936, %dma_start3A_937] : memref<2x16x50x32xf32, #tpu.memory_space<vmem>> -> memref<1x1x50x32xf32, #tpu.memory_space<vmem>>
        %dma_start3A_939 = tpu.memref_squeeze %dma_start3A_938 : memref<1x1x50x32xf32, #tpu.memory_space<vmem>> -> memref<50x32xf32, #tpu.memory_space<vmem>>
        %dma_start3A_940 = arith.constant 0 : i32
        %dma_start3A_941 = tpu.memref_slice %arg5[%dma_start3A_932, %dma_start3A_933, %dma_start3A_940] : memref<2x16x50xi32, #tpu.memory_space<vmem>> -> memref<1x1x50xi32, #tpu.memory_space<vmem>>
        %dma_start3A_942 = tpu.memref_squeeze %dma_start3A_941 : memref<1x1x50xi32, #tpu.memory_space<vmem>> -> memref<50xi32, #tpu.memory_space<vmem>>
        %dma_start3A_943 = arith.constant 0 : i32
        %dma_start3A_944 = arith.constant 0 : i32
        %dma_start3A_945 = tpu.memref_slice %arg3[%dma_start3A_943, %dma_start3A_944] : memref<1000000x32xf32, #tpu.memory_space<hbm>> -> memref<1000000x32xf32, #tpu.memory_space<hbm>>
        tpu.enqueue_indirect_dma source(%dma_start3A_945 : memref<1000000x32xf32, #tpu.memory_space<hbm>>) target(%dma_start3A_939 : memref<50x32xf32, #tpu.memory_space<vmem>>) offsets(%dma_start3A_942 : memref<50xi32, #tpu.memory_space<vmem>>) semaphore(%arg8 : memref<!tpu.dma_semaphore, #tpu.memory_space<semaphore_mem>>)
        %dma_start3A_946 = arith.constant 0 : i32
        %dma_start3A_947 = arith.constant 8 : i32
        %dma_start3A_948 = arith.constant 0 : i32
        %dma_start3A_949 = arith.constant 8 : i32
        %dma_start3A_950 = arith.constant 0 : i32
        %dma_start3A_951 = arith.constant 0 : i32
        %dma_start3A_952 = tpu.memref_slice %arg6[%dma_start3A_948, %dma_start3A_949, %dma_start3A_950, %dma_start3A_951] : memref<2x16x50x32xf32, #tpu.memory_space<vmem>> -> memref<1x1x50x32xf32, #tpu.memory_space<vmem>>
        %dma_start3A_953 = tpu.memref_squeeze %dma_start3A_952 : memref<1x1x50x32xf32, #tpu.memory_space<vmem>> -> memref<50x32xf32, #tpu.memory_space<vmem>>
        %dma_start3A_954 = arith.constant 0 : i32
        %dma_start3A_955 = tpu.memref_slice %arg5[%dma_start3A_946, %dma_start3A_947, %dma_start3A_954] : memref<2x16x50xi32, #tpu.memory_space<vmem>> -> memref<1x1x50xi32, #tpu.memory_space<vmem>>
        %dma_start3A_956 = tpu.memref_squeeze %dma_start3A_955 : memref<1x1x50xi32, #tpu.memory_space<vmem>> -> memref<50xi32, #tpu.memory_space<vmem>>
        %dma_start3A_957 = arith.constant 0 : i32
        %dma_start3A_958 = arith.constant 0 : i32
        %dma_start3A_959 = tpu.memref_slice %arg3[%dma_start3A_957, %dma_start3A_958] : memref<1000000x32xf32, #tpu.memory_space<hbm>> -> memref<1000000x32xf32, #tpu.memory_space<hbm>>
        tpu.enqueue_indirect_dma source(%dma_start3A_959 : memref<1000000x32xf32, #tpu.memory_space<hbm>>) target(%dma_start3A_953 : memref<50x32xf32, #tpu.memory_space<vmem>>) offsets(%dma_start3A_956 : memref<50xi32, #tpu.memory_space<vmem>>) semaphore(%arg8 : memref<!tpu.dma_semaphore, #tpu.memory_space<semaphore_mem>>)
        %dma_start3A_960 = arith.constant 0 : i32
        %dma_start3A_961 = arith.constant 9 : i32
        %dma_start3A_962 = arith.constant 0 : i32
        %dma_start3A_963 = arith.constant 9 : i32
        %dma_start3A_964 = arith.constant 0 : i32
        %dma_start3A_965 = arith.constant 0 : i32
        %dma_start3A_966 = tpu.memref_slice %arg6[%dma_start3A_962, %dma_start3A_963, %dma_start3A_964, %dma_start3A_965] : memref<2x16x50x32xf32, #tpu.memory_space<vmem>> -> memref<1x1x50x32xf32, #tpu.memory_space<vmem>>
        %dma_start3A_967 = tpu.memref_squeeze %dma_start3A_966 : memref<1x1x50x32xf32, #tpu.memory_space<vmem>> -> memref<50x32xf32, #tpu.memory_space<vmem>>
        %dma_start3A_968 = arith.constant 0 : i32
        %dma_start3A_969 = tpu.memref_slice %arg5[%dma_start3A_960, %dma_start3A_961, %dma_start3A_968] : memref<2x16x50xi32, #tpu.memory_space<vmem>> -> memref<1x1x50xi32, #tpu.memory_space<vmem>>
        %dma_start3A_970 = tpu.memref_squeeze %dma_start3A_969 : memref<1x1x50xi32, #tpu.memory_space<vmem>> -> memref<50xi32, #tpu.memory_space<vmem>>
        %dma_start3A_971 = arith.constant 0 : i32
        %dma_start3A_972 = arith.constant 0 : i32
        %dma_start3A_973 = tpu.memref_slice %arg3[%dma_start3A_971, %dma_start3A_972] : memref<1000000x32xf32, #tpu.memory_space<hbm>> -> memref<1000000x32xf32, #tpu.memory_space<hbm>>
        tpu.enqueue_indirect_dma source(%dma_start3A_973 : memref<1000000x32xf32, #tpu.memory_space<hbm>>) target(%dma_start3A_967 : memref<50x32xf32, #tpu.memory_space<vmem>>) offsets(%dma_start3A_970 : memref<50xi32, #tpu.memory_space<vmem>>) semaphore(%arg8 : memref<!tpu.dma_semaphore, #tpu.memory_space<semaphore_mem>>)
        %dma_start3A_974 = arith.constant 0 : i32
        %dma_start3A_975 = arith.constant 10 : i32
        %dma_start3A_976 = arith.constant 0 : i32
        %dma_start3A_977 = arith.constant 10 : i32
        %dma_start3A_978 = arith.constant 0 : i32
        %dma_start3A_979 = arith.constant 0 : i32
        %dma_start3A_980 = tpu.memref_slice %arg6[%dma_start3A_976, %dma_start3A_977, %dma_start3A_978, %dma_start3A_979] : memref<2x16x50x32xf32, #tpu.memory_space<vmem>> -> memref<1x1x50x32xf32, #tpu.memory_space<vmem>>
        %dma_start3A_981 = tpu.memref_squeeze %dma_start3A_980 : memref<1x1x50x32xf32, #tpu.memory_space<vmem>> -> memref<50x32xf32, #tpu.memory_space<vmem>>
        %dma_start3A_982 = arith.constant 0 : i32
        %dma_start3A_983 = tpu.memref_slice %arg5[%dma_start3A_974, %dma_start3A_975, %dma_start3A_982] : memref<2x16x50xi32, #tpu.memory_space<vmem>> -> memref<1x1x50xi32, #tpu.memory_space<vmem>>
        %dma_start3A_984 = tpu.memref_squeeze %dma_start3A_983 : memref<1x1x50xi32, #tpu.memory_space<vmem>> -> memref<50xi32, #tpu.memory_space<vmem>>
        %dma_start3A_985 = arith.constant 0 : i32
        %dma_start3A_986 = arith.constant 0 : i32
        %dma_start3A_987 = tpu.memref_slice %arg3[%dma_start3A_985, %dma_start3A_986] : memref<1000000x32xf32, #tpu.memory_space<hbm>> -> memref<1000000x32xf32, #tpu.memory_space<hbm>>
        tpu.enqueue_indirect_dma source(%dma_start3A_987 : memref<1000000x32xf32, #tpu.memory_space<hbm>>) target(%dma_start3A_981 : memref<50x32xf32, #tpu.memory_space<vmem>>) offsets(%dma_start3A_984 : memref<50xi32, #tpu.memory_space<vmem>>) semaphore(%arg8 : memref<!tpu.dma_semaphore, #tpu.memory_space<semaphore_mem>>)
        %dma_start3A_988 = arith.constant 0 : i32
        %dma_start3A_989 = arith.constant 11 : i32
        %dma_start3A_990 = arith.constant 0 : i32
        %dma_start3A_991 = arith.constant 11 : i32
        %dma_start3A_992 = arith.constant 0 : i32
        %dma_start3A_993 = arith.constant 0 : i32
        %dma_start3A_994 = tpu.memref_slice %arg6[%dma_start3A_990, %dma_start3A_991, %dma_start3A_992, %dma_start3A_993] : memref<2x16x50x32xf32, #tpu.memory_space<vmem>> -> memref<1x1x50x32xf32, #tpu.memory_space<vmem>>
        %dma_start3A_995 = tpu.memref_squeeze %dma_start3A_994 : memref<1x1x50x32xf32, #tpu.memory_space<vmem>> -> memref<50x32xf32, #tpu.memory_space<vmem>>
        %dma_start3A_996 = arith.constant 0 : i32
        %dma_start3A_997 = tpu.memref_slice %arg5[%dma_start3A_988, %dma_start3A_989, %dma_start3A_996] : memref<2x16x50xi32, #tpu.memory_space<vmem>> -> memref<1x1x50xi32, #tpu.memory_space<vmem>>
        %dma_start3A_998 = tpu.memref_squeeze %dma_start3A_997 : memref<1x1x50xi32, #tpu.memory_space<vmem>> -> memref<50xi32, #tpu.memory_space<vmem>>
        %dma_start3A_999 = arith.constant 0 : i32
        %dma_start3A_1000 = arith.constant 0 : i32
        %dma_start3A_1001 = tpu.memref_slice %arg3[%dma_start3A_999, %dma_start3A_1000] : memref<1000000x32xf32, #tpu.memory_space<hbm>> -> memref<1000000x32xf32, #tpu.memory_space<hbm>>
        tpu.enqueue_indirect_dma source(%dma_start3A_1001 : memref<1000000x32xf32, #tpu.memory_space<hbm>>) target(%dma_start3A_995 : memref<50x32xf32, #tpu.memory_space<vmem>>) offsets(%dma_start3A_998 : memref<50xi32, #tpu.memory_space<vmem>>) semaphore(%arg8 : memref<!tpu.dma_semaphore, #tpu.memory_space<semaphore_mem>>)
        %dma_start3A_1002 = arith.constant 0 : i32
        %dma_start3A_1003 = arith.constant 12 : i32
        %dma_start3A_1004 = arith.constant 0 : i32
        %dma_start3A_1005 = arith.constant 12 : i32
        %dma_start3A_1006 = arith.constant 0 : i32
        %dma_start3A_1007 = arith.constant 0 : i32
        %dma_start3A_1008 = tpu.memref_slice %arg6[%dma_start3A_1004, %dma_start3A_1005, %dma_start3A_1006, %dma_start3A_1007] : memref<2x16x50x32xf32, #tpu.memory_space<vmem>> -> memref<1x1x50x32xf32, #tpu.memory_space<vmem>>
        %dma_start3A_1009 = tpu.memref_squeeze %dma_start3A_1008 : memref<1x1x50x32xf32, #tpu.memory_space<vmem>> -> memref<50x32xf32, #tpu.memory_space<vmem>>
        %dma_start3A_1010 = arith.constant 0 : i32
        %dma_start3A_1011 = tpu.memref_slice %arg5[%dma_start3A_1002, %dma_start3A_1003, %dma_start3A_1010] : memref<2x16x50xi32, #tpu.memory_space<vmem>> -> memref<1x1x50xi32, #tpu.memory_space<vmem>>
        %dma_start3A_1012 = tpu.memref_squeeze %dma_start3A_1011 : memref<1x1x50xi32, #tpu.memory_space<vmem>> -> memref<50xi32, #tpu.memory_space<vmem>>
        %dma_start3A_1013 = arith.constant 0 : i32
        %dma_start3A_1014 = arith.constant 0 : i32
        %dma_start3A_1015 = tpu.memref_slice %arg3[%dma_start3A_1013, %dma_start3A_1014] : memref<1000000x32xf32, #tpu.memory_space<hbm>> -> memref<1000000x32xf32, #tpu.memory_space<hbm>>
        tpu.enqueue_indirect_dma source(%dma_start3A_1015 : memref<1000000x32xf32, #tpu.memory_space<hbm>>) target(%dma_start3A_1009 : memref<50x32xf32, #tpu.memory_space<vmem>>) offsets(%dma_start3A_1012 : memref<50xi32, #tpu.memory_space<vmem>>) semaphore(%arg8 : memref<!tpu.dma_semaphore, #tpu.memory_space<semaphore_mem>>)
        %dma_start3A_1016 = arith.constant 0 : i32
        %dma_start3A_1017 = arith.constant 13 : i32
        %dma_start3A_1018 = arith.constant 0 : i32
        %dma_start3A_1019 = arith.constant 13 : i32
        %dma_start3A_1020 = arith.constant 0 : i32
        %dma_start3A_1021 = arith.constant 0 : i32
        %dma_start3A_1022 = tpu.memref_slice %arg6[%dma_start3A_1018, %dma_start3A_1019, %dma_start3A_1020, %dma_start3A_1021] : memref<2x16x50x32xf32, #tpu.memory_space<vmem>> -> memref<1x1x50x32xf32, #tpu.memory_space<vmem>>
        %dma_start3A_1023 = tpu.memref_squeeze %dma_start3A_1022 : memref<1x1x50x32xf32, #tpu.memory_space<vmem>> -> memref<50x32xf32, #tpu.memory_space<vmem>>
        %dma_start3A_1024 = arith.constant 0 : i32
        %dma_start3A_1025 = tpu.memref_slice %arg5[%dma_start3A_1016, %dma_start3A_1017, %dma_start3A_1024] : memref<2x16x50xi32, #tpu.memory_space<vmem>> -> memref<1x1x50xi32, #tpu.memory_space<vmem>>
        %dma_start3A_1026 = tpu.memref_squeeze %dma_start3A_1025 : memref<1x1x50xi32, #tpu.memory_space<vmem>> -> memref<50xi32, #tpu.memory_space<vmem>>
        %dma_start3A_1027 = arith.constant 0 : i32
        %dma_start3A_1028 = arith.constant 0 : i32
        %dma_start3A_1029 = tpu.memref_slice %arg3[%dma_start3A_1027, %dma_start3A_1028] : memref<1000000x32xf32, #tpu.memory_space<hbm>> -> memref<1000000x32xf32, #tpu.memory_space<hbm>>
        tpu.enqueue_indirect_dma source(%dma_start3A_1029 : memref<1000000x32xf32, #tpu.memory_space<hbm>>) target(%dma_start3A_1023 : memref<50x32xf32, #tpu.memory_space<vmem>>) offsets(%dma_start3A_1026 : memref<50xi32, #tpu.memory_space<vmem>>) semaphore(%arg8 : memref<!tpu.dma_semaphore, #tpu.memory_space<semaphore_mem>>)
        %dma_start3A_1030 = arith.constant 0 : i32
        %dma_start3A_1031 = arith.constant 14 : i32
        %dma_start3A_1032 = arith.constant 0 : i32
        %dma_start3A_1033 = arith.constant 14 : i32
        %dma_start3A_1034 = arith.constant 0 : i32
        %dma_start3A_1035 = arith.constant 0 : i32
        %dma_start3A_1036 = tpu.memref_slice %arg6[%dma_start3A_1032, %dma_start3A_1033, %dma_start3A_1034, %dma_start3A_1035] : memref<2x16x50x32xf32, #tpu.memory_space<vmem>> -> memref<1x1x50x32xf32, #tpu.memory_space<vmem>>
        %dma_start3A_1037 = tpu.memref_squeeze %dma_start3A_1036 : memref<1x1x50x32xf32, #tpu.memory_space<vmem>> -> memref<50x32xf32, #tpu.memory_space<vmem>>
        %dma_start3A_1038 = arith.constant 0 : i32
        %dma_start3A_1039 = tpu.memref_slice %arg5[%dma_start3A_1030, %dma_start3A_1031, %dma_start3A_1038] : memref<2x16x50xi32, #tpu.memory_space<vmem>> -> memref<1x1x50xi32, #tpu.memory_space<vmem>>
        %dma_start3A_1040 = tpu.memref_squeeze %dma_start3A_1039 : memref<1x1x50xi32, #tpu.memory_space<vmem>> -> memref<50xi32, #tpu.memory_space<vmem>>
        %dma_start3A_1041 = arith.constant 0 : i32
        %dma_start3A_1042 = arith.constant 0 : i32
        %dma_start3A_1043 = tpu.memref_slice %arg3[%dma_start3A_1041, %dma_start3A_1042] : memref<1000000x32xf32, #tpu.memory_space<hbm>> -> memref<1000000x32xf32, #tpu.memory_space<hbm>>
        tpu.enqueue_indirect_dma source(%dma_start3A_1043 : memref<1000000x32xf32, #tpu.memory_space<hbm>>) target(%dma_start3A_1037 : memref<50x32xf32, #tpu.memory_space<vmem>>) offsets(%dma_start3A_1040 : memref<50xi32, #tpu.memory_space<vmem>>) semaphore(%arg8 : memref<!tpu.dma_semaphore, #tpu.memory_space<semaphore_mem>>)
        %dma_start3A_1044 = arith.constant 0 : i32
        %dma_start3A_1045 = arith.constant 15 : i32
        %dma_start3A_1046 = arith.constant 0 : i32
        %dma_start3A_1047 = arith.constant 15 : i32
        %dma_start3A_1048 = arith.constant 0 : i32
        %dma_start3A_1049 = arith.constant 0 : i32
        %dma_start3A_1050 = tpu.memref_slice %arg6[%dma_start3A_1046, %dma_start3A_1047, %dma_start3A_1048, %dma_start3A_1049] : memref<2x16x50x32xf32, #tpu.memory_space<vmem>> -> memref<1x1x50x32xf32, #tpu.memory_space<vmem>>
        %dma_start3A_1051 = tpu.memref_squeeze %dma_start3A_1050 : memref<1x1x50x32xf32, #tpu.memory_space<vmem>> -> memref<50x32xf32, #tpu.memory_space<vmem>>
        %dma_start3A_1052 = arith.constant 0 : i32
        %dma_start3A_1053 = tpu.memref_slice %arg5[%dma_start3A_1044, %dma_start3A_1045, %dma_start3A_1052] : memref<2x16x50xi32, #tpu.memory_space<vmem>> -> memref<1x1x50xi32, #tpu.memory_space<vmem>>
        %dma_start3A_1054 = tpu.memref_squeeze %dma_start3A_1053 : memref<1x1x50xi32, #tpu.memory_space<vmem>> -> memref<50xi32, #tpu.memory_space<vmem>>
        %dma_start3A_1055 = arith.constant 0 : i32
        %dma_start3A_1056 = arith.constant 0 : i32
        %dma_start3A_1057 = tpu.memref_slice %arg3[%dma_start3A_1055, %dma_start3A_1056] : memref<1000000x32xf32, #tpu.memory_space<hbm>> -> memref<1000000x32xf32, #tpu.memory_space<hbm>>
        tpu.enqueue_indirect_dma source(%dma_start3A_1057 : memref<1000000x32xf32, #tpu.memory_space<hbm>>) target(%dma_start3A_1051 : memref<50x32xf32, #tpu.memory_space<vmem>>) offsets(%dma_start3A_1054 : memref<50xi32, #tpu.memory_space<vmem>>) semaphore(%arg8 : memref<!tpu.dma_semaphore, #tpu.memory_space<semaphore_mem>>)
      } else {
      }
      %dma_wait3A_570 = arith.constant 1 : i32
      %dma_wait3A_571 = arith.constant 0 : i32
      %dma_wait3A_572 = arith.constant 1 : i32
      %dma_wait3A_573 = arith.constant 0 : i32
      %dma_wait3A_574 = arith.constant 0 : i32
      %dma_wait3A_575 = arith.constant 0 : i32
      %dma_wait3A_576 = tpu.memref_slice %arg6[%dma_wait3A_572, %dma_wait3A_573, %dma_wait3A_574, %dma_wait3A_575] : memref<2x16x50x32xf32, #tpu.memory_space<vmem>> -> memref<1x1x50x32xf32, #tpu.memory_space<vmem>>
      %dma_wait3A_577 = tpu.memref_squeeze %dma_wait3A_576 : memref<1x1x50x32xf32, #tpu.memory_space<vmem>> -> memref<50x32xf32, #tpu.memory_space<vmem>>
      %dma_wait3A_578 = arith.constant 0 : i32
      %dma_wait3A_579 = tpu.memref_slice %arg5[%dma_wait3A_570, %dma_wait3A_571, %dma_wait3A_578] : memref<2x16x50xi32, #tpu.memory_space<vmem>> -> memref<1x1x50xi32, #tpu.memory_space<vmem>>
      %dma_wait3A_580 = tpu.memref_squeeze %dma_wait3A_579 : memref<1x1x50xi32, #tpu.memory_space<vmem>> -> memref<50xi32, #tpu.memory_space<vmem>>
      %dma_wait3A_581 = arith.constant 0 : i32
      %dma_wait3A_582 = arith.constant 0 : i32
      %dma_wait3A_583 = tpu.memref_slice %arg3[%dma_wait3A_581, %dma_wait3A_582] : memref<1000000x32xf32, #tpu.memory_space<hbm>> -> memref<1000000x32xf32, #tpu.memory_space<hbm>>
      tpu.wait_indirect_dma semaphore(%arg8 : memref<!tpu.dma_semaphore, #tpu.memory_space<semaphore_mem>>) src(%dma_wait3A_583 : memref<1000000x32xf32, #tpu.memory_space<hbm>>) dst(%dma_wait3A_577 : memref<50x32xf32, #tpu.memory_space<vmem>>)
      %dma_wait3A_584 = arith.constant 1 : i32
      %dma_wait3A_585 = arith.constant 1 : i32
      %dma_wait3A_586 = arith.constant 1 : i32
      %dma_wait3A_587 = arith.constant 1 : i32
      %dma_wait3A_588 = arith.constant 0 : i32
      %dma_wait3A_589 = arith.constant 0 : i32
      %dma_wait3A_590 = tpu.memref_slice %arg6[%dma_wait3A_586, %dma_wait3A_587, %dma_wait3A_588, %dma_wait3A_589] : memref<2x16x50x32xf32, #tpu.memory_space<vmem>> -> memref<1x1x50x32xf32, #tpu.memory_space<vmem>>
      %dma_wait3A_591 = tpu.memref_squeeze %dma_wait3A_590 : memref<1x1x50x32xf32, #tpu.memory_space<vmem>> -> memref<50x32xf32, #tpu.memory_space<vmem>>
      %dma_wait3A_592 = arith.constant 0 : i32
      %dma_wait3A_593 = tpu.memref_slice %arg5[%dma_wait3A_584, %dma_wait3A_585, %dma_wait3A_592] : memref<2x16x50xi32, #tpu.memory_space<vmem>> -> memref<1x1x50xi32, #tpu.memory_space<vmem>>
      %dma_wait3A_594 = tpu.memref_squeeze %dma_wait3A_593 : memref<1x1x50xi32, #tpu.memory_space<vmem>> -> memref<50xi32, #tpu.memory_space<vmem>>
      %dma_wait3A_595 = arith.constant 0 : i32
      %dma_wait3A_596 = arith.constant 0 : i32
      %dma_wait3A_597 = tpu.memref_slice %arg3[%dma_wait3A_595, %dma_wait3A_596] : memref<1000000x32xf32, #tpu.memory_space<hbm>> -> memref<1000000x32xf32, #tpu.memory_space<hbm>>
      tpu.wait_indirect_dma semaphore(%arg8 : memref<!tpu.dma_semaphore, #tpu.memory_space<semaphore_mem>>) src(%dma_wait3A_597 : memref<1000000x32xf32, #tpu.memory_space<hbm>>) dst(%dma_wait3A_591 : memref<50x32xf32, #tpu.memory_space<vmem>>)
      %dma_wait3A_598 = arith.constant 1 : i32
      %dma_wait3A_599 = arith.constant 2 : i32
      %dma_wait3A_600 = arith.constant 1 : i32
      %dma_wait3A_601 = arith.constant 2 : i32
      %dma_wait3A_602 = arith.constant 0 : i32
      %dma_wait3A_603 = arith.constant 0 : i32
      %dma_wait3A_604 = tpu.memref_slice %arg6[%dma_wait3A_600, %dma_wait3A_601, %dma_wait3A_602, %dma_wait3A_603] : memref<2x16x50x32xf32, #tpu.memory_space<vmem>> -> memref<1x1x50x32xf32, #tpu.memory_space<vmem>>
      %dma_wait3A_605 = tpu.memref_squeeze %dma_wait3A_604 : memref<1x1x50x32xf32, #tpu.memory_space<vmem>> -> memref<50x32xf32, #tpu.memory_space<vmem>>
      %dma_wait3A_606 = arith.constant 0 : i32
      %dma_wait3A_607 = tpu.memref_slice %arg5[%dma_wait3A_598, %dma_wait3A_599, %dma_wait3A_606] : memref<2x16x50xi32, #tpu.memory_space<vmem>> -> memref<1x1x50xi32, #tpu.memory_space<vmem>>
      %dma_wait3A_608 = tpu.memref_squeeze %dma_wait3A_607 : memref<1x1x50xi32, #tpu.memory_space<vmem>> -> memref<50xi32, #tpu.memory_space<vmem>>
      %dma_wait3A_609 = arith.constant 0 : i32
      %dma_wait3A_610 = arith.constant 0 : i32
      %dma_wait3A_611 = tpu.memref_slice %arg3[%dma_wait3A_609, %dma_wait3A_610] : memref<1000000x32xf32, #tpu.memory_space<hbm>> -> memref<1000000x32xf32, #tpu.memory_space<hbm>>
      tpu.wait_indirect_dma semaphore(%arg8 : memref<!tpu.dma_semaphore, #tpu.memory_space<semaphore_mem>>) src(%dma_wait3A_611 : memref<1000000x32xf32, #tpu.memory_space<hbm>>) dst(%dma_wait3A_605 : memref<50x32xf32, #tpu.memory_space<vmem>>)
      %dma_wait3A_612 = arith.constant 1 : i32
      %dma_wait3A_613 = arith.constant 3 : i32
      %dma_wait3A_614 = arith.constant 1 : i32
      %dma_wait3A_615 = arith.constant 3 : i32
      %dma_wait3A_616 = arith.constant 0 : i32
      %dma_wait3A_617 = arith.constant 0 : i32
      %dma_wait3A_618 = tpu.memref_slice %arg6[%dma_wait3A_614, %dma_wait3A_615, %dma_wait3A_616, %dma_wait3A_617] : memref<2x16x50x32xf32, #tpu.memory_space<vmem>> -> memref<1x1x50x32xf32, #tpu.memory_space<vmem>>
      %dma_wait3A_619 = tpu.memref_squeeze %dma_wait3A_618 : memref<1x1x50x32xf32, #tpu.memory_space<vmem>> -> memref<50x32xf32, #tpu.memory_space<vmem>>
      %dma_wait3A_620 = arith.constant 0 : i32
      %dma_wait3A_621 = tpu.memref_slice %arg5[%dma_wait3A_612, %dma_wait3A_613, %dma_wait3A_620] : memref<2x16x50xi32, #tpu.memory_space<vmem>> -> memref<1x1x50xi32, #tpu.memory_space<vmem>>
      %dma_wait3A_622 = tpu.memref_squeeze %dma_wait3A_621 : memref<1x1x50xi32, #tpu.memory_space<vmem>> -> memref<50xi32, #tpu.memory_space<vmem>>
      %dma_wait3A_623 = arith.constant 0 : i32
      %dma_wait3A_624 = arith.constant 0 : i32
      %dma_wait3A_625 = tpu.memref_slice %arg3[%dma_wait3A_623, %dma_wait3A_624] : memref<1000000x32xf32, #tpu.memory_space<hbm>> -> memref<1000000x32xf32, #tpu.memory_space<hbm>>
      tpu.wait_indirect_dma semaphore(%arg8 : memref<!tpu.dma_semaphore, #tpu.memory_space<semaphore_mem>>) src(%dma_wait3A_625 : memref<1000000x32xf32, #tpu.memory_space<hbm>>) dst(%dma_wait3A_619 : memref<50x32xf32, #tpu.memory_space<vmem>>)
      %dma_wait3A_626 = arith.constant 1 : i32
      %dma_wait3A_627 = arith.constant 4 : i32
      %dma_wait3A_628 = arith.constant 1 : i32
      %dma_wait3A_629 = arith.constant 4 : i32
      %dma_wait3A_630 = arith.constant 0 : i32
      %dma_wait3A_631 = arith.constant 0 : i32
      %dma_wait3A_632 = tpu.memref_slice %arg6[%dma_wait3A_628, %dma_wait3A_629, %dma_wait3A_630, %dma_wait3A_631] : memref<2x16x50x32xf32, #tpu.memory_space<vmem>> -> memref<1x1x50x32xf32, #tpu.memory_space<vmem>>
      %dma_wait3A_633 = tpu.memref_squeeze %dma_wait3A_632 : memref<1x1x50x32xf32, #tpu.memory_space<vmem>> -> memref<50x32xf32, #tpu.memory_space<vmem>>
      %dma_wait3A_634 = arith.constant 0 : i32
      %dma_wait3A_635 = tpu.memref_slice %arg5[%dma_wait3A_626, %dma_wait3A_627, %dma_wait3A_634] : memref<2x16x50xi32, #tpu.memory_space<vmem>> -> memref<1x1x50xi32, #tpu.memory_space<vmem>>
      %dma_wait3A_636 = tpu.memref_squeeze %dma_wait3A_635 : memref<1x1x50xi32, #tpu.memory_space<vmem>> -> memref<50xi32, #tpu.memory_space<vmem>>
      %dma_wait3A_637 = arith.constant 0 : i32
      %dma_wait3A_638 = arith.constant 0 : i32
      %dma_wait3A_639 = tpu.memref_slice %arg3[%dma_wait3A_637, %dma_wait3A_638] : memref<1000000x32xf32, #tpu.memory_space<hbm>> -> memref<1000000x32xf32, #tpu.memory_space<hbm>>
      tpu.wait_indirect_dma semaphore(%arg8 : memref<!tpu.dma_semaphore, #tpu.memory_space<semaphore_mem>>) src(%dma_wait3A_639 : memref<1000000x32xf32, #tpu.memory_space<hbm>>) dst(%dma_wait3A_633 : memref<50x32xf32, #tpu.memory_space<vmem>>)
      %dma_wait3A_640 = arith.constant 1 : i32
      %dma_wait3A_641 = arith.constant 5 : i32
      %dma_wait3A_642 = arith.constant 1 : i32
      %dma_wait3A_643 = arith.constant 5 : i32
      %dma_wait3A_644 = arith.constant 0 : i32
      %dma_wait3A_645 = arith.constant 0 : i32
      %dma_wait3A_646 = tpu.memref_slice %arg6[%dma_wait3A_642, %dma_wait3A_643, %dma_wait3A_644, %dma_wait3A_645] : memref<2x16x50x32xf32, #tpu.memory_space<vmem>> -> memref<1x1x50x32xf32, #tpu.memory_space<vmem>>
      %dma_wait3A_647 = tpu.memref_squeeze %dma_wait3A_646 : memref<1x1x50x32xf32, #tpu.memory_space<vmem>> -> memref<50x32xf32, #tpu.memory_space<vmem>>
      %dma_wait3A_648 = arith.constant 0 : i32
      %dma_wait3A_649 = tpu.memref_slice %arg5[%dma_wait3A_640, %dma_wait3A_641, %dma_wait3A_648] : memref<2x16x50xi32, #tpu.memory_space<vmem>> -> memref<1x1x50xi32, #tpu.memory_space<vmem>>
      %dma_wait3A_650 = tpu.memref_squeeze %dma_wait3A_649 : memref<1x1x50xi32, #tpu.memory_space<vmem>> -> memref<50xi32, #tpu.memory_space<vmem>>
      %dma_wait3A_651 = arith.constant 0 : i32
      %dma_wait3A_652 = arith.constant 0 : i32
      %dma_wait3A_653 = tpu.memref_slice %arg3[%dma_wait3A_651, %dma_wait3A_652] : memref<1000000x32xf32, #tpu.memory_space<hbm>> -> memref<1000000x32xf32, #tpu.memory_space<hbm>>
      tpu.wait_indirect_dma semaphore(%arg8 : memref<!tpu.dma_semaphore, #tpu.memory_space<semaphore_mem>>) src(%dma_wait3A_653 : memref<1000000x32xf32, #tpu.memory_space<hbm>>) dst(%dma_wait3A_647 : memref<50x32xf32, #tpu.memory_space<vmem>>)
      %dma_wait3A_654 = arith.constant 1 : i32
      %dma_wait3A_655 = arith.constant 6 : i32
      %dma_wait3A_656 = arith.constant 1 : i32
      %dma_wait3A_657 = arith.constant 6 : i32
      %dma_wait3A_658 = arith.constant 0 : i32
      %dma_wait3A_659 = arith.constant 0 : i32
      %dma_wait3A_660 = tpu.memref_slice %arg6[%dma_wait3A_656, %dma_wait3A_657, %dma_wait3A_658, %dma_wait3A_659] : memref<2x16x50x32xf32, #tpu.memory_space<vmem>> -> memref<1x1x50x32xf32, #tpu.memory_space<vmem>>
      %dma_wait3A_661 = tpu.memref_squeeze %dma_wait3A_660 : memref<1x1x50x32xf32, #tpu.memory_space<vmem>> -> memref<50x32xf32, #tpu.memory_space<vmem>>
      %dma_wait3A_662 = arith.constant 0 : i32
      %dma_wait3A_663 = tpu.memref_slice %arg5[%dma_wait3A_654, %dma_wait3A_655, %dma_wait3A_662] : memref<2x16x50xi32, #tpu.memory_space<vmem>> -> memref<1x1x50xi32, #tpu.memory_space<vmem>>
      %dma_wait3A_664 = tpu.memref_squeeze %dma_wait3A_663 : memref<1x1x50xi32, #tpu.memory_space<vmem>> -> memref<50xi32, #tpu.memory_space<vmem>>
      %dma_wait3A_665 = arith.constant 0 : i32
      %dma_wait3A_666 = arith.constant 0 : i32
      %dma_wait3A_667 = tpu.memref_slice %arg3[%dma_wait3A_665, %dma_wait3A_666] : memref<1000000x32xf32, #tpu.memory_space<hbm>> -> memref<1000000x32xf32, #tpu.memory_space<hbm>>
      tpu.wait_indirect_dma semaphore(%arg8 : memref<!tpu.dma_semaphore, #tpu.memory_space<semaphore_mem>>) src(%dma_wait3A_667 : memref<1000000x32xf32, #tpu.memory_space<hbm>>) dst(%dma_wait3A_661 : memref<50x32xf32, #tpu.memory_space<vmem>>)
      %dma_wait3A_668 = arith.constant 1 : i32
      %dma_wait3A_669 = arith.constant 7 : i32
      %dma_wait3A_670 = arith.constant 1 : i32
      %dma_wait3A_671 = arith.constant 7 : i32
      %dma_wait3A_672 = arith.constant 0 : i32
      %dma_wait3A_673 = arith.constant 0 : i32
      %dma_wait3A_674 = tpu.memref_slice %arg6[%dma_wait3A_670, %dma_wait3A_671, %dma_wait3A_672, %dma_wait3A_673] : memref<2x16x50x32xf32, #tpu.memory_space<vmem>> -> memref<1x1x50x32xf32, #tpu.memory_space<vmem>>
      %dma_wait3A_675 = tpu.memref_squeeze %dma_wait3A_674 : memref<1x1x50x32xf32, #tpu.memory_space<vmem>> -> memref<50x32xf32, #tpu.memory_space<vmem>>
      %dma_wait3A_676 = arith.constant 0 : i32
      %dma_wait3A_677 = tpu.memref_slice %arg5[%dma_wait3A_668, %dma_wait3A_669, %dma_wait3A_676] : memref<2x16x50xi32, #tpu.memory_space<vmem>> -> memref<1x1x50xi32, #tpu.memory_space<vmem>>
      %dma_wait3A_678 = tpu.memref_squeeze %dma_wait3A_677 : memref<1x1x50xi32, #tpu.memory_space<vmem>> -> memref<50xi32, #tpu.memory_space<vmem>>
      %dma_wait3A_679 = arith.constant 0 : i32
      %dma_wait3A_680 = arith.constant 0 : i32
      %dma_wait3A_681 = tpu.memref_slice %arg3[%dma_wait3A_679, %dma_wait3A_680] : memref<1000000x32xf32, #tpu.memory_space<hbm>> -> memref<1000000x32xf32, #tpu.memory_space<hbm>>
      tpu.wait_indirect_dma semaphore(%arg8 : memref<!tpu.dma_semaphore, #tpu.memory_space<semaphore_mem>>) src(%dma_wait3A_681 : memref<1000000x32xf32, #tpu.memory_space<hbm>>) dst(%dma_wait3A_675 : memref<50x32xf32, #tpu.memory_space<vmem>>)
      %dma_wait3A_682 = arith.constant 1 : i32
      %dma_wait3A_683 = arith.constant 8 : i32
      %dma_wait3A_684 = arith.constant 1 : i32
      %dma_wait3A_685 = arith.constant 8 : i32
      %dma_wait3A_686 = arith.constant 0 : i32
      %dma_wait3A_687 = arith.constant 0 : i32
      %dma_wait3A_688 = tpu.memref_slice %arg6[%dma_wait3A_684, %dma_wait3A_685, %dma_wait3A_686, %dma_wait3A_687] : memref<2x16x50x32xf32, #tpu.memory_space<vmem>> -> memref<1x1x50x32xf32, #tpu.memory_space<vmem>>
      %dma_wait3A_689 = tpu.memref_squeeze %dma_wait3A_688 : memref<1x1x50x32xf32, #tpu.memory_space<vmem>> -> memref<50x32xf32, #tpu.memory_space<vmem>>
      %dma_wait3A_690 = arith.constant 0 : i32
      %dma_wait3A_691 = tpu.memref_slice %arg5[%dma_wait3A_682, %dma_wait3A_683, %dma_wait3A_690] : memref<2x16x50xi32, #tpu.memory_space<vmem>> -> memref<1x1x50xi32, #tpu.memory_space<vmem>>
      %dma_wait3A_692 = tpu.memref_squeeze %dma_wait3A_691 : memref<1x1x50xi32, #tpu.memory_space<vmem>> -> memref<50xi32, #tpu.memory_space<vmem>>
      %dma_wait3A_693 = arith.constant 0 : i32
      %dma_wait3A_694 = arith.constant 0 : i32
      %dma_wait3A_695 = tpu.memref_slice %arg3[%dma_wait3A_693, %dma_wait3A_694] : memref<1000000x32xf32, #tpu.memory_space<hbm>> -> memref<1000000x32xf32, #tpu.memory_space<hbm>>
      tpu.wait_indirect_dma semaphore(%arg8 : memref<!tpu.dma_semaphore, #tpu.memory_space<semaphore_mem>>) src(%dma_wait3A_695 : memref<1000000x32xf32, #tpu.memory_space<hbm>>) dst(%dma_wait3A_689 : memref<50x32xf32, #tpu.memory_space<vmem>>)
      %dma_wait3A_696 = arith.constant 1 : i32
      %dma_wait3A_697 = arith.constant 9 : i32
      %dma_wait3A_698 = arith.constant 1 : i32
      %dma_wait3A_699 = arith.constant 9 : i32
      %dma_wait3A_700 = arith.constant 0 : i32
      %dma_wait3A_701 = arith.constant 0 : i32
      %dma_wait3A_702 = tpu.memref_slice %arg6[%dma_wait3A_698, %dma_wait3A_699, %dma_wait3A_700, %dma_wait3A_701] : memref<2x16x50x32xf32, #tpu.memory_space<vmem>> -> memref<1x1x50x32xf32, #tpu.memory_space<vmem>>
      %dma_wait3A_703 = tpu.memref_squeeze %dma_wait3A_702 : memref<1x1x50x32xf32, #tpu.memory_space<vmem>> -> memref<50x32xf32, #tpu.memory_space<vmem>>
      %dma_wait3A_704 = arith.constant 0 : i32
      %dma_wait3A_705 = tpu.memref_slice %arg5[%dma_wait3A_696, %dma_wait3A_697, %dma_wait3A_704] : memref<2x16x50xi32, #tpu.memory_space<vmem>> -> memref<1x1x50xi32, #tpu.memory_space<vmem>>
      %dma_wait3A_706 = tpu.memref_squeeze %dma_wait3A_705 : memref<1x1x50xi32, #tpu.memory_space<vmem>> -> memref<50xi32, #tpu.memory_space<vmem>>
      %dma_wait3A_707 = arith.constant 0 : i32
      %dma_wait3A_708 = arith.constant 0 : i32
      %dma_wait3A_709 = tpu.memref_slice %arg3[%dma_wait3A_707, %dma_wait3A_708] : memref<1000000x32xf32, #tpu.memory_space<hbm>> -> memref<1000000x32xf32, #tpu.memory_space<hbm>>
      tpu.wait_indirect_dma semaphore(%arg8 : memref<!tpu.dma_semaphore, #tpu.memory_space<semaphore_mem>>) src(%dma_wait3A_709 : memref<1000000x32xf32, #tpu.memory_space<hbm>>) dst(%dma_wait3A_703 : memref<50x32xf32, #tpu.memory_space<vmem>>)
      %dma_wait3A_710 = arith.constant 1 : i32
      %dma_wait3A_711 = arith.constant 10 : i32
      %dma_wait3A_712 = arith.constant 1 : i32
      %dma_wait3A_713 = arith.constant 10 : i32
      %dma_wait3A_714 = arith.constant 0 : i32
      %dma_wait3A_715 = arith.constant 0 : i32
      %dma_wait3A_716 = tpu.memref_slice %arg6[%dma_wait3A_712, %dma_wait3A_713, %dma_wait3A_714, %dma_wait3A_715] : memref<2x16x50x32xf32, #tpu.memory_space<vmem>> -> memref<1x1x50x32xf32, #tpu.memory_space<vmem>>
      %dma_wait3A_717 = tpu.memref_squeeze %dma_wait3A_716 : memref<1x1x50x32xf32, #tpu.memory_space<vmem>> -> memref<50x32xf32, #tpu.memory_space<vmem>>
      %dma_wait3A_718 = arith.constant 0 : i32
      %dma_wait3A_719 = tpu.memref_slice %arg5[%dma_wait3A_710, %dma_wait3A_711, %dma_wait3A_718] : memref<2x16x50xi32, #tpu.memory_space<vmem>> -> memref<1x1x50xi32, #tpu.memory_space<vmem>>
      %dma_wait3A_720 = tpu.memref_squeeze %dma_wait3A_719 : memref<1x1x50xi32, #tpu.memory_space<vmem>> -> memref<50xi32, #tpu.memory_space<vmem>>
      %dma_wait3A_721 = arith.constant 0 : i32
      %dma_wait3A_722 = arith.constant 0 : i32
      %dma_wait3A_723 = tpu.memref_slice %arg3[%dma_wait3A_721, %dma_wait3A_722] : memref<1000000x32xf32, #tpu.memory_space<hbm>> -> memref<1000000x32xf32, #tpu.memory_space<hbm>>
      tpu.wait_indirect_dma semaphore(%arg8 : memref<!tpu.dma_semaphore, #tpu.memory_space<semaphore_mem>>) src(%dma_wait3A_723 : memref<1000000x32xf32, #tpu.memory_space<hbm>>) dst(%dma_wait3A_717 : memref<50x32xf32, #tpu.memory_space<vmem>>)
      %dma_wait3A_724 = arith.constant 1 : i32
      %dma_wait3A_725 = arith.constant 11 : i32
      %dma_wait3A_726 = arith.constant 1 : i32
      %dma_wait3A_727 = arith.constant 11 : i32
      %dma_wait3A_728 = arith.constant 0 : i32
      %dma_wait3A_729 = arith.constant 0 : i32
      %dma_wait3A_730 = tpu.memref_slice %arg6[%dma_wait3A_726, %dma_wait3A_727, %dma_wait3A_728, %dma_wait3A_729] : memref<2x16x50x32xf32, #tpu.memory_space<vmem>> -> memref<1x1x50x32xf32, #tpu.memory_space<vmem>>
      %dma_wait3A_731 = tpu.memref_squeeze %dma_wait3A_730 : memref<1x1x50x32xf32, #tpu.memory_space<vmem>> -> memref<50x32xf32, #tpu.memory_space<vmem>>
      %dma_wait3A_732 = arith.constant 0 : i32
      %dma_wait3A_733 = tpu.memref_slice %arg5[%dma_wait3A_724, %dma_wait3A_725, %dma_wait3A_732] : memref<2x16x50xi32, #tpu.memory_space<vmem>> -> memref<1x1x50xi32, #tpu.memory_space<vmem>>
      %dma_wait3A_734 = tpu.memref_squeeze %dma_wait3A_733 : memref<1x1x50xi32, #tpu.memory_space<vmem>> -> memref<50xi32, #tpu.memory_space<vmem>>
      %dma_wait3A_735 = arith.constant 0 : i32
      %dma_wait3A_736 = arith.constant 0 : i32
      %dma_wait3A_737 = tpu.memref_slice %arg3[%dma_wait3A_735, %dma_wait3A_736] : memref<1000000x32xf32, #tpu.memory_space<hbm>> -> memref<1000000x32xf32, #tpu.memory_space<hbm>>
      tpu.wait_indirect_dma semaphore(%arg8 : memref<!tpu.dma_semaphore, #tpu.memory_space<semaphore_mem>>) src(%dma_wait3A_737 : memref<1000000x32xf32, #tpu.memory_space<hbm>>) dst(%dma_wait3A_731 : memref<50x32xf32, #tpu.memory_space<vmem>>)
      %dma_wait3A_738 = arith.constant 1 : i32
      %dma_wait3A_739 = arith.constant 12 : i32
      %dma_wait3A_740 = arith.constant 1 : i32
      %dma_wait3A_741 = arith.constant 12 : i32
      %dma_wait3A_742 = arith.constant 0 : i32
      %dma_wait3A_743 = arith.constant 0 : i32
      %dma_wait3A_744 = tpu.memref_slice %arg6[%dma_wait3A_740, %dma_wait3A_741, %dma_wait3A_742, %dma_wait3A_743] : memref<2x16x50x32xf32, #tpu.memory_space<vmem>> -> memref<1x1x50x32xf32, #tpu.memory_space<vmem>>
      %dma_wait3A_745 = tpu.memref_squeeze %dma_wait3A_744 : memref<1x1x50x32xf32, #tpu.memory_space<vmem>> -> memref<50x32xf32, #tpu.memory_space<vmem>>
      %dma_wait3A_746 = arith.constant 0 : i32
      %dma_wait3A_747 = tpu.memref_slice %arg5[%dma_wait3A_738, %dma_wait3A_739, %dma_wait3A_746] : memref<2x16x50xi32, #tpu.memory_space<vmem>> -> memref<1x1x50xi32, #tpu.memory_space<vmem>>
      %dma_wait3A_748 = tpu.memref_squeeze %dma_wait3A_747 : memref<1x1x50xi32, #tpu.memory_space<vmem>> -> memref<50xi32, #tpu.memory_space<vmem>>
      %dma_wait3A_749 = arith.constant 0 : i32
      %dma_wait3A_750 = arith.constant 0 : i32
      %dma_wait3A_751 = tpu.memref_slice %arg3[%dma_wait3A_749, %dma_wait3A_750] : memref<1000000x32xf32, #tpu.memory_space<hbm>> -> memref<1000000x32xf32, #tpu.memory_space<hbm>>
      tpu.wait_indirect_dma semaphore(%arg8 : memref<!tpu.dma_semaphore, #tpu.memory_space<semaphore_mem>>) src(%dma_wait3A_751 : memref<1000000x32xf32, #tpu.memory_space<hbm>>) dst(%dma_wait3A_745 : memref<50x32xf32, #tpu.memory_space<vmem>>)
      %dma_wait3A_752 = arith.constant 1 : i32
      %dma_wait3A_753 = arith.constant 13 : i32
      %dma_wait3A_754 = arith.constant 1 : i32
      %dma_wait3A_755 = arith.constant 13 : i32
      %dma_wait3A_756 = arith.constant 0 : i32
      %dma_wait3A_757 = arith.constant 0 : i32
      %dma_wait3A_758 = tpu.memref_slice %arg6[%dma_wait3A_754, %dma_wait3A_755, %dma_wait3A_756, %dma_wait3A_757] : memref<2x16x50x32xf32, #tpu.memory_space<vmem>> -> memref<1x1x50x32xf32, #tpu.memory_space<vmem>>
      %dma_wait3A_759 = tpu.memref_squeeze %dma_wait3A_758 : memref<1x1x50x32xf32, #tpu.memory_space<vmem>> -> memref<50x32xf32, #tpu.memory_space<vmem>>
      %dma_wait3A_760 = arith.constant 0 : i32
      %dma_wait3A_761 = tpu.memref_slice %arg5[%dma_wait3A_752, %dma_wait3A_753, %dma_wait3A_760] : memref<2x16x50xi32, #tpu.memory_space<vmem>> -> memref<1x1x50xi32, #tpu.memory_space<vmem>>
      %dma_wait3A_762 = tpu.memref_squeeze %dma_wait3A_761 : memref<1x1x50xi32, #tpu.memory_space<vmem>> -> memref<50xi32, #tpu.memory_space<vmem>>
      %dma_wait3A_763 = arith.constant 0 : i32
      %dma_wait3A_764 = arith.constant 0 : i32
      %dma_wait3A_765 = tpu.memref_slice %arg3[%dma_wait3A_763, %dma_wait3A_764] : memref<1000000x32xf32, #tpu.memory_space<hbm>> -> memref<1000000x32xf32, #tpu.memory_space<hbm>>
      tpu.wait_indirect_dma semaphore(%arg8 : memref<!tpu.dma_semaphore, #tpu.memory_space<semaphore_mem>>) src(%dma_wait3A_765 : memref<1000000x32xf32, #tpu.memory_space<hbm>>) dst(%dma_wait3A_759 : memref<50x32xf32, #tpu.memory_space<vmem>>)
      %dma_wait3A_766 = arith.constant 1 : i32
      %dma_wait3A_767 = arith.constant 14 : i32
      %dma_wait3A_768 = arith.constant 1 : i32
      %dma_wait3A_769 = arith.constant 14 : i32
      %dma_wait3A_770 = arith.constant 0 : i32
      %dma_wait3A_771 = arith.constant 0 : i32
      %dma_wait3A_772 = tpu.memref_slice %arg6[%dma_wait3A_768, %dma_wait3A_769, %dma_wait3A_770, %dma_wait3A_771] : memref<2x16x50x32xf32, #tpu.memory_space<vmem>> -> memref<1x1x50x32xf32, #tpu.memory_space<vmem>>
      %dma_wait3A_773 = tpu.memref_squeeze %dma_wait3A_772 : memref<1x1x50x32xf32, #tpu.memory_space<vmem>> -> memref<50x32xf32, #tpu.memory_space<vmem>>
      %dma_wait3A_774 = arith.constant 0 : i32
      %dma_wait3A_775 = tpu.memref_slice %arg5[%dma_wait3A_766, %dma_wait3A_767, %dma_wait3A_774] : memref<2x16x50xi32, #tpu.memory_space<vmem>> -> memref<1x1x50xi32, #tpu.memory_space<vmem>>
      %dma_wait3A_776 = tpu.memref_squeeze %dma_wait3A_775 : memref<1x1x50xi32, #tpu.memory_space<vmem>> -> memref<50xi32, #tpu.memory_space<vmem>>
      %dma_wait3A_777 = arith.constant 0 : i32
      %dma_wait3A_778 = arith.constant 0 : i32
      %dma_wait3A_779 = tpu.memref_slice %arg3[%dma_wait3A_777, %dma_wait3A_778] : memref<1000000x32xf32, #tpu.memory_space<hbm>> -> memref<1000000x32xf32, #tpu.memory_space<hbm>>
      tpu.wait_indirect_dma semaphore(%arg8 : memref<!tpu.dma_semaphore, #tpu.memory_space<semaphore_mem>>) src(%dma_wait3A_779 : memref<1000000x32xf32, #tpu.memory_space<hbm>>) dst(%dma_wait3A_773 : memref<50x32xf32, #tpu.memory_space<vmem>>)
      %dma_wait3A_780 = arith.constant 1 : i32
      %dma_wait3A_781 = arith.constant 15 : i32
      %dma_wait3A_782 = arith.constant 1 : i32
      %dma_wait3A_783 = arith.constant 15 : i32
      %dma_wait3A_784 = arith.constant 0 : i32
      %dma_wait3A_785 = arith.constant 0 : i32
      %dma_wait3A_786 = tpu.memref_slice %arg6[%dma_wait3A_782, %dma_wait3A_783, %dma_wait3A_784, %dma_wait3A_785] : memref<2x16x50x32xf32, #tpu.memory_space<vmem>> -> memref<1x1x50x32xf32, #tpu.memory_space<vmem>>
      %dma_wait3A_787 = tpu.memref_squeeze %dma_wait3A_786 : memref<1x1x50x32xf32, #tpu.memory_space<vmem>> -> memref<50x32xf32, #tpu.memory_space<vmem>>
      %dma_wait3A_788 = arith.constant 0 : i32
      %dma_wait3A_789 = tpu.memref_slice %arg5[%dma_wait3A_780, %dma_wait3A_781, %dma_wait3A_788] : memref<2x16x50xi32, #tpu.memory_space<vmem>> -> memref<1x1x50xi32, #tpu.memory_space<vmem>>
      %dma_wait3A_790 = tpu.memref_squeeze %dma_wait3A_789 : memref<1x1x50xi32, #tpu.memory_space<vmem>> -> memref<50xi32, #tpu.memory_space<vmem>>
      %dma_wait3A_791 = arith.constant 0 : i32
      %dma_wait3A_792 = arith.constant 0 : i32
      %dma_wait3A_793 = tpu.memref_slice %arg3[%dma_wait3A_791, %dma_wait3A_792] : memref<1000000x32xf32, #tpu.memory_space<hbm>> -> memref<1000000x32xf32, #tpu.memory_space<hbm>>
      tpu.wait_indirect_dma semaphore(%arg8 : memref<!tpu.dma_semaphore, #tpu.memory_space<semaphore_mem>>) src(%dma_wait3A_793 : memref<1000000x32xf32, #tpu.memory_space<hbm>>) dst(%dma_wait3A_787 : memref<50x32xf32, #tpu.memory_space<vmem>>)
      %add3A_794 = arith.constant 2 : i32
      %add3A_795 = arith.addi %add3A_557, %add3A_794 : i32
      %lt3A_796 = arith.constant 32 : i32
      %lt3A_797 = arith.cmpi slt, %add3A_795, %lt3A_796 : i32
      %convert_element_type3A_798 = arith.extui %lt3A_797 : i1 to i32
      %cond3A_799 = arith.constant 0 : i32
      %cond3A_800 = arith.cmpi ne, %convert_element_type3A_798, %cond3A_799 : i32
      scf.if %cond3A_800 {
        %add3A_821 = arith.constant 2 : i32
        %add3A_822 = arith.addi %add3A_557, %add3A_821 : i32
        %mul3A_823 = arith.constant 16 : i32
        %mul3A_824 = arith.muli %add3A_822, %mul3A_823 : i32
        %add3A_825 = arith.addi %mul3A_2, %mul3A_824 : i32
        %dma_start3A_826 = arith.constant 1 : i32
        %dma_start3A_827 = arith.constant 0 : i32
        %dma_start3A_828 = arith.constant 0 : i32
        %dma_start3A_829 = tpu.memref_slice %arg5[%dma_start3A_826, %dma_start3A_827, %dma_start3A_828] : memref<2x16x50xi32, #tpu.memory_space<vmem>> -> memref<1x16x50xi32, #tpu.memory_space<vmem>>
        %dma_start3A_830 = tpu.memref_squeeze %dma_start3A_829 : memref<1x16x50xi32, #tpu.memory_space<vmem>> -> memref<16x50xi32, #tpu.memory_space<vmem>>
        %dma_start3A_831 = arith.constant 0 : i32
        %dma_start3A_832 = tpu.memref_slice %arg2[%add3A_825, %dma_start3A_831] : memref<16384x50xi32, #tpu.memory_space<hbm>> -> memref<16x50xi32, #tpu.memory_space<hbm>>
        %dma_start3A_833 = arith.constant 0 : i32
        %dma_start3A_834 = arith.constant 0 : i32
        %dma_start3A_835 = tpu.memref_slice %arg5[%dma_start3A_826, %dma_start3A_833, %dma_start3A_834] : memref<2x16x50xi32, #tpu.memory_space<vmem>> -> memref<1x16x50xi32, #tpu.memory_space<vmem>>
        %dma_start3A_836 = tpu.memref_squeeze %dma_start3A_835 : memref<1x16x50xi32, #tpu.memory_space<vmem>> -> memref<16x50xi32, #tpu.memory_space<vmem>>
        %dma_start3A_837 = arith.constant 0 : i32
        %dma_start3A_838 = tpu.memref_slice %arg2[%add3A_825, %dma_start3A_837] : memref<16384x50xi32, #tpu.memory_space<hbm>> -> memref<16x50xi32, #tpu.memory_space<hbm>>
        tpu.enqueue_dma source(%dma_start3A_838 : memref<16x50xi32, #tpu.memory_space<hbm>>) target(%dma_start3A_836 : memref<16x50xi32, #tpu.memory_space<vmem>>) target_semaphore(%arg7 : memref<!tpu.dma_semaphore, #tpu.memory_space<semaphore_mem>>)
      } else {
      }
      %mul3A_801 = arith.constant 16 : i32
      %mul3A_802 = arith.muli %add3A_557, %mul3A_801 : i32
      %add3A_803 = arith.addi %mul3A_2, %mul3A_802 : i32
      %dma_start3A_804 = arith.constant 1 : i32
      %dma_start3A_805 = arith.constant 0 : i32
      %dma_start3A_806 = arith.constant 0 : i32
      %dma_start3A_807 = arith.constant 0 : i32
      %dma_start3A_808 = tpu.memref_slice %arg6[%dma_start3A_804, %dma_start3A_805, %dma_start3A_806, %dma_start3A_807] : memref<2x16x50x32xf32, #tpu.memory_space<vmem>> -> memref<1x16x50x32xf32, #tpu.memory_space<vmem>>
      %dma_start3A_809 = tpu.memref_squeeze %dma_start3A_808 : memref<1x16x50x32xf32, #tpu.memory_space<vmem>> -> memref<16x50x32xf32, #tpu.memory_space<vmem>>
      %dma_start3A_810 = arith.constant 0 : i32
      %dma_start3A_811 = arith.constant 0 : i32
      %dma_start3A_812 = tpu.memref_slice %arg4[%add3A_803, %dma_start3A_810, %dma_start3A_811] : memref<16384x50x32xf32, #tpu.memory_space<hbm>> -> memref<16x50x32xf32, #tpu.memory_space<hbm>>
      %dma_start3A_813 = arith.constant 0 : i32
      %dma_start3A_814 = arith.constant 0 : i32
      %dma_start3A_815 = tpu.memref_slice %arg4[%add3A_803, %dma_start3A_813, %dma_start3A_814] : memref<16384x50x32xf32, #tpu.memory_space<hbm>> -> memref<16x50x32xf32, #tpu.memory_space<hbm>>
      %dma_start3A_816 = arith.constant 0 : i32
      %dma_start3A_817 = arith.constant 0 : i32
      %dma_start3A_818 = arith.constant 0 : i32
      %dma_start3A_819 = tpu.memref_slice %arg6[%dma_start3A_804, %dma_start3A_816, %dma_start3A_817, %dma_start3A_818] : memref<2x16x50x32xf32, #tpu.memory_space<vmem>> -> memref<1x16x50x32xf32, #tpu.memory_space<vmem>>
      %dma_start3A_820 = tpu.memref_squeeze %dma_start3A_819 : memref<1x16x50x32xf32, #tpu.memory_space<vmem>> -> memref<16x50x32xf32, #tpu.memory_space<vmem>>
      tpu.enqueue_dma source(%dma_start3A_820 : memref<16x50x32xf32, #tpu.memory_space<vmem>>) target(%dma_start3A_815 : memref<16x50x32xf32, #tpu.memory_space<hbm>>) target_semaphore(%arg9 : memref<!tpu.dma_semaphore, #tpu.memory_space<semaphore_mem>>)
    }
    %scan3A_272 = arith.constant 16 : i32
    %dma_wait3A_273 = arith.constant 1 : i32
    %dma_wait3A_274 = arith.constant 0 : i32
    %dma_wait3A_275 = arith.constant 0 : i32
    %dma_wait3A_276 = arith.constant 0 : i32
    %dma_wait3A_277 = tpu.memref_slice %arg6[%dma_wait3A_273, %dma_wait3A_274, %dma_wait3A_275, %dma_wait3A_276] : memref<2x16x50x32xf32, #tpu.memory_space<vmem>> -> memref<1x16x50x32xf32, #tpu.memory_space<vmem>>
    %dma_wait3A_278 = tpu.memref_squeeze %dma_wait3A_277 : memref<1x16x50x32xf32, #tpu.memory_space<vmem>> -> memref<16x50x32xf32, #tpu.memory_space<vmem>>
    %dma_wait3A_279 = arith.constant 0 : i32
    %dma_wait3A_280 = arith.constant 0 : i32
    %dma_wait3A_281 = tpu.memref_slice %arg4[%mul3A_2, %dma_wait3A_279, %dma_wait3A_280] : memref<16384x50x32xf32, #tpu.memory_space<hbm>> -> memref<16x50x32xf32, #tpu.memory_space<hbm>>
    %dma_wait3A_282 = arith.constant 0 : i32
    %dma_wait3A_283 = arith.constant 0 : i32
    %dma_wait3A_284 = tpu.memref_slice %arg4[%mul3A_2, %dma_wait3A_282, %dma_wait3A_283] : memref<16384x50x32xf32, #tpu.memory_space<hbm>> -> memref<16x50x32xf32, #tpu.memory_space<hbm>>
    %dma_wait3A_285 = arith.constant 0 : i32
    %dma_wait3A_286 = arith.constant 0 : i32
    %dma_wait3A_287 = arith.constant 0 : i32
    %dma_wait3A_288 = tpu.memref_slice %arg6[%dma_wait3A_273, %dma_wait3A_285, %dma_wait3A_286, %dma_wait3A_287] : memref<2x16x50x32xf32, #tpu.memory_space<vmem>> -> memref<1x16x50x32xf32, #tpu.memory_space<vmem>>
    %dma_wait3A_289 = tpu.memref_squeeze %dma_wait3A_288 : memref<1x16x50x32xf32, #tpu.memory_space<vmem>> -> memref<16x50x32xf32, #tpu.memory_space<vmem>>
    tpu.wait_dma2 semaphore(%arg9 : memref<!tpu.dma_semaphore, #tpu.memory_space<semaphore_mem>>) src(%dma_wait3A_289 : memref<16x50x32xf32, #tpu.memory_space<vmem>>) dst(%dma_wait3A_284 : memref<16x50x32xf32, #tpu.memory_space<hbm>>)
    return
  }
}

</mosaic_0001>

<sc_bundles>
// kernel: _lookup.3.cloned.1.call-start
scs
__scs_entry_jumppad:
0x0: {  	(pc) =	sbr.rel $0x88, $3  }
0x1: {  	(tag) =	ssettag $0x0;
	lr =	simm.s32 $0x1  }
0x2: {  	[smem:$0x3F9F] =	sst lr;
	_ =	strace $0xD0000000  }
0x3: {  	_ = 	snop  }
0x4: {  	_ = 	snop  }
0x5: {  	_ = 	snop  }
0x6: {  	_ = 	snop  }
0x7: {  	_ = 	snop  }
__scs_overlays_trampoline_lowered:
0x8: {  	[smem:$0x3FAE] =	sst s0  }
0x9: {  	[smem:$0x3FAF] =	sst s1  }
0xa: {  	[smem:$0x3FB0] =	sst s2  }
0xb: {  	[smem:$0x3FB1] =	sst s3  }
0xc: {  	[smem:$0x3FB2] =	sst s4  }
0xd: {  	[smem:$0x3FB3] =	sst s5  }
0xe: {  	[smem:$0x3FB4] =	sst s6  }
0xf: {  	[smem:$0x3FB5] =	sst s7  }
0x10: {  	[smem:$0x3FB6] =	sst s8  }
0x11: {  	[smem:$0x3FB7] =	sst s9;
	s0 =	simm.s32 @!p0 $0x0  }
0x12: {  	s1 =	sld [smem:$0x3F9D];
	s0 =	simm.s32 @p0 $0x1  }
0x13: {  	[smem:$0x3FB8] =	sst s0;
	s0 =	simm.s32 @!p1 $0x0  }
0x14: {  	s2 =	sld [smem:$0x3F9C];
	s0 =	simm.s32 @p1 $0x1  }
0x15: {  	[smem:$0x3FB9] =	sst s0;
	s0 =	simm.s32 @!p2 $0x0  }
0x16: {  	s3 =	sld [smem:$0x3FDB];
	s0 =	simm.s32 @p2 $0x1  }
0x17: {  	s4 =	simm.s32 $0x1BF5;
	[smem:$0x3FBB] =	sst s0  }
0x18: {  	s0 =	sld [smem:$0x3F9E];
	_ =	swait.ge [sflag:s4], $0x0  }
0x19: {  	s7 =	sld [smem:$0x3F9F]  }
0x1a: {  	s8 =	sadd.s32 $0xFFFFE003, lr  }
0x1b: {  	s9 =	sadd.s32 $0xFFFFFEF7, lr;
	s5 =	simm.s32 $0xFFFFFFFF;
	p2 =	slt.u32 s8, $0xFFFFF086  }
0x1c: {  	p1 =	slt.u32 s9, $0xF7A;
	s5 =	simm.s32 @!p2 $0x0  }
0x1d: {  	s5 =	simm.s32 @p1 $0x1;
	p0 =	seq.s32 s7, s2  }
0x1e: {  	s7 =	smul.u32 @!p0 $0xF7A, s2;
	p2 =	seq.s32 @!p0 s5, $0x0  }
0x1f: {  	s9 =	smul.u32 $0xF7A, s1;
	s8 =	simm.s32 @!p0 $0x1BF5;
	p2 =	por !p2, p0  }
0x20: {  	[sflag:s8] =	ssyncset.s32 @!p0 $0xFFFFF086;
	s6 =	sadd.s32 @!p0 s3, s7;
	s7 =	simm.s32 @!p0 $0x108  }
0x21: {  	s3 =	sadd.s32 s3, s9;
	s6 =	sadd.s32 @!p0 $0x88, s6;
	s7 =	simm.s32 @p2 $0x1082  }
0x22: {  	[simem:s7], [sflag:s8] =	dma.local @!p0 [hbm:s6], $0xF7A  }
0x23: {  	s9 =	sor.u32 $0xD0000000, s2;
	s6 =	simm.s32 $0x108;
	_ =	swait.ge @!p0 [sflag:s8], $0x0  }
0x24: {  	s3 =	sadd.s32 $0x88, s3;
	s6 =	simm.s32 @!p1 $0x1082;
	[sflag:s4] =	ssyncset.s32 $0xFFFFF086  }
0x25: {  	[simem:s6], [sflag:s4] =	dma.local [hbm:s3], $0xF7A  }
0x26: {  	[smem:$0x3F9F] =	sst s1;
	(tag) =	ssettag s2;
	_ =	strace s9  }
0x27: {  	s1 =	sld [smem:$0x3FAF]  }
0x28: {  	s2 =	sld [smem:$0x3FB0]  }
0x29: {  	s4 =	sld [smem:$0x3FB2]  }
0x2a: {  	p0 =	seq.s32 s5, $0x0;
	s5 =	sld [smem:$0x3FB3]  }
0x2b: {  	s6 =	sld [smem:$0x3FB4]  }
0x2c: {  	s7 =	sld [smem:$0x3FB5]  }
0x2d: {  	s3 =	simm.s32 $0x108;
	s8 =	sld [smem:$0x3FB6]  }
0x2e: {  	s3 =	simm.s32 @!p0 $0x1082;
	s9 =	sld [smem:$0x3FB7]  }
0x2f: {  	lr =	sadd.s32 s0, s3;
	s0 =	sld [smem:$0x3FAE]  }
0x30: {  	s3 =	sld [smem:$0x3FB1]  }
0x31: {  	[smem:$0x3FBA] =	sst s10  }
0x32: {  	s10 =	sld [smem:$0x3FB8];
	_ =	sdelay $0x3  }
0x33: {  	p0 =	seq.s32 s10, $0x1;
	s10 =	sld [smem:$0x3FBA];
	_ =	sdelay $0x3  }
0x34: {  	[smem:$0x3FBA] =	sst s10  }
0x35: {  	s10 =	sld [smem:$0x3FB9];
	_ =	sdelay $0x3  }
0x36: {  	p1 =	seq.s32 s10, $0x1;
	s10 =	sld [smem:$0x3FBA];
	_ =	sdelay $0x3  }
0x37: {  	[smem:$0x3FBA] =	sst s10  }
0x38: {  	s10 =	sld [smem:$0x3FBB]  }
0x39: {  	_ = 	snop;
	(pc) =	sbr.ind lr, $3  }
0x3a: {  	_ = 	snop  }
0x3b: {  	_ = 	snop  }
0x3c: {  	p2 =	seq.s32 s10, $0x1;
	s10 =	sld [smem:$0x3FBA]  }
0x3d: {  	_ =	shalt  }
0x3e: {  	_ =	shalt  }
0x3f: {  	_ =	shalt  }
0x40: {  	_ =	shalt  }
0x41: {  	_ =	shalt  }
0x42: {  	_ =	shalt  }
0x43: {  	_ =	shalt  }
0x44: {  	_ =	shalt  }
0x45: {  	_ =	shalt  }
0x46: {  	_ =	shalt  }
0x47: {  	_ =	shalt  }
0x48: {  	_ =	shalt  }
0x49: {  	_ =	shalt  }
0x4a: {  	_ =	shalt  }
0x4b: {  	_ =	shalt  }
0x4c: {  	_ =	shalt  }
0x4d: {  	_ =	shalt  }
0x4e: {  	_ =	shalt  }
0x4f: {  	_ =	shalt  }
0x50: {  	_ =	shalt  }
0x51: {  	_ =	shalt  }
0x52: {  	_ =	shalt  }
0x53: {  	_ =	shalt  }
0x54: {  	_ =	shalt  }
0x55: {  	_ =	shalt  }
0x56: {  	_ =	shalt  }
0x57: {  	_ =	shalt  }
0x58: {  	_ =	shalt  }
0x59: {  	_ =	shalt  }
0x5a: {  	_ =	shalt  }
0x5b: {  	_ =	shalt  }
0x5c: {  	_ =	shalt  }
0x5d: {  	_ =	shalt  }
0x5e: {  	_ =	shalt  }
0x5f: {  	_ =	shalt  }
0x60: {  	_ =	shalt  }
0x61: {  	_ =	shalt  }
0x62: {  	_ =	shalt  }
0x63: {  	_ =	shalt  }
0x64: {  	_ =	shalt  }
0x65: {  	_ =	shalt  }
0x66: {  	_ =	shalt  }
0x67: {  	_ =	shalt  }
0x68: {  	_ =	shalt  }
0x69: {  	_ =	shalt  }
0x6a: {  	_ =	shalt  }
0x6b: {  	_ =	shalt  }
0x6c: {  	_ =	shalt  }
0x6d: {  	_ =	shalt  }
0x6e: {  	_ =	shalt  }
0x6f: {  	_ =	shalt  }
0x70: {  	_ =	shalt  }
0x71: {  	_ =	shalt  }
0x72: {  	_ =	shalt  }
0x73: {  	_ =	shalt  }
0x74: {  	_ =	shalt  }
0x75: {  	_ =	shalt  }
0x76: {  	_ =	shalt  }
0x77: {  	_ =	shalt  }
0x78: {  	_ =	shalt  }
0x79: {  	_ =	shalt  }
0x7a: {  	_ =	shalt  }
0x7b: {  	_ =	shalt  }
0x7c: {  	_ =	shalt  }
0x7d: {  	_ =	shalt  }
0x7e: {  	_ =	shalt  }
0x7f: {  	_ =	shalt  }
0x80: {  	_ =	shalt  }
0x81: {  	_ =	shalt  }
0x82: {  	_ =	shalt  }
0x83: {  	_ =	shalt  }
0x84: {  	_ =	shalt  }
0x85: {  	_ =	shalt  }
0x86: {  	_ =	shalt  }
0x87: {  	_ =	shalt  }
.Lfunc_end0:
.L_simem_size_0:
called_computation.1_lowered:
.L_overlay_start_0:
0x88: {  	s2 =	sld [smem:$0x3FD9]  }
0x89: {  	s3 =	sld [smem:$0x3FFE];
	_ =	sdelay $0x1  }
0x8a: {  	s1 =	srdreg.scid  }
0x8b: {  	s0 =	sand.u32 $0x1, s1  }
0x8c: {  	s17 =	sshll.u32 s0, $0xA;
	s2 =	sadd.s32 s3, s2  }
0x8d: {  	s2 =	sadd.s32 s2, s17  }
0x8e: {  	[smem:$0x3FC6] =	sst s2  }
0x8f: {  	_ = 	snop  }
0x90: {  	s2 =	sld [smem:$0x3FD0];
	(tm) =	ssettm $0x1  }
0x91: {  	s18 =	sld [smem:$0x3FFB];
	_ =	sdelay $0x3  }
0x92: {  	_ =	strace s18  }
0x93: {  	s3 =	sld [smem:$0x3FFC];
	_ =	sdelay $0x3  }
0x94: {  	_ =	strace s3  }
0x95: {  	s3 =	sld [smem:$0x3FFD];
	_ =	sdelay $0x3  }
0x96: {  	_ =	strace s3  }
0x97: {  	_ =	strace $0x8FFFFFFF  }
0x98: {  	s19 =	sld [smem:$0x3FDB];
	_ =	sdelay $0x1  }
0x99: {  	s4 =	simm.s32 $_scs_section_size  }
0x9a: {  	s5 =	simm.s32 $_size__tile_overlayer_lowered;
	s6 =	simm.s32 $_tile_overlayer_lowered  }
0x9b: {  	s22 =	simm.s32 $0x1BFF;
	s21 =	sshll.u32 s6, $0x1;
	s3 =	sadd.s32 s4, s19  }
0x9c: {  	s7 =	simm.s32 $0x0;
	s20 =	sshll.u32 s5, $0x1;
	s5 =	sadd.s32 s21, s3  }
0x9d: {  	[timem:s7], [sflag:s22] =	dma.local [hbm:s5], s20  }
0x9e: {  	_ =	swait.ge [sflag:s22], s20  }
0x9f: {  	s4 =	ssub.s32 $0x0, s20;
	[sflag:s22] =	ssyncset.done $0x0  }
0xa0: {  	[sflag:s22] =	ssyncadd.s32 s4;
	_ =	sdelay $0x1  }
0xa1: {  	s23 =	simm.s32 $0x1B8B  }
0xa2: {  	_ =	swait.ge [sflag:s23], $0x1  }
0xa3: {  	[sflag:s23] =	ssyncset.done $0x0  }
0xa4: {  	s25 =	simm.s32 $0x1B8E;
	s24 =	sld [smem:$0x3FFE];
	[sflag:s23] =	ssyncadd.s32 $0xFFFFFFFF  }
0xa5: {  	s26 =	simm.s32 $execute0_lowered;
	[smem:$0x3FD2] =	sst s25  }
0xa6: {  	s5 =	sshll.u32 s26, $0x1;
	_ =	strace $0x80000046;
	[dreg:$0x1] =	wrdreg $0xFFFFFFFF  }
0xa7: {  	s28 =	simm.s32 $_size_execute0_lowered;
	s3 =	sadd.s32 s3, s5;
	[dreg:$0x0] =	wrdreg $0x0  }
0xa8: {  	s5 =	sshll.u32 s28, $0x1;
	[dreg:$0x2] =	wrdreg s3  }
0xa9: {  	[dreg:$0x3] =	wrdreg s5  }
0xaa: {  	[dreg:$0x4] =	wrdreg $0xC0  }
0xab: {  	_ =	task [dreg:s7], $0x5FFFF  }
0xac: {  	[dreg:$0x1] =	wrdreg $0xFFFFFFFF  }
0xad: {  	[dreg:$0x0] =	wrdreg $0x60  }
0xae: {  	[dreg:$0x2] =	wrdreg s24  }
0xaf: {  	[dreg:$0x3] =	wrdreg s2  }
0xb0: {  	[dreg:$0x4] =	wrdreg $0x9  }
0xb1: {  	_ =	task.clear_ibuf [dreg:s7], $0x5FFFF;
	_ =	strace $0x90000046  }
0xb2: {  	s29 =	simm.s32 $0x9;
	_ =	strace $0x80000048  }
0xb3: {  	_ =	swait.ge [sflag:s29], $0x1  }
0xb4: {  	[sflag:s29] =	ssyncadd.s32 $0xFFFFFFFF  }
0xb5: {  	_ =	strace $0x90000048  }
0xb6: {  	_ =	sfence  }
0xb7: {  	s30 =	sld [smem:$0x0];
	_ =	sdelay $0x2  }
0xb8: {  	s31 =	sshll.u32 s1, $0xD;
	s1 =	sshrl.u32 s1, $0x2  }
0xb9: {  	s3 =	sand.u32 $0x4000, s31;
	s1 =	sadd.s32 s1, s30  }
0xba: {  	s0 =	sor.u32 s3, s0;
	s1 =	sshll.u32 s1, $0x11  }
0xbb: {  	s0 =	sor.u32 s1, s0  }
0xbc: {  	s0 =	sadd.s32 $0x8F2B, s0  }
0xbd: {  	[sflag:s0] =	ssyncadd.remote.s32 $0x1  }
0xbe: {  	_ =	sfence.sel $0xFFFF  }
0xbf: {  	[dreg:$0x0] =	wrdreg $0xFFFFFFFF;
	(pc) =	sbr.abs _section_cstart, $3  }
0xc0: {  	[dreg:$0x1] =	wrdreg $0xFFFFFFFF  }
0xc1: {  	_ =	task.clear_ibuf [dreg:s7], $0x2FFFF;
	_ =	strace $0x9FFFFFFF  }
0xc2: {  	(tm) =	ssettm $0x7FFFFFFF  }
0xc3: {  	_ =	shalt  }
tec
execute0_lowered:
.L_overlay_start_1:
0x0: {  	(tag) =	ssettag $0x1  }
0x1: {  	s0 =	srdreg.scid;
	s1 =	rddreg [dreg:$0x0]  }
0x2: {  	s9 =	stileid.u32;
	s7 =	rddreg [dreg:$0x1]  }
0x3: {  	s0 =	sand.u32 $0x1, s0;
	s2 =	sshll.u32 s9, $0xA;
	s5 =	smul.u32 $0x1C00, s9  }
0x4: {  	s6 =	sadd.s32 $0xA00, s1;
	s3 =	sshll.u32 s0, $0x9;
	s8 =	smul.u32 $0xE00, s0  }
0x5: {  	s4 =	sor.u32 s3, s2;
	s2 =	simm.s32 $0x0;
	s5 =	sadd.s32 s5, s6  }
0x6: {  	[smem:$0x7FF] =	sst s2;
	s19 =	sadd.s32 s8, s5  }
0x7: {  	s20 =	simm.s32 $0x3B8;
	_ =	strace $0x80000047;
	[dreg:$0x4] =	wrdreg s19  }
0x8: {  	s21 =	simm.s32 $0x7140;
	[dreg:$0x5] =	wrdreg s20  }
0x9: {  	s22 =	simm.s32 $0x3F0;
	[dreg:$0x6] =	wrdreg s21  }
0xa: {  	s23 =	simm.s32 $0x7780;
	[dreg:$0x7] =	wrdreg s22  }
0xb: {  	s25 =	simm.s32 $0x428;
	[dreg:$0x8] =	wrdreg s23  }
0xc: {  	s28 =	simm.s32 $0x7DC0;
	[dreg:$0x9] =	wrdreg s25  }
0xd: {  	s29 =	simm.s32 $0x460;
	[dreg:$0xa] =	wrdreg s28  }
0xe: {  	s30 =	simm.s32 $0x8400;
	[dreg:$0xb] =	wrdreg s29  }
0xf: {  	s31 =	simm.s32 $0x498;
	[dreg:$0xc] =	wrdreg s30  }
0x10: {  	s5 =	simm.s32 $0x8A40;
	[dreg:$0xd] =	wrdreg s31  }
0x11: {  	s11 =	simm.s32 $0x9080;
	[dreg:$0xe] =	wrdreg s5  }
0x12: {  	s12 =	simm.s32 $0x508;
	[dreg:$0x10] =	wrdreg s11  }
0x13: {  	s13 =	simm.s32 $0x96C0;
	[dreg:$0x11] =	wrdreg s12  }
0x14: {  	s14 =	simm.s32 $0x540;
	[dreg:$0x12] =	wrdreg s13  }
0x15: {  	s15 =	simm.s32 $0x9D00;
	[dreg:$0x13] =	wrdreg s14  }
0x16: {  	s16 =	simm.s32 $0x578;
	[dreg:$0x14] =	wrdreg s15  }
0x17: {  	s17 =	simm.s32 $0xA340;
	s24 =	ssub.s32 $0x2, s0;
	[dreg:$0x15] =	wrdreg s16  }
0x18: {  	s18 =	simm.s32 $0x5B0;
	s26 =	sshrl.u32 s24, $0x1;
	[dreg:$0x16] =	wrdreg s17  }
0x19: {  	s8 =	ssub.s32 s24, s26;
	s24 =	simm.s32 $0x658;
	[dreg:$0x17] =	wrdreg s18  }
0x1a: {  	s19 =	simm.s32 $0xA980;
	[dreg:$0x1d] =	wrdreg s24  }
0x1b: {  	s20 =	simm.s32 $0x5E8;
	[dreg:$0x18] =	wrdreg s19  }
0x1c: {  	s10 =	smul.u32 $0x32000, s9;
	s21 =	simm.s32 $0xAFC0;
	[dreg:$0x19] =	wrdreg s20  }
0x1d: {  	s9 =	simm.s32 $0x1;
	s22 =	simm.s32 $0x620;
	[dreg:$0x1a] =	wrdreg s21  }
0x1e: {  	s0 =	smul.u32 $0x19000, s0;
	s23 =	simm.s32 $0xB600;
	[dreg:$0x1b] =	wrdreg s22  }
0x1f: {  	s3 =	smul.u32 $0xC8, s4;
	s25 =	simm.s32 $0xBC40;
	[dreg:$0x1c] =	wrdreg s23  }
0x20: {  	s4 =	smul.u32 $0x7, s4;
	s28 =	simm.s32 $0x690;
	[dreg:$0x1e] =	wrdreg s25  }
0x21: {  	s29 =	simm.s32 $0xC280;
	s30 =	simm.s32 $0x6C8;
	[dreg:$0x1f] =	wrdreg s28  }
0x22: {  	s31 =	simm.s32 $0xC8C0;
	s3 =	sadd.s32 s3, s7;
	[smem:$0x7FB] =	sst s29  }
0x23: {  	s4 =	sadd.s32 s6, s4;
	s6 =	smax.u32 s8, $0x1;
	[smem:$0x7FC] =	sst s30  }
0x24: {  	s8 =	simm.s32 $0x4D0;
	s7 =	sadd.s32 s10, s7;
	[smem:$0x7FD] =	sst s31  }
0x25: {  	s10 =	simm.s32 $0x32;
	s20 =	simm.s32 $0x6B00;
	[smem:$0x7F8] =	sst s4  }
0x26: {  	s21 =	simm.s32 $0x2;
	s22 =	simm.s32 $0x3;
	[smem:$0x7FA] =	sst s6  }
0x27: {  	s23 =	simm.s32 $0x0;
	s3 =	sadd.s32 $0x17700, s3;
	[dreg:$0xf] =	wrdreg s8  }
0x28: {  	s4 =	sadd.s32 $0x70, s4;
	s26 =	sadd.s32 s0, s7;
	[dreg:$0x3] =	wrdreg s3  }
0x29: {  	s8 =	simm.s32 $0x380;
	s3 =	sadd.s32 $0xF42E00, s1;
	[smem:$0x7F9] =	sst s4  }
.LBB2_1:
0x2a: {  	s0 =	sld [smem:$0x7F8];
	_ =	sdelay $0x1  }
0x2b: {  	s13 =	sld [smem:$0x7F9]  }
0x2c: {  	[tilespmem:s2], [sflag:$0x1] =	stream.linear.gather [hbm4b:s0+s2], $0x380, $0x38;
	[tilespmem:$0xCF00] =	vst v63  }
0x2d: {  	_ = 	snop  }
0x2e: {  	[tilespmem:s8], [sflag:$0x1] =	stream.linear.gather [hbm4b:s13+s2], $0x380, $0x38;
	[tilespmem:$0xCF00] =	vst v63  }
0x2f: {  	_ =	swait.ge [sflag:s9], $0x380  }
0x30: {  	[sflag:s9] =	ssyncset.done $0x0  }
0x31: {  	s14 =	simm.s32 $0x700;
	[sflag:s9] =	ssyncadd.s32 $0xFFFFFC80  }
0x32: {  	[tilespmem:s14], [sflag:$0x2] =	stream.indirect.gather [hbm4b:s3+s10], $0x20, s2, s10, $0xb8;
	[tilespmem:$0xCF00] =	vst v63  }
0x33: {  	s15 =	simm.s32 $0x38;
	s1 =	simm.s32 $0xD40  }
0x34: {  	[tilespmem:s1], [sflag:$0x2] =	stream.indirect.gather [hbm4b:s3+s10], $0x20, s15, s10, $0xb8;
	[tilespmem:$0xCF00] =	vst v63  }
0x35: {  	s16 =	simm.s32 $0x70;
	s17 =	simm.s32 $0x1380  }
0x36: {  	[tilespmem:s17], [sflag:$0x2] =	stream.indirect.gather [hbm4b:s3+s10], $0x20, s16, s10, $0xb8;
	[tilespmem:$0xCF00] =	vst v63  }
0x37: {  	s18 =	simm.s32 $0xA8;
	s19 =	simm.s32 $0x19C0  }
0x38: {  	[tilespmem:s19], [sflag:$0x2] =	stream.indirect.gather [hbm4b:s3+s10], $0x20, s18, s10, $0xb8;
	[tilespmem:$0xCF00] =	vst v63  }
0x39: {  	s24 =	simm.s32 $0xE0;
	s25 =	simm.s32 $0x2000  }
0x3a: {  	[tilespmem:s25], [sflag:$0x2] =	stream.indirect.gather [hbm4b:s3+s10], $0x20, s24, s10, $0xb8;
	[tilespmem:$0xCF00] =	vst v63  }
0x3b: {  	s29 =	simm.s32 $0x118;
	s31 =	simm.s32 $0x2640  }
0x3c: {  	[tilespmem:s31], [sflag:$0x2] =	stream.indirect.gather [hbm4b:s3+s10], $0x20, s29, s10, $0xb8;
	[tilespmem:$0xCF00] =	vst v63  }
0x3d: {  	s4 =	simm.s32 $0x2C80;
	s1 =	simm.s32 $0x150  }
0x3e: {  	[tilespmem:s4], [sflag:$0x2] =	stream.indirect.gather [hbm4b:s3+s10], $0x20, s1, s10, $0xb8;
	[tilespmem:$0xCF00] =	vst v63  }
0x3f: {  	s5 =	simm.s32 $0x188;
	s6 =	simm.s32 $0x32C0  }
0x40: {  	[tilespmem:s6], [sflag:$0x2] =	stream.indirect.gather [hbm4b:s3+s10], $0x20, s5, s10, $0xb8;
	[tilespmem:$0xCF00] =	vst v63  }
0x41: {  	s7 =	simm.s32 $0x1C0;
	s11 =	simm.s32 $0x3900  }
0x42: {  	[tilespmem:s11], [sflag:$0x2] =	stream.indirect.gather [hbm4b:s3+s10], $0x20, s7, s10, $0xb8;
	[tilespmem:$0xCF00] =	vst v63  }
0x43: {  	s12 =	simm.s32 $0x1F8;
	s13 =	simm.s32 $0x3F40  }
0x44: {  	[tilespmem:s13], [sflag:$0x2] =	stream.indirect.gather [hbm4b:s3+s10], $0x20, s12, s10, $0xb8;
	[tilespmem:$0xCF00] =	vst v63  }
0x45: {  	s14 =	simm.s32 $0x230;
	s15 =	simm.s32 $0x4580  }
0x46: {  	[tilespmem:s15], [sflag:$0x2] =	stream.indirect.gather [hbm4b:s3+s10], $0x20, s14, s10, $0xb8;
	[tilespmem:$0xCF00] =	vst v63  }
0x47: {  	s16 =	simm.s32 $0x268;
	s17 =	simm.s32 $0x4BC0  }
0x48: {  	[tilespmem:s17], [sflag:$0x2] =	stream.indirect.gather [hbm4b:s3+s10], $0x20, s16, s10, $0xb8;
	[tilespmem:$0xCF00] =	vst v63  }
0x49: {  	s18 =	simm.s32 $0x2A0;
	s19 =	simm.s32 $0x5200  }
0x4a: {  	[tilespmem:s19], [sflag:$0x2] =	stream.indirect.gather [hbm4b:s3+s10], $0x20, s18, s10, $0xb8;
	[tilespmem:$0xCF00] =	vst v63  }
0x4b: {  	s24 =	simm.s32 $0x2D8;
	s25 =	simm.s32 $0x5840  }
0x4c: {  	[tilespmem:s25], [sflag:$0x2] =	stream.indirect.gather [hbm4b:s3+s10], $0x20, s24, s10, $0xb8;
	[tilespmem:$0xCF00] =	vst v63  }
0x4d: {  	p0 =	por $0x1, $0x1;
	s29 =	simm.s32 $0x310;
	s31 =	simm.s32 $0x5E80  }
0x4e: {  	[tilespmem:s31], [sflag:$0x2] =	stream.indirect.gather [hbm4b:s3+s10], $0x20, s29, s10, $0xb8;
	[tilespmem:$0xCF00] =	vst v63  }
0x4f: {  	s0 =	simm.s32 @!p0 $0x3;
	s4 =	simm.s32 $0x348;
	s5 =	simm.s32 $0x64C0  }
0x50: {  	[tilespmem:s5], [sflag:$0x2] =	stream.indirect.gather [hbm4b:s3+s10], $0x20, s4, s10, $0xb8;
	[tilespmem:$0xCF00] =	vst v63  }
0x51: {  	_ =	swait.ge @!p0 [sflag:s0], $0x6400  }
0x52: {  	[sflag:s0] =	ssyncset.done @!p0 $0x0  }
0x53: {  	[sflag:s0] =	ssyncadd.s32 @!p0 $0xFFFF9C00  }
0x54: {  	_ =	swait.ge [sflag:s9], $0x380  }
0x55: {  	s0 =	sld [smem:$0x7FD]  }
0x56: {  	s6 =	rddreg [dreg:$0x7]  }
0x57: {  	s7 =	rddreg [dreg:$0x5]  }
0x58: {  	s11 =	rddreg [dreg:$0x6]  }
0x59: {  	s24 =	rddreg [dreg:$0x8]  }
0x5a: {  	s12 =	rddreg [dreg:$0x9]  }
0x5b: {  	s13 =	rddreg [dreg:$0xa]  }
0x5c: {  	s14 =	rddreg [dreg:$0xc]  }
0x5d: {  	s15 =	rddreg [dreg:$0xb]  }
0x5e: {  	s16 =	rddreg [dreg:$0xe]  }
0x5f: {  	s17 =	rddreg [dreg:$0xd]  }
0x60: {  	s18 =	rddreg [dreg:$0x10]  }
0x61: {  	s19 =	rddreg [dreg:$0xf]  }
0x62: {  	s25 =	rddreg [dreg:$0x12]  }
0x63: {  	[sflag:s9] =	ssyncset.done $0x0;
	s29 =	rddreg [dreg:$0x11]  }
0x64: {  	s31 =	rddreg [dreg:$0x14];
	[sflag:s9] =	ssyncadd.s32 $0xFFFFFC80  }
0x65: {  	[tilespmem:s20], [sflag:$0x2] =	stream.indirect.gather [hbm4b:s3+s10], $0x20, s8, s10, $0xb8;
	[tilespmem:$0xCF00] =	vst v63  }
0x66: {  	s4 =	rddreg [dreg:$0x13]  }
0x67: {  	[tilespmem:s11], [sflag:$0x2] =	stream.indirect.gather [hbm4b:s3+s10], $0x20, s7, s10, $0xb8;
	[tilespmem:$0xCF00] =	vst v63  }
0x68: {  	s5 =	rddreg [dreg:$0x16]  }
0x69: {  	[tilespmem:s24], [sflag:$0x2] =	stream.indirect.gather [hbm4b:s3+s10], $0x20, s6, s10, $0xb8;
	[tilespmem:$0xCF00] =	vst v63  }
0x6a: {  	s6 =	rddreg [dreg:$0x15]  }
0x6b: {  	[tilespmem:s13], [sflag:$0x2] =	stream.indirect.gather [hbm4b:s3+s10], $0x20, s12, s10, $0xb8;
	[tilespmem:$0xCF00] =	vst v63  }
0x6c: {  	s12 =	rddreg [dreg:$0x18]  }
0x6d: {  	[tilespmem:s14], [sflag:$0x2] =	stream.indirect.gather [hbm4b:s3+s10], $0x20, s15, s10, $0xb8;
	[tilespmem:$0xCF00] =	vst v63  }
0x6e: {  	s13 =	rddreg [dreg:$0x17]  }
0x6f: {  	[tilespmem:s16], [sflag:$0x2] =	stream.indirect.gather [hbm4b:s3+s10], $0x20, s17, s10, $0xb8;
	[tilespmem:$0xCF00] =	vst v63  }
0x70: {  	s14 =	rddreg [dreg:$0x1a]  }
0x71: {  	[tilespmem:s18], [sflag:$0x2] =	stream.indirect.gather [hbm4b:s3+s10], $0x20, s19, s10, $0xb8;
	[tilespmem:$0xCF00] =	vst v63  }
0x72: {  	s15 =	rddreg [dreg:$0x19]  }
0x73: {  	[tilespmem:s25], [sflag:$0x2] =	stream.indirect.gather [hbm4b:s3+s10], $0x20, s29, s10, $0xb8;
	[tilespmem:$0xCF00] =	vst v63  }
0x74: {  	s16 =	rddreg [dreg:$0x1c]  }
0x75: {  	[tilespmem:s31], [sflag:$0x2] =	stream.indirect.gather [hbm4b:s3+s10], $0x20, s4, s10, $0xb8;
	[tilespmem:$0xCF00] =	vst v63  }
0x76: {  	s17 =	rddreg [dreg:$0x1b]  }
0x77: {  	[tilespmem:s5], [sflag:$0x2] =	stream.indirect.gather [hbm4b:s3+s10], $0x20, s6, s10, $0xb8;
	[tilespmem:$0xCF00] =	vst v63  }
0x78: {  	s18 =	rddreg [dreg:$0x1e]  }
0x79: {  	[tilespmem:s12], [sflag:$0x2] =	stream.indirect.gather [hbm4b:s3+s10], $0x20, s13, s10, $0xb8;
	[tilespmem:$0xCF00] =	vst v63  }
0x7a: {  	s19 =	rddreg [dreg:$0x1d]  }
0x7b: {  	[tilespmem:s14], [sflag:$0x2] =	stream.indirect.gather [hbm4b:s3+s10], $0x20, s15, s10, $0xb8;
	[tilespmem:$0xCF00] =	vst v63  }
0x7c: {  	s25 =	sld [smem:$0x7FB]  }
0x7d: {  	[tilespmem:s16], [sflag:$0x2] =	stream.indirect.gather [hbm4b:s3+s10], $0x20, s17, s10, $0xb8;
	[tilespmem:$0xCF00] =	vst v63  }
0x7e: {  	s29 =	rddreg [dreg:$0x1f]  }
0x7f: {  	[tilespmem:s18], [sflag:$0x2] =	stream.indirect.gather [hbm4b:s3+s10], $0x20, s19, s10, $0xb8;
	[tilespmem:$0xCF00] =	vst v63  }
0x80: {  	s31 =	sld [smem:$0x7FC]  }
0x81: {  	[tilespmem:s25], [sflag:$0x2] =	stream.indirect.gather [hbm4b:s3+s10], $0x20, s29, s10, $0xb8;
	[tilespmem:$0xCF00] =	vst v63  }
0x82: {  	_ = 	snop  }
0x83: {  	[tilespmem:s0], [sflag:$0x2] =	stream.indirect.gather [hbm4b:s3+s10], $0x20, s31, s10, $0xb8;
	[tilespmem:$0xCF00] =	vst v63  }
0x84: {  	_ =	swait.ge [sflag:s21], $0x640  }
0x85: {  	[sflag:s21] =	ssyncset.done $0x0  }
0x86: {  	[sflag:s21] =	ssyncadd.s32 $0xFFFFF9C0  }
0x87: {  	_ =	swait.ge [sflag:s21], $0x640  }
0x88: {  	[sflag:s21] =	ssyncset.done $0x0  }
0x89: {  	[sflag:s21] =	ssyncadd.s32 $0xFFFFF9C0  }
0x8a: {  	_ =	swait.ge [sflag:s21], $0x640  }
0x8b: {  	[sflag:s21] =	ssyncset.done $0x0  }
0x8c: {  	[sflag:s21] =	ssyncadd.s32 $0xFFFFF9C0  }
0x8d: {  	_ =	swait.ge [sflag:s21], $0x640  }
0x8e: {  	[sflag:s21] =	ssyncset.done $0x0  }
0x8f: {  	[sflag:s21] =	ssyncadd.s32 $0xFFFFF9C0  }
0x90: {  	_ =	swait.ge [sflag:s21], $0x640  }
0x91: {  	[sflag:s21] =	ssyncset.done $0x0  }
0x92: {  	[sflag:s21] =	ssyncadd.s32 $0xFFFFF9C0  }
0x93: {  	_ =	swait.ge [sflag:s21], $0x640  }
0x94: {  	[sflag:s21] =	ssyncset.done $0x0  }
0x95: {  	[sflag:s21] =	ssyncadd.s32 $0xFFFFF9C0  }
0x96: {  	_ =	swait.ge [sflag:s21], $0x640  }
0x97: {  	[sflag:s21] =	ssyncset.done $0x0  }
0x98: {  	[sflag:s21] =	ssyncadd.s32 $0xFFFFF9C0  }
0x99: {  	_ =	swait.ge [sflag:s21], $0x640  }
0x9a: {  	[sflag:s21] =	ssyncset.done $0x0  }
0x9b: {  	[sflag:s21] =	ssyncadd.s32 $0xFFFFF9C0  }
0x9c: {  	_ =	swait.ge [sflag:s21], $0x640  }
0x9d: {  	[sflag:s21] =	ssyncset.done $0x0  }
0x9e: {  	[sflag:s21] =	ssyncadd.s32 $0xFFFFF9C0  }
0x9f: {  	_ =	swait.ge [sflag:s21], $0x640  }
0xa0: {  	[sflag:s21] =	ssyncset.done $0x0  }
0xa1: {  	[sflag:s21] =	ssyncadd.s32 $0xFFFFF9C0  }
0xa2: {  	_ =	swait.ge [sflag:s21], $0x640  }
0xa3: {  	[sflag:s21] =	ssyncset.done $0x0  }
0xa4: {  	[sflag:s21] =	ssyncadd.s32 $0xFFFFF9C0  }
0xa5: {  	_ =	swait.ge [sflag:s21], $0x640  }
0xa6: {  	[sflag:s21] =	ssyncset.done $0x0  }
0xa7: {  	[sflag:s21] =	ssyncadd.s32 $0xFFFFF9C0  }
0xa8: {  	_ =	swait.ge [sflag:s21], $0x640  }
0xa9: {  	[sflag:s21] =	ssyncset.done $0x0  }
0xaa: {  	[sflag:s21] =	ssyncadd.s32 $0xFFFFF9C0  }
0xab: {  	_ =	swait.ge [sflag:s21], $0x640  }
0xac: {  	[sflag:s21] =	ssyncset.done $0x0  }
0xad: {  	[sflag:s21] =	ssyncadd.s32 $0xFFFFF9C0  }
0xae: {  	_ =	swait.ge [sflag:s21], $0x640  }
0xaf: {  	[sflag:s21] =	ssyncset.done $0x0  }
0xb0: {  	[sflag:s21] =	ssyncadd.s32 $0xFFFFF9C0  }
0xb1: {  	p1 =	por $0x0, $0x0;
	_ =	swait.ge [sflag:s21], $0x640  }
0xb2: {  	s1 =	simm.s32 @p1 $0x0;
	s7 =	simm.s32 @p1 $0x700;
	[sflag:s21] =	ssyncset.done $0x0  }
0xb3: {  	s11 =	simm.s32 @p1 $0x3;
	s0 =	rddreg [dreg:$0x3];
	[sflag:s21] =	ssyncadd.s32 $0xFFFFF9C0  }
0xb4: {  	[hbm4b:s0+s1] =	stream.linear.scatter @p1 [tilespmem:s7], [sflag:$0x3], $0x6400, $0x38;
	[tilespmem:$0xCF00] =	vst v63  }
0xb5: {  	_ =	swait.ge @p1 [sflag:s11], $0x6400  }
0xb6: {  	s0 =	rddreg [dreg:$0x4]  }
0xb7: {  	[sflag:s11] =	ssyncset.done @p1 $0x0;
	s7 =	sadd.s32 @!p1 $0x0, s0  }
0xb8: {  	s28 =	simm.s32 @!p1 $0x0;
	[sflag:s11] =	ssyncadd.s32 @p1 $0xFFFF9C00;
	s0 =	sadd.s32 @!p1 $0xE0, s7  }
0xb9: {  	[tilespmem:s28], [sflag:$0x1] =	stream.linear.gather @!p1 [hbm4b:s0+s28], $0x380, $0x38;
	[tilespmem:$0xCF00] =	vst v63  }
0xba: {  	s1 =	simm.s32 @!p1 $0x3;
	s0 =	simm.s32 @!p1 $0x700  }
0xbb: {  	[hbm4b:s26+s28] =	stream.linear.scatter @!p1 [tilespmem:s0], [sflag:$0x3], $0x6400, $0x38;
	[tilespmem:$0xCF00] =	vst v63  }
0xbc: {  	_ =	swait.ge @!p1 [sflag:s1], $0x6400  }
0xbd: {  	[sflag:s1] =	ssyncset.done @!p1 $0x0  }
0xbe: {  	s11 =	simm.s32 @!p1 $0x1;
	[sflag:s1] =	ssyncadd.s32 @!p1 $0xFFFF9C00  }
0xbf: {  	_ =	swait.ge @!p1 [sflag:s11], $0x380  }
0xc0: {  	[sflag:s11] =	ssyncset.done @!p1 $0x0  }
0xc1: {  	s1 =	simm.s32 @!p1 $0x32;
	[sflag:s11] =	ssyncadd.s32 @!p1 $0xFFFFFC80  }
0xc2: {  	[tilespmem:s0], [sflag:$0x2] =	stream.indirect.gather @!p1 [hbm4b:s3+s1], $0x20, s28, s1, $0xb8;
	[tilespmem:$0xCF00] =	vst v63  }
0xc3: {  	s11 =	simm.s32 @!p1 $0xD40;
	s0 =	simm.s32 @!p1 $0x38  }
0xc4: {  	[tilespmem:s11], [sflag:$0x2] =	stream.indirect.gather @!p1 [hbm4b:s3+s1], $0x20, s0, s1, $0xb8;
	[tilespmem:$0xCF00] =	vst v63  }
0xc5: {  	s0 =	simm.s32 @!p1 $0x70;
	s11 =	simm.s32 @!p1 $0x1380  }
0xc6: {  	[tilespmem:s11], [sflag:$0x2] =	stream.indirect.gather @!p1 [hbm4b:s3+s1], $0x20, s0, s1, $0xb8;
	[tilespmem:$0xCF00] =	vst v63  }
0xc7: {  	s0 =	simm.s32 @!p1 $0xA8;
	s11 =	simm.s32 @!p1 $0x19C0  }
0xc8: {  	[tilespmem:s11], [sflag:$0x2] =	stream.indirect.gather @!p1 [hbm4b:s3+s1], $0x20, s0, s1, $0xb8;
	[tilespmem:$0xCF00] =	vst v63  }
0xc9: {  	s0 =	simm.s32 @!p1 $0xE0;
	s11 =	simm.s32 @!p1 $0x2000  }
0xca: {  	[tilespmem:s11], [sflag:$0x2] =	stream.indirect.gather @!p1 [hbm4b:s3+s1], $0x20, s0, s1, $0xb8;
	[tilespmem:$0xCF00] =	vst v63  }
0xcb: {  	s0 =	simm.s32 @!p1 $0x118;
	s11 =	simm.s32 @!p1 $0x2640  }
0xcc: {  	[tilespmem:s11], [sflag:$0x2] =	stream.indirect.gather @!p1 [hbm4b:s3+s1], $0x20, s0, s1, $0xb8;
	[tilespmem:$0xCF00] =	vst v63  }
0xcd: {  	s0 =	simm.s32 @!p1 $0x150;
	s11 =	simm.s32 @!p1 $0x2C80  }
0xce: {  	[tilespmem:s11], [sflag:$0x2] =	stream.indirect.gather @!p1 [hbm4b:s3+s1], $0x20, s0, s1, $0xb8;
	[tilespmem:$0xCF00] =	vst v63  }
0xcf: {  	s0 =	simm.s32 @!p1 $0x188;
	s11 =	simm.s32 @!p1 $0x32C0  }
0xd0: {  	[tilespmem:s11], [sflag:$0x2] =	stream.indirect.gather @!p1 [hbm4b:s3+s1], $0x20, s0, s1, $0xb8;
	[tilespmem:$0xCF00] =	vst v63  }
0xd1: {  	s0 =	simm.s32 @!p1 $0x1C0;
	s11 =	simm.s32 @!p1 $0x3900  }
0xd2: {  	[tilespmem:s11], [sflag:$0x2] =	stream.indirect.gather @!p1 [hbm4b:s3+s1], $0x20, s0, s1, $0xb8;
	[tilespmem:$0xCF00] =	vst v63  }
0xd3: {  	s0 =	simm.s32 @!p1 $0x1F8;
	s11 =	simm.s32 @!p1 $0x3F40  }
0xd4: {  	[tilespmem:s11], [sflag:$0x2] =	stream.indirect.gather @!p1 [hbm4b:s3+s1], $0x20, s0, s1, $0xb8;
	[tilespmem:$0xCF00] =	vst v63  }
0xd5: {  	s0 =	simm.s32 @!p1 $0x230;
	s11 =	simm.s32 @!p1 $0x4580  }
0xd6: {  	[tilespmem:s11], [sflag:$0x2] =	stream.indirect.gather @!p1 [hbm4b:s3+s1], $0x20, s0, s1, $0xb8;
	[tilespmem:$0xCF00] =	vst v63  }
0xd7: {  	s0 =	simm.s32 @!p1 $0x268;
	s11 =	simm.s32 @!p1 $0x4BC0  }
0xd8: {  	[tilespmem:s11], [sflag:$0x2] =	stream.indirect.gather @!p1 [hbm4b:s3+s1], $0x20, s0, s1, $0xb8;
	[tilespmem:$0xCF00] =	vst v63  }
0xd9: {  	s0 =	simm.s32 @!p1 $0x2A0;
	s11 =	simm.s32 @!p1 $0x5200  }
0xda: {  	[tilespmem:s11], [sflag:$0x2] =	stream.indirect.gather @!p1 [hbm4b:s3+s1], $0x20, s0, s1, $0xb8;
	[tilespmem:$0xCF00] =	vst v63  }
0xdb: {  	s0 =	simm.s32 @!p1 $0x2D8;
	s11 =	simm.s32 @!p1 $0x5840  }
0xdc: {  	[tilespmem:s11], [sflag:$0x2] =	stream.indirect.gather @!p1 [hbm4b:s3+s1], $0x20, s0, s1, $0xb8;
	[tilespmem:$0xCF00] =	vst v63  }
0xdd: {  	s0 =	simm.s32 @!p1 $0x310;
	s11 =	simm.s32 @!p1 $0x5E80  }
0xde: {  	[tilespmem:s11], [sflag:$0x2] =	stream.indirect.gather @!p1 [hbm4b:s3+s1], $0x20, s0, s1, $0xb8;
	[tilespmem:$0xCF00] =	vst v63  }
0xdf: {  	s0 =	simm.s32 @!p1 $0x348;
	s11 =	simm.s32 @!p1 $0x64C0  }
0xe0: {  	[tilespmem:s11], [sflag:$0x2] =	stream.indirect.gather @!p1 [hbm4b:s3+s1], $0x20, s0, s1, $0xb8;
	[tilespmem:$0xCF00] =	vst v63  }
0xe1: {  	_ =	swait.ge [sflag:s21], $0x640  }
0xe2: {  	[sflag:s21] =	ssyncset.done $0x0  }
0xe3: {  	[sflag:s21] =	ssyncadd.s32 $0xFFFFF9C0  }
0xe4: {  	_ =	swait.ge [sflag:s21], $0x640  }
0xe5: {  	[sflag:s21] =	ssyncset.done $0x0  }
0xe6: {  	[sflag:s21] =	ssyncadd.s32 $0xFFFFF9C0  }
0xe7: {  	_ =	swait.ge [sflag:s21], $0x640  }
0xe8: {  	[sflag:s21] =	ssyncset.done $0x0  }
0xe9: {  	[sflag:s21] =	ssyncadd.s32 $0xFFFFF9C0  }
0xea: {  	_ =	swait.ge [sflag:s21], $0x640  }
0xeb: {  	[sflag:s21] =	ssyncset.done $0x0  }
0xec: {  	[sflag:s21] =	ssyncadd.s32 $0xFFFFF9C0  }
0xed: {  	_ =	swait.ge [sflag:s21], $0x640  }
0xee: {  	[sflag:s21] =	ssyncset.done $0x0  }
0xef: {  	[sflag:s21] =	ssyncadd.s32 $0xFFFFF9C0  }
0xf0: {  	_ =	swait.ge [sflag:s21], $0x640  }
0xf1: {  	[sflag:s21] =	ssyncset.done $0x0  }
0xf2: {  	[sflag:s21] =	ssyncadd.s32 $0xFFFFF9C0  }
0xf3: {  	_ =	swait.ge [sflag:s21], $0x640  }
0xf4: {  	[sflag:s21] =	ssyncset.done $0x0  }
0xf5: {  	[sflag:s21] =	ssyncadd.s32 $0xFFFFF9C0  }
0xf6: {  	_ =	swait.ge [sflag:s21], $0x640  }
0xf7: {  	[sflag:s21] =	ssyncset.done $0x0  }
0xf8: {  	[sflag:s21] =	ssyncadd.s32 $0xFFFFF9C0  }
0xf9: {  	_ =	swait.ge [sflag:s21], $0x640  }
0xfa: {  	[sflag:s21] =	ssyncset.done $0x0  }
0xfb: {  	[sflag:s21] =	ssyncadd.s32 $0xFFFFF9C0  }
0xfc: {  	_ =	swait.ge [sflag:s21], $0x640  }
0xfd: {  	[sflag:s21] =	ssyncset.done $0x0  }
0xfe: {  	[sflag:s21] =	ssyncadd.s32 $0xFFFFF9C0  }
0xff: {  	_ =	swait.ge [sflag:s21], $0x640  }
0x100: {  	[sflag:s21] =	ssyncset.done $0x0  }
0x101: {  	s24 =	smov.u32 s26;
	s25 =	simm.s32 $0xE0;
	[sflag:s21] =	ssyncadd.s32 $0xFFFFF9C0  }
0x102: {  	s30 =	sadd.s32 @!p1 $0x150, s7;
	s7 =	smov.u32 s26;
	_ =	swait.ge [sflag:s21], $0x640  }
.LBB2_2:
0x103: {  	[sflag:s21] =	ssyncset.done $0x0  }
0x104: {  	[sflag:s21] =	ssyncadd.s32 $0xFFFFF9C0  }
0x105: {  	_ =	swait.ge [sflag:s21], $0x640  }
0x106: {  	[sflag:s21] =	ssyncset.done $0x0  }
0x107: {  	[sflag:s21] =	ssyncadd.s32 $0xFFFFF9C0  }
0x108: {  	_ =	swait.ge [sflag:s21], $0x640  }
0x109: {  	[sflag:s21] =	ssyncset.done $0x0  }
0x10a: {  	[sflag:s21] =	ssyncadd.s32 $0xFFFFF9C0  }
0x10b: {  	_ =	swait.ge [sflag:s21], $0x640  }
0x10c: {  	[sflag:s21] =	ssyncset.done $0x0  }
0x10d: {  	[sflag:s21] =	ssyncadd.s32 $0xFFFFF9C0  }
0x10e: {  	_ =	swait.ge [sflag:s21], $0x640  }
0x10f: {  	s29 =	smov.u32 s25;
	[sflag:s21] =	ssyncset.done $0x0  }
0x110: {  	s0 =	simm.s32 @!p1 $0x380;
	p2 =	seq.s32 s29, $0x0;
	[sflag:s21] =	ssyncadd.s32 $0xFFFFF9C0  }
0x111: {  	[tilespmem:s0], [sflag:$0x1] =	stream.linear.gather @!p1 [hbm4b:s30+s28], $0x380, $0x38;
	[tilespmem:$0xCF00] =	vst v63  }
0x112: {  	s1 =	sadd.s32 $0xC80, s7;
	s0 =	simm.s32 @!p2 $0x3  }
0x113: {  	[hbm4b:s1+s2] =	stream.linear.scatter [tilespmem:s20], [sflag:$0x3], $0x6400, $0x38;
	[tilespmem:$0xCF00] =	vst v63  }
0x114: {  	_ =	swait.ge @!p2 [sflag:s0], $0x6400  }
0x115: {  	[sflag:s0] =	ssyncset.done @!p2 $0x0  }
0x116: {  	[sflag:s0] =	ssyncadd.s32 @!p2 $0xFFFF9C00  }
0x117: {  	_ =	swait.ge [sflag:s9], $0x380  }
0x118: {  	s28 =	sld [smem:$0x7FD]  }
0x119: {  	s30 =	sld [smem:$0x7FB]  }
0x11a: {  	s31 =	rddreg [dreg:$0x1e]  }
0x11b: {  	s1 =	rddreg [dreg:$0x1c]  }
0x11c: {  	s0 =	rddreg [dreg:$0x1a]  }
0x11d: {  	s11 =	rddreg [dreg:$0x18]  }
0x11e: {  	s12 =	rddreg [dreg:$0x16]  }
0x11f: {  	s13 =	rddreg [dreg:$0x14]  }
0x120: {  	s14 =	rddreg [dreg:$0x12]  }
0x121: {  	s15 =	rddreg [dreg:$0x10]  }
0x122: {  	s16 =	rddreg [dreg:$0xe]  }
0x123: {  	s17 =	rddreg [dreg:$0xc]  }
0x124: {  	s18 =	rddreg [dreg:$0x9]  }
0x125: {  	s19 =	rddreg [dreg:$0x7]  }
0x126: {  	[sflag:s9] =	ssyncset.done $0x0;
	s5 =	rddreg [dreg:$0x5]  }
0x127: {  	s6 =	rddreg [dreg:$0x6];
	[sflag:s9] =	ssyncadd.s32 $0xFFFFFC80  }
0x128: {  	[tilespmem:s20], [sflag:$0x2] =	stream.indirect.gather [hbm4b:s3+s10], $0x20, s8, s10, $0xb8;
	[tilespmem:$0xCF00] =	vst v63  }
0x129: {  	s4 =	rddreg [dreg:$0x8]  }
0x12a: {  	[tilespmem:s6], [sflag:$0x2] =	stream.indirect.gather [hbm4b:s3+s10], $0x20, s5, s10, $0xb8;
	[tilespmem:$0xCF00] =	vst v63  }
0x12b: {  	s6 =	rddreg [dreg:$0xa]  }
0x12c: {  	[tilespmem:s4], [sflag:$0x2] =	stream.indirect.gather [hbm4b:s3+s10], $0x20, s19, s10, $0xb8;
	[tilespmem:$0xCF00] =	vst v63  }
0x12d: {  	s19 =	rddreg [dreg:$0xb]  }
0x12e: {  	[tilespmem:s6], [sflag:$0x2] =	stream.indirect.gather [hbm4b:s3+s10], $0x20, s18, s10, $0xb8;
	[tilespmem:$0xCF00] =	vst v63  }
0x12f: {  	s6 =	rddreg [dreg:$0xd]  }
0x130: {  	[tilespmem:s17], [sflag:$0x2] =	stream.indirect.gather [hbm4b:s3+s10], $0x20, s19, s10, $0xb8;
	[tilespmem:$0xCF00] =	vst v63  }
0x131: {  	s18 =	rddreg [dreg:$0xf]  }
0x132: {  	[tilespmem:s16], [sflag:$0x2] =	stream.indirect.gather [hbm4b:s3+s10], $0x20, s6, s10, $0xb8;
	[tilespmem:$0xCF00] =	vst v63  }
0x133: {  	s19 =	rddreg [dreg:$0x11]  }
0x134: {  	[tilespmem:s15], [sflag:$0x2] =	stream.indirect.gather [hbm4b:s3+s10], $0x20, s18, s10, $0xb8;
	[tilespmem:$0xCF00] =	vst v63  }
0x135: {  	s17 =	rddreg [dreg:$0x1b]  }
0x136: {  	[tilespmem:s14], [sflag:$0x2] =	stream.indirect.gather [hbm4b:s3+s10], $0x20, s19, s10, $0xb8;
	[tilespmem:$0xCF00] =	vst v63  }
0x137: {  	s6 =	rddreg [dreg:$0x13]  }
0x138: {  	[tilespmem:s13], [sflag:$0x2] =	stream.indirect.gather [hbm4b:s3+s10], $0x20, s6, s10, $0xb8;
	[tilespmem:$0xCF00] =	vst v63  }
0x139: {  	s14 =	rddreg [dreg:$0x15]  }
0x13a: {  	[tilespmem:s12], [sflag:$0x2] =	stream.indirect.gather [hbm4b:s3+s10], $0x20, s14, s10, $0xb8;
	[tilespmem:$0xCF00] =	vst v63  }
0x13b: {  	s15 =	rddreg [dreg:$0x17]  }
0x13c: {  	[tilespmem:s11], [sflag:$0x2] =	stream.indirect.gather [hbm4b:s3+s10], $0x20, s15, s10, $0xb8;
	[tilespmem:$0xCF00] =	vst v63  }
0x13d: {  	s16 =	rddreg [dreg:$0x19]  }
0x13e: {  	[tilespmem:s0], [sflag:$0x2] =	stream.indirect.gather [hbm4b:s3+s10], $0x20, s16, s10, $0xb8;
	[tilespmem:$0xCF00] =	vst v63  }
0x13f: {  	s18 =	rddreg [dreg:$0x1d]  }
0x140: {  	[tilespmem:s1], [sflag:$0x2] =	stream.indirect.gather [hbm4b:s3+s10], $0x20, s17, s10, $0xb8;
	[tilespmem:$0xCF00] =	vst v63  }
0x141: {  	s19 =	rddreg [dreg:$0x1f]  }
0x142: {  	[tilespmem:s31], [sflag:$0x2] =	stream.indirect.gather [hbm4b:s3+s10], $0x20, s18, s10, $0xb8;
	[tilespmem:$0xCF00] =	vst v63  }
0x143: {  	s31 =	sld [smem:$0x7FC]  }
0x144: {  	[tilespmem:s30], [sflag:$0x2] =	stream.indirect.gather [hbm4b:s3+s10], $0x20, s19, s10, $0xb8;
	[tilespmem:$0xCF00] =	vst v63  }
0x145: {  	_ = 	snop  }
0x146: {  	[tilespmem:s28], [sflag:$0x2] =	stream.indirect.gather [hbm4b:s3+s10], $0x20, s31, s10, $0xb8;
	[tilespmem:$0xCF00] =	vst v63  }
0x147: {  	_ =	swait.ge [sflag:s21], $0x640  }
0x148: {  	[sflag:s21] =	ssyncset.done $0x0  }
0x149: {  	[sflag:s21] =	ssyncadd.s32 $0xFFFFF9C0  }
0x14a: {  	_ =	swait.ge [sflag:s21], $0x640  }
0x14b: {  	[sflag:s21] =	ssyncset.done $0x0  }
0x14c: {  	[sflag:s21] =	ssyncadd.s32 $0xFFFFF9C0  }
0x14d: {  	_ =	swait.ge [sflag:s21], $0x640  }
0x14e: {  	[sflag:s21] =	ssyncset.done $0x0  }
0x14f: {  	[sflag:s21] =	ssyncadd.s32 $0xFFFFF9C0  }
0x150: {  	_ =	swait.ge [sflag:s21], $0x640  }
0x151: {  	[sflag:s21] =	ssyncset.done $0x0  }
0x152: {  	[sflag:s21] =	ssyncadd.s32 $0xFFFFF9C0  }
0x153: {  	_ =	swait.ge [sflag:s21], $0x640  }
0x154: {  	[sflag:s21] =	ssyncset.done $0x0  }
0x155: {  	[sflag:s21] =	ssyncadd.s32 $0xFFFFF9C0  }
0x156: {  	_ =	swait.ge [sflag:s21], $0x640  }
0x157: {  	[sflag:s21] =	ssyncset.done $0x0  }
0x158: {  	[sflag:s21] =	ssyncadd.s32 $0xFFFFF9C0  }
0x159: {  	_ =	swait.ge [sflag:s21], $0x640  }
0x15a: {  	[sflag:s21] =	ssyncset.done $0x0  }
0x15b: {  	[sflag:s21] =	ssyncadd.s32 $0xFFFFF9C0  }
0x15c: {  	_ =	swait.ge [sflag:s21], $0x640  }
0x15d: {  	[sflag:s21] =	ssyncset.done $0x0  }
0x15e: {  	[sflag:s21] =	ssyncadd.s32 $0xFFFFF9C0  }
0x15f: {  	_ =	swait.ge [sflag:s21], $0x640  }
0x160: {  	[sflag:s21] =	ssyncset.done $0x0  }
0x161: {  	[sflag:s21] =	ssyncadd.s32 $0xFFFFF9C0  }
0x162: {  	_ =	swait.ge [sflag:s21], $0x640  }
0x163: {  	[sflag:s21] =	ssyncset.done $0x0  }
0x164: {  	[sflag:s21] =	ssyncadd.s32 $0xFFFFF9C0  }
0x165: {  	_ =	swait.ge [sflag:s21], $0x640  }
0x166: {  	[sflag:s21] =	ssyncset.done $0x0  }
0x167: {  	[sflag:s21] =	ssyncadd.s32 $0xFFFFF9C0  }
0x168: {  	_ =	swait.ge [sflag:s21], $0x640  }
0x169: {  	[sflag:s21] =	ssyncset.done $0x0  }
0x16a: {  	[sflag:s21] =	ssyncadd.s32 $0xFFFFF9C0  }
0x16b: {  	_ =	swait.ge [sflag:s21], $0x640  }
0x16c: {  	[sflag:s21] =	ssyncset.done $0x0  }
0x16d: {  	[sflag:s21] =	ssyncadd.s32 $0xFFFFF9C0  }
0x16e: {  	_ =	swait.ge [sflag:s21], $0x640  }
0x16f: {  	[sflag:s21] =	ssyncset.done $0x0  }
0x170: {  	[sflag:s21] =	ssyncadd.s32 $0xFFFFF9C0  }
0x171: {  	_ =	swait.ge [sflag:s21], $0x640  }
0x172: {  	[sflag:s21] =	ssyncset.done $0x0  }
0x173: {  	[sflag:s21] =	ssyncadd.s32 $0xFFFFF9C0  }
0x174: {  	p1 =	seq.s32 s29, $0xD20;
	_ =	swait.ge [sflag:s21], $0x640  }
0x175: {  	s5 =	simm.s32 @p1 $0x3;
	s4 =	simm.s32 @p1 $0x700;
	[sflag:s21] =	ssyncset.done $0x0  }
0x176: {  	s1 =	simm.s32 @p1 $0x0;
	s0 =	rddreg [dreg:$0x3];
	[sflag:s21] =	ssyncadd.s32 $0xFFFFF9C0  }
0x177: {  	[hbm4b:s0+s1] =	stream.linear.scatter @p1 [tilespmem:s4], [sflag:$0x3], $0x6400, $0x38;
	[tilespmem:$0xCF00] =	vst v63  }
0x178: {  	_ =	swait.ge @p1 [sflag:s5], $0x6400  }
0x179: {  	s0 =	rddreg [dreg:$0x4]  }
0x17a: {  	s24 =	sadd.s32 $0x1900, s24;
	[sflag:s5] =	ssyncset.done @p1 $0x0;
	s0 =	sadd.s32 @!p1 s29, s0  }
0x17b: {  	s28 =	simm.s32 @!p1 $0x0;
	[sflag:s5] =	ssyncadd.s32 @p1 $0xFFFF9C00;
	s1 =	sadd.s32 @!p1 $0xE0, s0  }
0x17c: {  	[tilespmem:s28], [sflag:$0x1] =	stream.linear.gather @!p1 [hbm4b:s1+s28], $0x380, $0x38;
	[tilespmem:$0xCF00] =	vst v63  }
0x17d: {  	s4 =	simm.s32 @!p1 $0x700;
	s30 =	sadd.s32 @!p1 $0x150, s0;
	s0 =	simm.s32 @!p1 $0x3  }
0x17e: {  	[hbm4b:s24+s28] =	stream.linear.scatter @!p1 [tilespmem:s4], [sflag:$0x3], $0x6400, $0x38;
	[tilespmem:$0xCF00] =	vst v63  }
0x17f: {  	_ =	swait.ge @!p1 [sflag:s0], $0x6400  }
0x180: {  	[sflag:s0] =	ssyncset.done @!p1 $0x0  }
0x181: {  	s1 =	simm.s32 @!p1 $0x1;
	[sflag:s0] =	ssyncadd.s32 @!p1 $0xFFFF9C00  }
0x182: {  	_ =	swait.ge @!p1 [sflag:s1], $0x380  }
0x183: {  	[sflag:s1] =	ssyncset.done @!p1 $0x0  }
0x184: {  	s29 =	simm.s32 @!p1 $0x32;
	[sflag:s1] =	ssyncadd.s32 @!p1 $0xFFFFFC80  }
0x185: {  	[tilespmem:s4], [sflag:$0x2] =	stream.indirect.gather @!p1 [hbm4b:s3+s29], $0x20, s28, s29, $0xb8;
	[tilespmem:$0xCF00] =	vst v63  }
0x186: {  	s0 =	simm.s32 @!p1 $0x38;
	s1 =	simm.s32 @!p1 $0xD40  }
0x187: {  	[tilespmem:s1], [sflag:$0x2] =	stream.indirect.gather @!p1 [hbm4b:s3+s29], $0x20, s0, s29, $0xb8;
	[tilespmem:$0xCF00] =	vst v63  }
0x188: {  	s5 =	simm.s32 @!p1 $0x1380;
	s4 =	simm.s32 @!p1 $0x70  }
0x189: {  	[tilespmem:s5], [sflag:$0x2] =	stream.indirect.gather @!p1 [hbm4b:s3+s29], $0x20, s4, s29, $0xb8;
	[tilespmem:$0xCF00] =	vst v63  }
0x18a: {  	s0 =	simm.s32 @!p1 $0xA8;
	s1 =	simm.s32 @!p1 $0x19C0  }
0x18b: {  	[tilespmem:s1], [sflag:$0x2] =	stream.indirect.gather @!p1 [hbm4b:s3+s29], $0x20, s0, s29, $0xb8;
	[tilespmem:$0xCF00] =	vst v63  }
0x18c: {  	s4 =	simm.s32 @!p1 $0xE0;
	s5 =	simm.s32 @!p1 $0x2000  }
0x18d: {  	[tilespmem:s5], [sflag:$0x2] =	stream.indirect.gather @!p1 [hbm4b:s3+s29], $0x20, s4, s29, $0xb8;
	[tilespmem:$0xCF00] =	vst v63  }
0x18e: {  	s0 =	simm.s32 @!p1 $0x118;
	s1 =	simm.s32 @!p1 $0x2640  }
0x18f: {  	[tilespmem:s1], [sflag:$0x2] =	stream.indirect.gather @!p1 [hbm4b:s3+s29], $0x20, s0, s29, $0xb8;
	[tilespmem:$0xCF00] =	vst v63  }
0x190: {  	s4 =	simm.s32 @!p1 $0x150;
	s5 =	simm.s32 @!p1 $0x2C80  }
0x191: {  	[tilespmem:s5], [sflag:$0x2] =	stream.indirect.gather @!p1 [hbm4b:s3+s29], $0x20, s4, s29, $0xb8;
	[tilespmem:$0xCF00] =	vst v63  }
0x192: {  	s0 =	simm.s32 @!p1 $0x188;
	s1 =	simm.s32 @!p1 $0x32C0  }
0x193: {  	[tilespmem:s1], [sflag:$0x2] =	stream.indirect.gather @!p1 [hbm4b:s3+s29], $0x20, s0, s29, $0xb8;
	[tilespmem:$0xCF00] =	vst v63  }
0x194: {  	s4 =	simm.s32 @!p1 $0x1C0;
	s5 =	simm.s32 @!p1 $0x3900  }
0x195: {  	[tilespmem:s5], [sflag:$0x2] =	stream.indirect.gather @!p1 [hbm4b:s3+s29], $0x20, s4, s29, $0xb8;
	[tilespmem:$0xCF00] =	vst v63  }
0x196: {  	s0 =	simm.s32 @!p1 $0x1F8;
	s1 =	simm.s32 @!p1 $0x3F40  }
0x197: {  	[tilespmem:s1], [sflag:$0x2] =	stream.indirect.gather @!p1 [hbm4b:s3+s29], $0x20, s0, s29, $0xb8;
	[tilespmem:$0xCF00] =	vst v63  }
0x198: {  	s4 =	simm.s32 @!p1 $0x230;
	s5 =	simm.s32 @!p1 $0x4580  }
0x199: {  	[tilespmem:s5], [sflag:$0x2] =	stream.indirect.gather @!p1 [hbm4b:s3+s29], $0x20, s4, s29, $0xb8;
	[tilespmem:$0xCF00] =	vst v63  }
0x19a: {  	s0 =	simm.s32 @!p1 $0x268;
	s1 =	simm.s32 @!p1 $0x4BC0  }
0x19b: {  	[tilespmem:s1], [sflag:$0x2] =	stream.indirect.gather @!p1 [hbm4b:s3+s29], $0x20, s0, s29, $0xb8;
	[tilespmem:$0xCF00] =	vst v63  }
0x19c: {  	s4 =	simm.s32 @!p1 $0x2A0;
	s5 =	simm.s32 @!p1 $0x5200  }
0x19d: {  	[tilespmem:s5], [sflag:$0x2] =	stream.indirect.gather @!p1 [hbm4b:s3+s29], $0x20, s4, s29, $0xb8;
	[tilespmem:$0xCF00] =	vst v63  }
0x19e: {  	s0 =	simm.s32 @!p1 $0x2D8;
	s1 =	simm.s32 @!p1 $0x5840  }
0x19f: {  	[tilespmem:s1], [sflag:$0x2] =	stream.indirect.gather @!p1 [hbm4b:s3+s29], $0x20, s0, s29, $0xb8;
	[tilespmem:$0xCF00] =	vst v63  }
0x1a0: {  	s0 =	simm.s32 @!p1 $0x310;
	s1 =	simm.s32 @!p1 $0x5E80  }
0x1a1: {  	[tilespmem:s1], [sflag:$0x2] =	stream.indirect.gather @!p1 [hbm4b:s3+s29], $0x20, s0, s29, $0xb8;
	[tilespmem:$0xCF00] =	vst v63  }
0x1a2: {  	s0 =	simm.s32 @!p1 $0x348;
	s1 =	simm.s32 @!p1 $0x64C0  }
0x1a3: {  	[tilespmem:s1], [sflag:$0x2] =	stream.indirect.gather @!p1 [hbm4b:s3+s29], $0x20, s0, s29, $0xb8;
	[tilespmem:$0xCF00] =	vst v63  }
0x1a4: {  	_ =	swait.ge [sflag:s21], $0x640  }
0x1a5: {  	[sflag:s21] =	ssyncset.done $0x0  }
0x1a6: {  	[sflag:s21] =	ssyncadd.s32 $0xFFFFF9C0  }
0x1a7: {  	_ =	swait.ge [sflag:s21], $0x640  }
0x1a8: {  	[sflag:s21] =	ssyncset.done $0x0  }
0x1a9: {  	[sflag:s21] =	ssyncadd.s32 $0xFFFFF9C0  }
0x1aa: {  	_ =	swait.ge [sflag:s21], $0x640  }
0x1ab: {  	[sflag:s21] =	ssyncset.done $0x0  }
0x1ac: {  	[sflag:s21] =	ssyncadd.s32 $0xFFFFF9C0  }
0x1ad: {  	_ =	swait.ge [sflag:s21], $0x640  }
0x1ae: {  	[sflag:s21] =	ssyncset.done $0x0  }
0x1af: {  	[sflag:s21] =	ssyncadd.s32 $0xFFFFF9C0  }
0x1b0: {  	_ =	swait.ge [sflag:s21], $0x640  }
0x1b1: {  	[sflag:s21] =	ssyncset.done $0x0  }
0x1b2: {  	[sflag:s21] =	ssyncadd.s32 $0xFFFFF9C0  }
0x1b3: {  	_ =	swait.ge [sflag:s21], $0x640  }
0x1b4: {  	[sflag:s21] =	ssyncset.done $0x0  }
0x1b5: {  	[sflag:s21] =	ssyncadd.s32 $0xFFFFF9C0  }
0x1b6: {  	_ =	swait.ge [sflag:s21], $0x640  }
0x1b7: {  	[sflag:s21] =	ssyncset.done $0x0  }
0x1b8: {  	[sflag:s21] =	ssyncadd.s32 $0xFFFFF9C0  }
0x1b9: {  	_ =	swait.ge [sflag:s21], $0x640  }
0x1ba: {  	[sflag:s21] =	ssyncset.done $0x0  }
0x1bb: {  	[sflag:s21] =	ssyncadd.s32 $0xFFFFF9C0  }
0x1bc: {  	_ =	swait.ge [sflag:s21], $0x640  }
0x1bd: {  	[sflag:s21] =	ssyncset.done $0x0  }
0x1be: {  	[sflag:s21] =	ssyncadd.s32 $0xFFFFF9C0  }
0x1bf: {  	s25 =	sadd.s32 $0xE0, s25;
	_ =	swait.ge [sflag:s21], $0x640  }
0x1c0: {  	p0 =	sne.s32 s25, $0xE00;
	[sflag:s21] =	ssyncset.done $0x0  }
.Ltmp0:
0x1c1: {  	[sflag:s21] =	ssyncadd.s32 $0xFFFFF9C0;
	(pc) =	sbr.rel @p0 .LBB2_2-.Ltmp0, $4  }
0x1c2: {  	_ =	swait.ge [sflag:s21], $0x640  }
0x1c3: {  	[sflag:s21] =	ssyncset.done $0x0  }
0x1c4: {  	[sflag:s21] =	ssyncadd.s32 $0xFFFFF9C0  }
0x1c5: {  	s7 =	smov.u32 s24;
	_ =	swait.ge [sflag:s21], $0x640  }
0x1c6: {  	[sflag:s21] =	ssyncset.done $0x0  }
0x1c7: {  	[sflag:s21] =	ssyncadd.s32 $0xFFFFF9C0  }
0x1c8: {  	_ =	swait.ge [sflag:s21], $0x640  }
0x1c9: {  	[sflag:s21] =	ssyncset.done $0x0  }
0x1ca: {  	[sflag:s21] =	ssyncadd.s32 $0xFFFFF9C0  }
0x1cb: {  	_ =	swait.ge [sflag:s21], $0x640  }
0x1cc: {  	[sflag:s21] =	ssyncset.done $0x0  }
0x1cd: {  	[sflag:s21] =	ssyncadd.s32 $0xFFFFF9C0  }
0x1ce: {  	_ =	swait.ge [sflag:s21], $0x640  }
0x1cf: {  	[sflag:s21] =	ssyncset.done $0x0  }
0x1d0: {  	[sflag:s21] =	ssyncadd.s32 $0xFFFFF9C0  }
0x1d1: {  	_ =	swait.ge [sflag:s21], $0x640  }
0x1d2: {  	[sflag:s21] =	ssyncset.done $0x0  }
0x1d3: {  	s0 =	simm.s32 @!p1 $0x380;
	[sflag:s21] =	ssyncadd.s32 $0xFFFFF9C0  }
0x1d4: {  	[tilespmem:s0], [sflag:$0x1] =	stream.linear.gather @!p1 [hbm4b:s30+s28], $0x380, $0x38;
	[tilespmem:$0xCF00] =	vst v63  }
0x1d5: {  	s30 =	sadd.s32 $0xC80, s7  }
0x1d6: {  	[hbm4b:s30+s2] =	stream.linear.scatter [tilespmem:s20], [sflag:$0x3], $0x6400, $0x38;
	[tilespmem:$0xCF00] =	vst v63  }
0x1d7: {  	_ =	swait.ge [sflag:s22], $0x6400  }
0x1d8: {  	s31 =	sld [smem:$0x7FA];
	_ =	sdelay $0x1  }
0x1d9: {  	s23 =	sadd.s32 $0x1, s23  }
0x1da: {  	p0 =	sne.s32 s23, s31  }
.Ltmp1:
0x1db: {  	_ = 	snop;
	(pc) =	sbr.rel @p0 .LBB2_1-.Ltmp1, $3  }
0x1dc: {  	_ =	sdelay $0x1  }
0x1dd: {  	[sflag:s22] =	ssyncset.done $0x0  }
0x1de: {  	[sflag:s22] =	ssyncadd.s32 $0xFFFF9C00  }
0x1df: {  	_ =	sfence.sel $0x180000  }
0x1e0: {  	[bflag:$0x0] =	sbarrier.arrive $0xFFFF  }
0x1e1: {  	_ =	strace $0x90000047  }
0x1e2: {  	s0 =	stileid.u32;
	[bflag:$0x2] =	sbarrier.arrive $0xFFFF  }
0x1e3: {  	p0 =	sne.s32 s0, $0x0;
	s0 =	rddreg [dreg:$0x2]  }
0x1e4: {  	s0 =	sadd.s32 @!p0 $0x100000, s0  }
0x1e5: {  	[sflag:s0] =	ssyncadd.tile.s32 @!p0 $0x1;
	_ =	shalt  }
.Lfunc_end2:
_tile_overlayer_lowered:
.L_overlay_start_2:
0x1e6: {  	(tag) =	ssettag $0x2  }
0x1e7: {  	s0 =	rddreg [dreg:$0x0];
	s2 =	stileid.u32  }
0x1e8: {  	s1 =	rddreg [dreg:$0x1];
	p0 =	sne.s32 s2, $0x0  }
0x1e9: {  	s3 =	rddreg [dreg:$0x2];
	[bflag:$0x3] =	sbarrier.arrive $0xFFFF;
	s2 =	simm.s32 @!p0 $0x1C04  }
0x1ea: {  	[timem:s3], [sflag:s2] =	dma.local @!p0 [hbm:s0], s1  }
0x1eb: {  	s0 =	simm.s32 @!p0 $0x4  }
0x1ec: {  	_ =	swait.ge @!p0 [sflag:s0], s1  }
0x1ed: {  	s1 =	ssub.s32 @!p0 $0x0, s1;
	[sflag:s0] =	ssyncset.done @!p0 $0x0  }
0x1ee: {  	[sflag:s0] =	ssyncadd.s32 @!p0 s1  }
0x1ef: {  	[bflag:$0x3] =	sbarrier.arrive $0xFFFF  }
0x1f0: {  	_ =	shalt  }

// kernel: sparse-core-data-format-call.cloned.1.call-start
scs
called_computation_lowered:
.L_overlay_start_0:
0x0: {  	s2 =	sld [smem:$0x3FD9]  }
0x1: {  	s3 =	sld [smem:$0x3FFE];
	_ =	sdelay $0x1  }
0x2: {  	s1 =	srdreg.scid  }
0x3: {  	s0 =	sand.u32 $0x1, s1  }
0x4: {  	s18 =	sshll.u32 s0, $0xA;
	s2 =	sadd.s32 s3, s2  }
0x5: {  	s2 =	sadd.s32 s2, s18  }
0x6: {  	[smem:$0x3FC6] =	sst s2  }
0x7: {  	_ = 	snop  }
0x8: {  	s2 =	sld [smem:$0x3FD0];
	(tm) =	ssettm $0x1  }
0x9: {  	s19 =	sld [smem:$0x3FFB];
	_ =	sdelay $0x3  }
0xa: {  	_ =	strace s19  }
0xb: {  	s3 =	sld [smem:$0x3FFC];
	_ =	sdelay $0x3  }
0xc: {  	_ =	strace s3  }
0xd: {  	s3 =	sld [smem:$0x3FFD];
	_ =	sdelay $0x3  }
0xe: {  	_ =	strace s3  }
0xf: {  	_ =	strace $0x8FFFFFFF  }
0x10: {  	s20 =	sld [smem:$0x3FDB];
	_ =	sdelay $0x1  }
0x11: {  	s4 =	simm.s32 $_scs_section_size  }
0x12: {  	s5 =	simm.s32 $_size__tile_overlayer_lowered;
	s6 =	simm.s32 $_tile_overlayer_lowered  }
0x13: {  	s23 =	simm.s32 $0x1BFF;
	s22 =	sshll.u32 s6, $0x1;
	s3 =	sadd.s32 s4, s20  }
0x14: {  	s7 =	simm.s32 $0x0;
	s21 =	sshll.u32 s5, $0x1;
	s5 =	sadd.s32 s22, s3  }
0x15: {  	[timem:s7], [sflag:s23] =	dma.local [hbm:s5], s21  }
0x16: {  	_ =	swait.ge [sflag:s23], s21  }
0x17: {  	s4 =	ssub.s32 $0x0, s21;
	[sflag:s23] =	ssyncset.done $0x0  }
0x18: {  	[sflag:s23] =	ssyncadd.s32 s4;
	_ =	sdelay $0x1  }
0x19: {  	s24 =	simm.s32 $0x1B8B  }
0x1a: {  	_ =	swait.ge [sflag:s24], $0x1  }
0x1b: {  	[sflag:s24] =	ssyncset.done $0x0  }
0x1c: {  	s26 =	simm.s32 $0x1B8E;
	s25 =	sld [smem:$0x3FFE];
	[sflag:s24] =	ssyncadd.s32 $0xFFFFFFFF  }
0x1d: {  	s27 =	simm.s32 $execute0_lowered;
	[smem:$0x3FD2] =	sst s26  }
0x1e: {  	s5 =	sshll.u32 s27, $0x1;
	_ =	strace $0x80000049;
	[dreg:$0x1] =	wrdreg $0xFFFFFFFF  }
0x1f: {  	s28 =	simm.s32 $_size_execute0_lowered;
	s3 =	sadd.s32 s3, s5;
	[dreg:$0x0] =	wrdreg $0x0  }
0x20: {  	s5 =	sshll.u32 s28, $0x1;
	[dreg:$0x2] =	wrdreg s3  }
0x21: {  	[dreg:$0x3] =	wrdreg s5  }
0x22: {  	[dreg:$0x4] =	wrdreg $0xC0  }
0x23: {  	_ =	task [dreg:s7], $0x5FFFF  }
0x24: {  	[dreg:$0x1] =	wrdreg $0xFFFFFFFF  }
0x25: {  	[dreg:$0x0] =	wrdreg $0x60  }
0x26: {  	[dreg:$0x2] =	wrdreg s25  }
0x27: {  	[dreg:$0x3] =	wrdreg s2  }
0x28: {  	[dreg:$0x4] =	wrdreg $0x9  }
0x29: {  	_ =	task.clear_ibuf [dreg:s7], $0x5FFFF;
	_ =	strace $0x90000049  }
0x2a: {  	s29 =	simm.s32 $0x9;
	_ =	strace $0x8000004B  }
0x2b: {  	_ =	swait.ge [sflag:s29], $0x1  }
0x2c: {  	[sflag:s29] =	ssyncadd.s32 $0xFFFFFFFF  }
0x2d: {  	_ =	strace $0x9000004B  }
0x2e: {  	_ =	sfence  }
0x2f: {  	s30 =	sld [smem:$0x0];
	_ =	sdelay $0x2  }
0x30: {  	s31 =	sshll.u32 s1, $0xD;
	s1 =	sshrl.u32 s1, $0x2  }
0x31: {  	s3 =	sand.u32 $0x4000, s31;
	s1 =	sadd.s32 s1, s30  }
0x32: {  	s0 =	sor.u32 s3, s0;
	s1 =	sshll.u32 s1, $0x11  }
0x33: {  	s0 =	sor.u32 s1, s0  }
0x34: {  	s0 =	sadd.s32 $0x8F2B, s0  }
0x35: {  	[sflag:s0] =	ssyncadd.remote.s32 $0x1  }
0x36: {  	_ =	sfence.sel $0xFFFF  }
0x37: {  	[dreg:$0x0] =	wrdreg $0xFFFFFFFF;
	(pc) =	sbr.abs _section_cstart, $3  }
0x38: {  	[dreg:$0x1] =	wrdreg $0xFFFFFFFF  }
0x39: {  	_ =	task.clear_ibuf [dreg:s7], $0x2FFFF;
	_ =	strace $0x9FFFFFFF  }
0x3a: {  	(tm) =	ssettm $0x7FFFFFFF  }
0x3b: {  	_ =	shalt  }
tec
execute0_lowered:
.L_overlay_start_1:
0x0: {  	(tag) =	ssettag $0x1  }
0x1: {  	s0 =	srdreg.scid  }
0x2: {  	s1 =	sshll.u32 s0, $0x4  }
0x3: {  	s0 =	stileid.u32;
	s1 =	sand.u32 $0x10, s1  }
0x4: {  	s1 =	sor.u32 s0, s1  }
0x5: {  	s6 =	rddreg [dreg:$0x0];
	s4 =	simm.s32 $0x1;
	s2 =	sshll.u32 s1, $0x7  }
0x6: {  	s7 =	simm.s32 $0x2;
	s12 =	simm.s32 $0x0;
	s1 =	ssub.s32 $0x4000, s2  }
0x7: {  	s8 =	simm.s32 $0x20000;
	s13 =	simm.s32 $0x0;
	s3 =	sand.u32 $0xF80, s1  }
0x8: {  	s9 =	simm.s32 $0x0;
	s5 =	sshrl.u32 s1, $0xC;
	p0 =	sne.s32 s3, $0x0  }
.Ltmp0:
0x9: {  	s1 =	rddreg [dreg:$0x2];
	s4 =	simm.s32 @!p0 $0x0;
	(pc) =	sbr.rel .LBB1_1-.Ltmp0, $4  }
0xa: {  	s11 =	simm.s32 $0x0;
	s3 =	rddreg [dreg:$0x1];
	s5 =	sadd.s32 s4, s5  }
0xb: {  	_ =	strace $0x8000004A;
	s4 =	simm.s32 $0x1;
	s5 =	smul.u32 $0x32, s5  }
0xc: {  	s6 =	sadd.s32 $0xA00, s6;
	s10 =	smov.u32 s2;
	[sflag:s4] =	ssyncpa.u1 $0x0  }
0xd: {  	p0 =	por $0x0, $0x0;
	[sflag:s7] =	ssyncpa.u1 $0x0;
	s7 =	sor.u32 $0x1, s5  }
.LBB1_4:
0xe: {  	s16 =	sshll.u32 s13, $0x3;
	s17 =	sand.u32 $0x78, s13  }
0xf: {  	s30 =	sand.u32 $0xF800, s13;
	s12 =	sshll.u32 s12, $0x10;
	s16 =	sand.u32 $0x3C00, s16  }
0x10: {  	s31 =	sand.u32 $0x7, s13;
	s16 =	sor.u32 s17, s16;
	s17 =	sadd.s32 s3, s30  }
0x11: {  	s13 =	sshll.u32 s31, $0x12;
	s16 =	sshrl.u32 s16, $0x3;
	s12 =	sadd.s32 s12, s17  }
0x12: {  	[tilespmem:s15+$0x0 ss:$0x81] =	vst.msk $0xffff, v0;
	s13 =	sor.u32 $0x400, s13;
	s12 =	sadd.s32 s16, s12  }
0x13: {  	[hbm4b:s12+s13] =	stream.strided.scatter [tilespmem:s14], [sflag:$0x2], $0x1000, s8, s13, $0x20;
	[tilespmem:$0x4040] =	vst v63  }
.LBB1_5:
0x14: {  	s14 =	sadd.s32 $0x1, s9  }
0x15: {  	s12 =	sadd.s32 $0x1000, s10;
	s16 =	smov.u32 s10;
	p2 =	sgt.s32 s14, $0x31  }
0x16: {  	s16 =	smov.u32 @p2 s12  }
0x17: {  	s14 =	simm.s32 @p2 $0x0;
	p2 =	sgt.s32 s16, $0x3FFF  }
0x18: {  	s16 =	smov.u32 @p2 s2;
	p2 =	sne.s32 s11, s7  }
.Ltmp1:
0x19: {  	p1 =	slt.u32 s11, $0x2;
	(pc) =	sbr.rel @!p2 .LBB1_6-.Ltmp1, $4  }
0x1a: {  	s15 =	simm.s32 @!p1 $0x2  }
0x1b: {  	s13 =	smov.u32 s10;
	p0 =	por !p0, !p0;
	_ =	swait.ge @!p1 [sflag:s15], $0x1000  }
0x1c: {  	s12 =	smov.u32 s9;
	[sflag:s15] =	ssyncset.done @!p1 $0x0;
	s9 =	smov.u32 s14  }
0x1d: {  	s11 =	sadd.s32 $0x1, s11;
	[sflag:s15] =	ssyncadd.s32 @!p1 $0xFFFFF000;
	s10 =	smov.u32 s16  }
.LBB1_1:
0x1e: {  	p1 =	sge.u32 s11, s5  }
0x1f: {  	s14 =	sand.u32 @!p1 $0x1FFFFFF, s9  }
0x20: {  	s15 =	smulhi.u32 @!p1 $0x4924925, s14;
	_ =	sdelay $0x1  }
0x21: {  	s15 =	smul.u32 @!p1 $0x38, s15  }
0x22: {  	s16 =	sxor.u32 @!p1 $0xFFFFFFFF, s11;
	s17 =	smul.u32 @!p1 $0x380, s10  }
0x23: {  	s31 =	sadd.s32 $0xFFFFFFFF, s11;
	s16 =	sshll.u32 @!p1 s16, $0xC;
	s14 =	ssub.s32 @!p1 s14, s15  }
0x24: {  	s15 =	sand.u32 @!p1 $0x1000, s16;
	s16 =	sadd.s32 @!p1 s6, s17;
	s14 =	sshll.u32 @!p1 s14, $0x4  }
0x25: {  	s17 =	simm.s32 @!p1 $0x1C00;
	s14 =	sadd.s32 @!p1 s14, s16;
	s16 =	simm.s32 @!p1 $0x20  }
0x26: {  	[tilespmem:s15], [sflag:$0x1] =	stream.strided.gather @!p1 [hbm4b:s14+s16], $0x1000, s17, s16, $0x38;
	[tilespmem:$0x4040] =	vst v63  }
0x27: {  	p1 =	sge.u32 s31, s5  }
.Ltmp2:
0x28: {  	_ = 	snop;
	(pc) =	sbr.rel @p1 .LBB1_5-.Ltmp2, $1  }
0x29: {  	_ =	sdelay $0x3  }
0x2a: {  	s14 =	simm.s32 $0x1  }
0x2b: {  	_ =	swait.ge [sflag:s4], $0x1000;
	s14 =	simm.s32 @!p0 $0x0  }
0x2c: {  	[sflag:s4] =	ssyncset.done $0x0;
	s15 =	sshll.u32 s14, $0xC  }
0x2d: {  	[sflag:s4] =	ssyncadd.s32 $0xFFFFF000;
	s18 =	sor.u32 $0x10, s15  }
0x2e: {  	s14 =	smul.u32 $0x4080, s14;
	v1 =	vld [tilespmem:s18+$0x0]  }
0x2f: {  	s30 =	sand.u32 $0x1, s11;
	v0 =	vld [tilespmem:s18+$0xFFFFFFF0]  }
0x30: {  	s15 =	smul.u32 $0x4080, s30;
	s14 =	sshrl.u32 s14, $0x2  }
0x31: {  	s16 =	sor.u32 $0x2000, s14  }
0x32: {  	s31 =	sshrl.u32 s15, $0x2;
	s15 =	sadd.s32 $0x0, s16  }
0x33: {  	s17 =	simm.s32 $0x4;
	s18 =	sadd.s32 $0x20, s18;
	s14 =	sor.u32 $0x2000, s31;
	[tilespmem:s15+$0x810 ss:$0x81] =	vst.msk $0xffff, v1  }
.LBB1_3:
0x34: {  	v1 =	vld [tilespmem:s18+$0x0];
	p1 =	sne.s32 s17, $0x1FC;
	[tilespmem:s15+$0x0 ss:$0x81] =	vst.msk $0xffff, v0;
	s15 =	smov.u32 s17;
	s17 =	sadd.s32 $0x4, s17  }
.Ltmp3:
0x35: {  	v0 =	vld [tilespmem:s18+$0xFFFFFFF0];
	(pc) =	sbr.rel @p1 .LBB1_3-.Ltmp3, $4  }
0x36: {  	_ = 	snop  }
0x37: {  	s15 =	sshra.s32 s15, $0x2  }
0x38: {  	s15 =	sadd.s32 s15, s16  }
0x39: {  	s18 =	sadd.s32 $0x20, s18;
	[tilespmem:s15+$0x810 ss:$0x81] =	vst.msk $0xffff, v1  }
.Ltmp4:
0x3a: {  	_ = 	snop;
	(pc) =	sbr.rel .LBB1_4-.Ltmp4, $1  }
0x3b: {  	_ =	sdelay $0x3  }
.LBB1_6:
0x3c: {  	_ =	sfence.sel $0x180000  }
0x3d: {  	s2 =	simm.s32 $0x1;
	[bflag:$0x0] =	sbarrier.arrive $0xFFFF  }
0x3e: {  	s31 =	simm.s32 $0x2;
	[sflag:s2] =	ssyncpa.u1 $0x1  }
0x3f: {  	[sflag:s31] =	ssyncpa.u1 $0x1  }
0x40: {  	p0 =	sne.s32 s0, $0x0;
	_ =	strace $0x9000004A  }
0x41: {  	s0 =	sadd.s32 @!p0 $0x100000, s1;
	[bflag:$0x2] =	sbarrier.arrive $0xFFFF  }
0x42: {  	[sflag:s0] =	ssyncadd.tile.s32 @!p0 $0x1;
	_ =	shalt  }
.Lfunc_end1:
_tile_overlayer_lowered:
.L_overlay_start_2:
0x43: {  	(tag) =	ssettag $0x2  }
0x44: {  	s0 =	rddreg [dreg:$0x0];
	s2 =	stileid.u32  }
0x45: {  	s1 =	rddreg [dreg:$0x1];
	p0 =	sne.s32 s2, $0x0  }
0x46: {  	s3 =	rddreg [dreg:$0x2];
	[bflag:$0x3] =	sbarrier.arrive $0xFFFF;
	s2 =	simm.s32 @!p0 $0x1C01  }
0x47: {  	[timem:s3], [sflag:s2] =	dma.local @!p0 [hbm:s0], s1  }
0x48: {  	s0 =	simm.s32 @!p0 $0x1  }
0x49: {  	_ =	swait.ge @!p0 [sflag:s0], s1  }
0x4a: {  	s1 =	ssub.s32 @!p0 $0x0, s1;
	[sflag:s0] =	ssyncset.done @!p0 $0x0  }
0x4b: {  	[sflag:s0] =	ssyncadd.s32 @!p0 s1  }
0x4c: {  	[bflag:$0x3] =	sbarrier.arrive $0xFFFF  }
0x4d: {  	_ =	shalt  }

</sc_bundles>
